<compile_context>
chip_gen: v7x
topology: tpu7x:2x2x1
jax: 0.10.2.dev20260603
libtpu: 0.0.44.dev20260713+nightly
codegen_flags: <defaults>
</compile_context>

<pallas_src>
import functools

import jax
import jax.numpy as jnp
from jax import lax
from jax.experimental import pallas as pl
from jax.experimental.pallas import tpu as pltpu
from jax.experimental.pallas import tpu_sc as plsc

_K = 128
_NBUF = 3


def _mesh():
    return plsc.VectorSubcoreMesh(core_axis_name="c", subcore_axis_name="s")


def _nchunks(e):
    c = -(-e // (32 * _K))
    return -(-c // _NBUF) * _NBUF


@functools.lru_cache(maxsize=None)
def _deg_kernel(n, e):
    nc = _nchunks(e)
    lpw = n // 16

    @functools.partial(
        pl.kernel,
        out_type=jax.ShapeDtypeStruct((2 * n,), jnp.float32),
        mesh=_mesh(),
        compiler_params=pltpu.CompilerParams(needs_layout_passes=False),
        scratch_types=[
            [pltpu.VMEM((2, _K), jnp.int32) for _ in range(_NBUF)],
            pltpu.VMEM((n,), jnp.float32),
            pltpu.VMEM((lpw,), jnp.float32),
            pltpu.VMEM((lpw,), jnp.float32),
            pltpu.VMEM_SHARED((16 * n,), jnp.float32),
            [pltpu.SemaphoreType.DMA for _ in range(_NBUF)],
        ],
    )
    def k(sd_hbm, zer_hbm, degp_hbm, sd, dgrid, tmp, red, sacc, si):
        cid = lax.axis_index("c")
        sid = lax.axis_index("s")
        w = cid * 16 + sid
        pltpu.sync_copy(zer_hbm, dgrid)

        def i_start(c, j):
            pltpu.async_copy(sd_hbm.at[w * nc + c], sd[j], si[j])

        def i_wait(j):
            pltpu.make_async_copy(sd_hbm.at[0], sd[j], si[j]).wait()

        for j in range(_NBUF):
            i_start(j, j)
        ones16 = jnp.ones((16,), jnp.float32)

        def body(i, carry):
            c0 = _NBUF * i
            for j in range(_NBUF):
                i_wait(j)
                for m in range(_K // 16):
                    dstv = sd[j][1, pl.ds(m * 16, 16)]
                    plsc.addupdate_scatter(dgrid, [dstv], ones16)

                @pl.when(i + 1 < nc // _NBUF)
                def _(j=j):
                    i_start(c0 + _NBUF + j, j)

            return carry

        lax.fori_loop(0, nc // _NBUF, body, 0)
        pltpu.sync_copy(dgrid, sacc.at[pl.ds(sid * n, n)])
        plsc.subcore_barrier()
        pltpu.sync_copy(sacc.at[pl.ds(sid * lpw, lpw)], red)

        def rbody(p, carry):
            pltpu.sync_copy(sacc.at[pl.ds(p * n + sid * lpw, lpw)], tmp)
            for t in range(lpw // 16):
                s = pl.ds(t * 16, 16)
                red[s] = red[s] + tmp[s]
            return carry

        lax.fori_loop(1, 16, rbody, 0)
        pltpu.sync_copy(red, degp_hbm.at[pl.ds(cid * n + sid * lpw, lpw)])

    return k


@functools.lru_cache(maxsize=None)
def _edge_kernel(n, e, d):
    nc = _nchunks(e)
    rpw = n // 16

    @functools.partial(
        pl.kernel,
        out_type=jax.ShapeDtypeStruct((2 * n, d), jnp.float32),
        mesh=_mesh(),
        scratch_types=[
            [pltpu.VMEM((2, _K), jnp.int32) for _ in range(_NBUF)],
            [pltpu.VMEM((_K, d), jnp.float32) for _ in range(_NBUF)],
            pltpu.VMEM_SHARED((n, d), jnp.float32),
            [pltpu.SemaphoreType.DMA for _ in range(_NBUF)],
            [pltpu.SemaphoreType.DMA for _ in range(_NBUF)],
            [pltpu.SemaphoreType.DMA for _ in range(_NBUF)],
        ],
    )
    def k(t_hbm, sd_hbm, zer_hbm, acc_hbm,
          sd, rows, acc, si, sg, ss):
        cid = lax.axis_index("c")
        sid = lax.axis_index("s")
        w = cid * 16 + sid
        r0 = sid * rpw

        @pl.when(cid == 0)
        def _():
            pltpu.sync_copy(t_hbm.at[pl.ds(r0, rpw)], acc.at[pl.ds(r0, rpw)])

        @pl.when(cid != 0)
        def _():
            pltpu.sync_copy(zer_hbm.at[pl.ds(r0, rpw)], acc.at[pl.ds(r0, rpw)])

        def i_start(c, j):
            pltpu.async_copy(sd_hbm.at[w * nc + c], sd[j], si[j])

        def i_wait(j):
            pltpu.make_async_copy(sd_hbm.at[0], sd[j], si[j]).wait()

        def g_start(j):
            pltpu.async_copy(t_hbm.at[sd[j].at[0]], rows[j], sg[j])

        def g_wait(j):
            pltpu.make_async_copy(t_hbm.at[sd[j].at[0]], rows[j], sg[j]).wait()

        def s_start(j):
            pltpu.async_copy(rows[j], acc.at[sd[j].at[1]], ss[j], add=True)

        def s_wait(j):
            pltpu.make_async_copy(rows[j], acc.at[sd[j].at[1]], ss[j]).wait()

        for j in range(_NBUF):
            i_start(j, j)
        plsc.subcore_barrier()
        for j in range(_NBUF):
            i_wait(j)
            g_start(j)

        def body(i, carry):
            c0 = _NBUF * i
            for j in range(_NBUF):
                g_wait(j)
                s_start(j)
            for j in range(_NBUF):
                s_wait(j)

                @pl.when(i + 1 < nc // _NBUF)
                def _(j=j):
                    i_start(c0 + _NBUF + j, j)
                    i_wait(j)
                    g_start(j)

            return carry

        lax.fori_loop(0, nc // _NBUF, body, 0)
        plsc.subcore_barrier()
        pltpu.sync_copy(acc.at[pl.ds(r0, rpw)],
                        acc_hbm.at[pl.ds(cid * n + r0, rpw)])

    return k


def _prep_body(degp_ref, x_ref, t1_ref):
    deg = degp_ref[0] + degp_ref[1] + 1.0
    dinv = lax.rsqrt(deg)
    t1_ref[...] = x_ref[...] * jnp.broadcast_to(dinv, x_ref.shape)


@functools.lru_cache(maxsize=None)
def _prep_kernel(n, d, blk):
    grid = n // blk
    return pl.pallas_call(
        _prep_body,
        grid=(grid,),
        in_specs=[
            pl.BlockSpec((2, blk, 1), lambda i: (0, i, 0)),
            pl.BlockSpec((blk, d), lambda i: (i, 0)),
        ],
        out_specs=pl.BlockSpec((blk, d), lambda i: (i, 0)),
        out_shape=jax.ShapeDtypeStruct((n, d), jnp.float32),
    )


def _layer_body(acc_ref, degp_ref, w_ref, b_ref, out_ref, *, mid):
    deg = degp_ref[0] + degp_ref[1] + 1.0
    dinvr = jnp.broadcast_to(lax.rsqrt(deg), out_ref.shape)
    a = (acc_ref[0] + acc_ref[1]) * dinvr
    h = jnp.dot(a, w_ref[...], preferred_element_type=jnp.float32) + b_ref[...]
    if mid:
        h = jnp.maximum(h, 0.0) * dinvr
    out_ref[...] = h


@functools.lru_cache(maxsize=None)
def _layer_kernel(n, d, blk, mid):
    grid = n // blk
    return pl.pallas_call(
        functools.partial(_layer_body, mid=mid),
        grid=(grid,),
        in_specs=[
            pl.BlockSpec((2, blk, d), lambda i: (0, i, 0)),
            pl.BlockSpec((2, blk, 1), lambda i: (0, i, 0)),
            pl.BlockSpec((d, d), lambda i: (0, 0)),
            pl.BlockSpec((1, d), lambda i: (0, 0)),
        ],
        out_specs=pl.BlockSpec((blk, d), lambda i: (i, 0)),
        out_shape=jax.ShapeDtypeStruct((n, d), jnp.float32),
    )


def kernel(x, edge_index, W1, b1, W2, b2):
    n, d = x.shape
    e = edge_index.shape[1]
    np_ = ((n + 128) // 128) * 128
    npr = ((n + 256) // 256) * 256
    x_p = jnp.pad(x, ((0, np_ - n), (0, 0)))
    nc = _nchunks(e)
    ep = 32 * nc * _K
    pad_idx = n + (jnp.arange(ep - e, dtype=edge_index.dtype) % (np_ - n))
    ei = jnp.concatenate([edge_index, jnp.tile(pad_idx, (2, 1))], axis=1)
    sd = jnp.transpose(ei.reshape(2, 32 * nc, _K), (1, 0, 2))
    zern = jnp.zeros((npr,), jnp.float32)
    zerd = jnp.zeros((np_, d), jnp.float32)
    blk = np_ // 16

    degp = _deg_kernel(npr, e)(sd, zern).reshape(2, npr, 1)[:, :np_]
    t1 = _prep_kernel(np_, d, blk)(degp, x_p)
    acc1 = _edge_kernel(np_, e, d)(t1, sd, zerd).reshape(2, np_, d)
    t2 = _layer_kernel(np_, d, blk, True)(acc1, degp, W1, b1.reshape(1, d))
    acc2 = _edge_kernel(np_, e, d)(t2, sd, zerd).reshape(2, np_, d)
    out = _layer_kernel(np_, d, blk, False)(acc2, degp, W2, b2.reshape(1, d))
    return out[:n]

# --- scband reference (transcript-rebuilt; emitter-appended) ---
"""Pipeline reference for scband-gcn2-layers-4329327034972 (READ-ONLY COPY).

The authoritative reference and input builder live on the scoring server;
editing this copy changes nothing except your own understanding.
"""

import jax, jax.numpy as jnp
import numpy as np

N = 10000
E = 320000
D_IN = 128
D_HID = 128
D_OUT = 128


def gcn_conv(x, edge_index, W, b):
    n = x.shape[0]
    loop = jnp.arange(n, dtype=edge_index.dtype)
    src = jnp.concatenate([edge_index[0], loop])
    dst = jnp.concatenate([edge_index[1], loop])
    h = x @ W
    ones = jnp.ones(src.shape[0], dtype=h.dtype)
    deg = jnp.zeros(n, dtype=h.dtype).at[dst].add(ones)
    dinv = jax.lax.rsqrt(jnp.maximum(deg, 1.0))
    norm = dinv[src] * dinv[dst]
    msg = h[src] * norm[:, None]
    out = jnp.zeros((n, h.shape[1]), dtype=h.dtype).at[dst].add(msg)
    return out + b


def setup_inputs(seed: int = 0) -> dict:
    key = jax.random.key(seed)
    k1, k2, k3, k4, k5, k6 = jax.random.split(key, 6)
    x = jax.random.normal(k1, (N, D_IN), dtype=jnp.float32)
    edge_index = jax.random.randint(k2, (2, E), 0, N, dtype=jnp.int32)
    s1 = np.sqrt(6.0 / (D_IN + D_HID)).astype(np.float32)
    s2 = np.sqrt(6.0 / (D_HID + D_OUT)).astype(np.float32)
    W1 = jax.random.uniform(k3, (D_IN, D_HID), dtype=jnp.float32, minval=-s1, maxval=s1)
    b1 = jnp.zeros((D_HID,), dtype=jnp.float32)
    W2 = jax.random.uniform(k4, (D_HID, D_OUT), dtype=jnp.float32, minval=-s2, maxval=s2)
    b2 = jnp.zeros((D_OUT,), dtype=jnp.float32)
    return {"x": x, "edge_index": edge_index, "W1": W1, "b1": b1, "W2": W2, "b2": b2}


def reference(x, edge_index, W1, b1, W2, b2):
    # conv1 -> relu -> dropout(eval: identity) -> conv2
    h = gcn_conv(x, edge_index, W1, b1)
    h = jax.nn.relu(h)
    out = gcn_conv(h, edge_index, W2, b2)
    return out

if __name__ == "__main__":
    import jax
    _d = setup_inputs()
    print(jax.jit(kernel)(*tuple(_d.values())))

</pallas_src>

<mosaic_0001>
#map = affine_map<(d0, d1) -> (0, 0)>
#map1 = affine_map<(d0, d1) -> (0, 0, 0)>
module attributes {stable_mosaic.version = 14 : i64} {
  func.func @k(%arg0: i32, %arg1: i32, %arg2: memref<10112x128xf32, #tpu.memory_space<hbm>>, %arg3: memref<2592x2x128xi32, #tpu.memory_space<hbm>>, %arg4: memref<10112x128xf32, #tpu.memory_space<hbm>>, %arg5: memref<20224x128xf32, #tpu.memory_space<hbm>>, %arg6: memref<2x128xi32, #tpu.memory_space<vmem>>, %arg7: memref<2x128xi32, #tpu.memory_space<vmem>>, %arg8: memref<2x128xi32, #tpu.memory_space<vmem>>, %arg9: memref<128x128xf32, #tpu.memory_space<vmem>>, %arg10: memref<128x128xf32, #tpu.memory_space<vmem>>, %arg11: memref<128x128xf32, #tpu.memory_space<vmem>>, %arg12: memref<10112x128xf32, #tpu.memory_space<vmem_shared>>, %arg13: memref<!tpu.dma_semaphore, #tpu.memory_space<semaphore_mem>>, %arg14: memref<!tpu.dma_semaphore, #tpu.memory_space<semaphore_mem>>, %arg15: memref<!tpu.dma_semaphore, #tpu.memory_space<semaphore_mem>>, %arg16: memref<!tpu.dma_semaphore, #tpu.memory_space<semaphore_mem>>, %arg17: memref<!tpu.dma_semaphore, #tpu.memory_space<semaphore_mem>>, %arg18: memref<!tpu.dma_semaphore, #tpu.memory_space<semaphore_mem>>, %arg19: memref<!tpu.dma_semaphore, #tpu.memory_space<semaphore_mem>>, %arg20: memref<!tpu.dma_semaphore, #tpu.memory_space<semaphore_mem>>, %arg21: memref<!tpu.dma_semaphore, #tpu.memory_space<semaphore_mem>>) attributes {dimension_semantics = [#tpu.dimension_semantics<core_parallel>, #tpu.dimension_semantics<subcore_parallel>], iteration_bounds = array<i64: 2, 16>, scalar_prefetch = 0 : i64, scratch_operands = 16 : i64, tpu.core_type = #tpu.core_type<sc_vector_subcore>, window_params = [{transform_indices = #map}, {transform_indices = #map1}, {transform_indices = #map}, {transform_indices = #map}]} {
    %mul3A = arith.constant 16 : i32
    %mul3A_0 = arith.muli %arg0, %mul3A : i32
    %add3A = arith.addi %mul3A_0, %arg1 : i32
    %mul3A_1 = arith.constant 632 : i32
    %mul3A_2 = arith.muli %arg1, %mul3A_1 : i32
    %eq3A = arith.constant 0 : i32
    %eq3A_3 = arith.cmpi eq, %arg0, %eq3A : i32
    %convert_element_type3A = arith.extui %eq3A_3 : i1 to i32
    %cond3A = arith.constant 0 : i32
    %cond3A_4 = arith.cmpi ne, %convert_element_type3A, %cond3A : i32
    scf.if %cond3A_4 {
      "tpu.region"() ({
        %run_scoped3A = tpu.sem_alloc : memref<!tpu.dma_semaphore, #tpu.memory_space<semaphore_mem>>
        %dma_start3A_100 = arith.constant 0 : i32
        %dma_start3A_101 = tpu.memref_slice %arg12[%mul3A_2, %dma_start3A_100] : memref<10112x128xf32, #tpu.memory_space<vmem_shared>> -> memref<632x128xf32, #tpu.memory_space<vmem_shared>>
        %dma_start3A_102 = arith.constant 0 : i32
        %dma_start3A_103 = tpu.memref_slice %arg2[%mul3A_2, %dma_start3A_102] : memref<10112x128xf32, #tpu.memory_space<hbm>> -> memref<632x128xf32, #tpu.memory_space<hbm>>
        tpu.enqueue_dma source(%dma_start3A_103 : memref<632x128xf32, #tpu.memory_space<hbm>>) target(%dma_start3A_101 : memref<632x128xf32, #tpu.memory_space<vmem_shared>>) target_semaphore(%run_scoped3A : memref<!tpu.dma_semaphore, #tpu.memory_space<semaphore_mem>>)
        %dma_wait3A_104 = arith.constant 0 : i32
        %dma_wait3A_105 = tpu.memref_slice %arg12[%mul3A_2, %dma_wait3A_104] : memref<10112x128xf32, #tpu.memory_space<vmem_shared>> -> memref<632x128xf32, #tpu.memory_space<vmem_shared>>
        %dma_wait3A_106 = arith.constant 0 : i32
        %dma_wait3A_107 = tpu.memref_slice %arg2[%mul3A_2, %dma_wait3A_106] : memref<10112x128xf32, #tpu.memory_space<hbm>> -> memref<632x128xf32, #tpu.memory_space<hbm>>
        tpu.wait_dma2 semaphore(%run_scoped3A : memref<!tpu.dma_semaphore, #tpu.memory_space<semaphore_mem>>) src(%dma_wait3A_107 : memref<632x128xf32, #tpu.memory_space<hbm>>) dst(%dma_wait3A_105 : memref<632x128xf32, #tpu.memory_space<vmem_shared>>)
        tpu.yield
      }) : () -> ()
    } else {
    }
    %ne3A = arith.constant 0 : i32
    %ne3A_5 = arith.cmpi ne, %arg0, %ne3A : i32
    %convert_element_type3A_6 = arith.extui %ne3A_5 : i1 to i32
    %cond3A_7 = arith.constant 0 : i32
    %cond3A_8 = arith.cmpi ne, %convert_element_type3A_6, %cond3A_7 : i32
    scf.if %cond3A_8 {
      "tpu.region"() ({
        %run_scoped3A = tpu.sem_alloc : memref<!tpu.dma_semaphore, #tpu.memory_space<semaphore_mem>>
        %dma_start3A_100 = arith.constant 0 : i32
        %dma_start3A_101 = tpu.memref_slice %arg12[%mul3A_2, %dma_start3A_100] : memref<10112x128xf32, #tpu.memory_space<vmem_shared>> -> memref<632x128xf32, #tpu.memory_space<vmem_shared>>
        %dma_start3A_102 = arith.constant 0 : i32
        %dma_start3A_103 = tpu.memref_slice %arg4[%mul3A_2, %dma_start3A_102] : memref<10112x128xf32, #tpu.memory_space<hbm>> -> memref<632x128xf32, #tpu.memory_space<hbm>>
        tpu.enqueue_dma source(%dma_start3A_103 : memref<632x128xf32, #tpu.memory_space<hbm>>) target(%dma_start3A_101 : memref<632x128xf32, #tpu.memory_space<vmem_shared>>) target_semaphore(%run_scoped3A : memref<!tpu.dma_semaphore, #tpu.memory_space<semaphore_mem>>)
        %dma_wait3A_104 = arith.constant 0 : i32
        %dma_wait3A_105 = tpu.memref_slice %arg12[%mul3A_2, %dma_wait3A_104] : memref<10112x128xf32, #tpu.memory_space<vmem_shared>> -> memref<632x128xf32, #tpu.memory_space<vmem_shared>>
        %dma_wait3A_106 = arith.constant 0 : i32
        %dma_wait3A_107 = tpu.memref_slice %arg4[%mul3A_2, %dma_wait3A_106] : memref<10112x128xf32, #tpu.memory_space<hbm>> -> memref<632x128xf32, #tpu.memory_space<hbm>>
        tpu.wait_dma2 semaphore(%run_scoped3A : memref<!tpu.dma_semaphore, #tpu.memory_space<semaphore_mem>>) src(%dma_wait3A_107 : memref<632x128xf32, #tpu.memory_space<hbm>>) dst(%dma_wait3A_105 : memref<632x128xf32, #tpu.memory_space<vmem_shared>>)
        tpu.yield
      }) : () -> ()
    } else {
    }
    %mul3A_9 = arith.constant 81 : i32
    %mul3A_10 = arith.muli %add3A, %mul3A_9 : i32
    %add3A_11 = arith.constant 0 : i32
    %add3A_12 = arith.addi %mul3A_10, %add3A_11 : i32
    %dma_start3A = arith.constant 0 : i32
    %dma_start3A_13 = arith.constant 0 : i32
    %dma_start3A_14 = tpu.memref_slice %arg3[%add3A_12, %dma_start3A, %dma_start3A_13] : memref<2592x2x128xi32, #tpu.memory_space<hbm>> -> memref<1x2x128xi32, #tpu.memory_space<hbm>>
    %dma_start3A_15 = tpu.memref_squeeze %dma_start3A_14 : memref<1x2x128xi32, #tpu.memory_space<hbm>> -> memref<2x128xi32, #tpu.memory_space<hbm>>
    %dma_start3A_16 = arith.constant 0 : i32
    %dma_start3A_17 = arith.constant 0 : i32
    %dma_start3A_18 = tpu.memref_slice %arg3[%add3A_12, %dma_start3A_16, %dma_start3A_17] : memref<2592x2x128xi32, #tpu.memory_space<hbm>> -> memref<1x2x128xi32, #tpu.memory_space<hbm>>
    %dma_start3A_19 = tpu.memref_squeeze %dma_start3A_18 : memref<1x2x128xi32, #tpu.memory_space<hbm>> -> memref<2x128xi32, #tpu.memory_space<hbm>>
    tpu.enqueue_dma source(%dma_start3A_19 : memref<2x128xi32, #tpu.memory_space<hbm>>) target(%arg6 : memref<2x128xi32, #tpu.memory_space<vmem>>) target_semaphore(%arg13 : memref<!tpu.dma_semaphore, #tpu.memory_space<semaphore_mem>>)
    %mul3A_20 = arith.constant 81 : i32
    %mul3A_21 = arith.muli %add3A, %mul3A_20 : i32
    %add3A_22 = arith.constant 1 : i32
    %add3A_23 = arith.addi %mul3A_21, %add3A_22 : i32
    %dma_start3A_24 = arith.constant 0 : i32
    %dma_start3A_25 = arith.constant 0 : i32
    %dma_start3A_26 = tpu.memref_slice %arg3[%add3A_23, %dma_start3A_24, %dma_start3A_25] : memref<2592x2x128xi32, #tpu.memory_space<hbm>> -> memref<1x2x128xi32, #tpu.memory_space<hbm>>
    %dma_start3A_27 = tpu.memref_squeeze %dma_start3A_26 : memref<1x2x128xi32, #tpu.memory_space<hbm>> -> memref<2x128xi32, #tpu.memory_space<hbm>>
    %dma_start3A_28 = arith.constant 0 : i32
    %dma_start3A_29 = arith.constant 0 : i32
    %dma_start3A_30 = tpu.memref_slice %arg3[%add3A_23, %dma_start3A_28, %dma_start3A_29] : memref<2592x2x128xi32, #tpu.memory_space<hbm>> -> memref<1x2x128xi32, #tpu.memory_space<hbm>>
    %dma_start3A_31 = tpu.memref_squeeze %dma_start3A_30 : memref<1x2x128xi32, #tpu.memory_space<hbm>> -> memref<2x128xi32, #tpu.memory_space<hbm>>
    tpu.enqueue_dma source(%dma_start3A_31 : memref<2x128xi32, #tpu.memory_space<hbm>>) target(%arg7 : memref<2x128xi32, #tpu.memory_space<vmem>>) target_semaphore(%arg14 : memref<!tpu.dma_semaphore, #tpu.memory_space<semaphore_mem>>)
    %mul3A_32 = arith.constant 81 : i32
    %mul3A_33 = arith.muli %add3A, %mul3A_32 : i32
    %add3A_34 = arith.constant 2 : i32
    %add3A_35 = arith.addi %mul3A_33, %add3A_34 : i32
    %dma_start3A_36 = arith.constant 0 : i32
    %dma_start3A_37 = arith.constant 0 : i32
    %dma_start3A_38 = tpu.memref_slice %arg3[%add3A_35, %dma_start3A_36, %dma_start3A_37] : memref<2592x2x128xi32, #tpu.memory_space<hbm>> -> memref<1x2x128xi32, #tpu.memory_space<hbm>>
    %dma_start3A_39 = tpu.memref_squeeze %dma_start3A_38 : memref<1x2x128xi32, #tpu.memory_space<hbm>> -> memref<2x128xi32, #tpu.memory_space<hbm>>
    %dma_start3A_40 = arith.constant 0 : i32
    %dma_start3A_41 = arith.constant 0 : i32
    %dma_start3A_42 = tpu.memref_slice %arg3[%add3A_35, %dma_start3A_40, %dma_start3A_41] : memref<2592x2x128xi32, #tpu.memory_space<hbm>> -> memref<1x2x128xi32, #tpu.memory_space<hbm>>
    %dma_start3A_43 = tpu.memref_squeeze %dma_start3A_42 : memref<1x2x128xi32, #tpu.memory_space<hbm>> -> memref<2x128xi32, #tpu.memory_space<hbm>>
    tpu.enqueue_dma source(%dma_start3A_43 : memref<2x128xi32, #tpu.memory_space<hbm>>) target(%arg8 : memref<2x128xi32, #tpu.memory_space<vmem>>) target_semaphore(%arg15 : memref<!tpu.dma_semaphore, #tpu.memory_space<semaphore_mem>>)
    %barrier3A = arith.constant 0 : index
    tpu.barrier barrier_id(%barrier3A)
    %dma_wait3A = arith.constant 0 : i32
    %dma_wait3A_44 = arith.constant 0 : i32
    %dma_wait3A_45 = arith.constant 0 : i32
    %dma_wait3A_46 = tpu.memref_slice %arg3[%dma_wait3A, %dma_wait3A_44, %dma_wait3A_45] : memref<2592x2x128xi32, #tpu.memory_space<hbm>> -> memref<1x2x128xi32, #tpu.memory_space<hbm>>
    %dma_wait3A_47 = tpu.memref_squeeze %dma_wait3A_46 : memref<1x2x128xi32, #tpu.memory_space<hbm>> -> memref<2x128xi32, #tpu.memory_space<hbm>>
    %dma_wait3A_48 = arith.constant 0 : i32
    %dma_wait3A_49 = arith.constant 0 : i32
    %dma_wait3A_50 = tpu.memref_slice %arg3[%dma_wait3A, %dma_wait3A_48, %dma_wait3A_49] : memref<2592x2x128xi32, #tpu.memory_space<hbm>> -> memref<1x2x128xi32, #tpu.memory_space<hbm>>
    %dma_wait3A_51 = tpu.memref_squeeze %dma_wait3A_50 : memref<1x2x128xi32, #tpu.memory_space<hbm>> -> memref<2x128xi32, #tpu.memory_space<hbm>>
    tpu.wait_dma2 semaphore(%arg13 : memref<!tpu.dma_semaphore, #tpu.memory_space<semaphore_mem>>) src(%dma_wait3A_51 : memref<2x128xi32, #tpu.memory_space<hbm>>) dst(%arg6 : memref<2x128xi32, #tpu.memory_space<vmem>>)
    %dma_start3A_52 = arith.constant 0 : i32
    %dma_start3A_53 = arith.constant 0 : i32
    %dma_start3A_54 = tpu.memref_slice %arg6[%dma_start3A_52, %dma_start3A_53] : memref<2x128xi32, #tpu.memory_space<vmem>> -> memref<1x128xi32, #tpu.memory_space<vmem>>
    %dma_start3A_55 = tpu.memref_squeeze %dma_start3A_54 : memref<1x128xi32, #tpu.memory_space<vmem>> -> memref<128xi32, #tpu.memory_space<vmem>>
    %dma_start3A_56 = arith.constant 0 : i32
    %dma_start3A_57 = arith.constant 0 : i32
    %dma_start3A_58 = tpu.memref_slice %arg2[%dma_start3A_56, %dma_start3A_57] : memref<10112x128xf32, #tpu.memory_space<hbm>> -> memref<10112x128xf32, #tpu.memory_space<hbm>>
    tpu.enqueue_indirect_dma source(%dma_start3A_58 : memref<10112x128xf32, #tpu.memory_space<hbm>>) target(%arg9 : memref<128x128xf32, #tpu.memory_space<vmem>>) offsets(%dma_start3A_55 : memref<128xi32, #tpu.memory_space<vmem>>) semaphore(%arg16 : memref<!tpu.dma_semaphore, #tpu.memory_space<semaphore_mem>>)
    %dma_wait3A_59 = arith.constant 0 : i32
    %dma_wait3A_60 = arith.constant 0 : i32
    %dma_wait3A_61 = arith.constant 0 : i32
    %dma_wait3A_62 = tpu.memref_slice %arg3[%dma_wait3A_59, %dma_wait3A_60, %dma_wait3A_61] : memref<2592x2x128xi32, #tpu.memory_space<hbm>> -> memref<1x2x128xi32, #tpu.memory_space<hbm>>
    %dma_wait3A_63 = tpu.memref_squeeze %dma_wait3A_62 : memref<1x2x128xi32, #tpu.memory_space<hbm>> -> memref<2x128xi32, #tpu.memory_space<hbm>>
    %dma_wait3A_64 = arith.constant 0 : i32
    %dma_wait3A_65 = arith.constant 0 : i32
    %dma_wait3A_66 = tpu.memref_slice %arg3[%dma_wait3A_59, %dma_wait3A_64, %dma_wait3A_65] : memref<2592x2x128xi32, #tpu.memory_space<hbm>> -> memref<1x2x128xi32, #tpu.memory_space<hbm>>
    %dma_wait3A_67 = tpu.memref_squeeze %dma_wait3A_66 : memref<1x2x128xi32, #tpu.memory_space<hbm>> -> memref<2x128xi32, #tpu.memory_space<hbm>>
    tpu.wait_dma2 semaphore(%arg14 : memref<!tpu.dma_semaphore, #tpu.memory_space<semaphore_mem>>) src(%dma_wait3A_67 : memref<2x128xi32, #tpu.memory_space<hbm>>) dst(%arg7 : memref<2x128xi32, #tpu.memory_space<vmem>>)
    %dma_start3A_68 = arith.constant 0 : i32
    %dma_start3A_69 = arith.constant 0 : i32
    %dma_start3A_70 = tpu.memref_slice %arg7[%dma_start3A_68, %dma_start3A_69] : memref<2x128xi32, #tpu.memory_space<vmem>> -> memref<1x128xi32, #tpu.memory_space<vmem>>
    %dma_start3A_71 = tpu.memref_squeeze %dma_start3A_70 : memref<1x128xi32, #tpu.memory_space<vmem>> -> memref<128xi32, #tpu.memory_space<vmem>>
    %dma_start3A_72 = arith.constant 0 : i32
    %dma_start3A_73 = arith.constant 0 : i32
    %dma_start3A_74 = tpu.memref_slice %arg2[%dma_start3A_72, %dma_start3A_73] : memref<10112x128xf32, #tpu.memory_space<hbm>> -> memref<10112x128xf32, #tpu.memory_space<hbm>>
    tpu.enqueue_indirect_dma source(%dma_start3A_74 : memref<10112x128xf32, #tpu.memory_space<hbm>>) target(%arg10 : memref<128x128xf32, #tpu.memory_space<vmem>>) offsets(%dma_start3A_71 : memref<128xi32, #tpu.memory_space<vmem>>) semaphore(%arg17 : memref<!tpu.dma_semaphore, #tpu.memory_space<semaphore_mem>>)
    %dma_wait3A_75 = arith.constant 0 : i32
    %dma_wait3A_76 = arith.constant 0 : i32
    %dma_wait3A_77 = arith.constant 0 : i32
    %dma_wait3A_78 = tpu.memref_slice %arg3[%dma_wait3A_75, %dma_wait3A_76, %dma_wait3A_77] : memref<2592x2x128xi32, #tpu.memory_space<hbm>> -> memref<1x2x128xi32, #tpu.memory_space<hbm>>
    %dma_wait3A_79 = tpu.memref_squeeze %dma_wait3A_78 : memref<1x2x128xi32, #tpu.memory_space<hbm>> -> memref<2x128xi32, #tpu.memory_space<hbm>>
    %dma_wait3A_80 = arith.constant 0 : i32
    %dma_wait3A_81 = arith.constant 0 : i32
    %dma_wait3A_82 = tpu.memref_slice %arg3[%dma_wait3A_75, %dma_wait3A_80, %dma_wait3A_81] : memref<2592x2x128xi32, #tpu.memory_space<hbm>> -> memref<1x2x128xi32, #tpu.memory_space<hbm>>
    %dma_wait3A_83 = tpu.memref_squeeze %dma_wait3A_82 : memref<1x2x128xi32, #tpu.memory_space<hbm>> -> memref<2x128xi32, #tpu.memory_space<hbm>>
    tpu.wait_dma2 semaphore(%arg15 : memref<!tpu.dma_semaphore, #tpu.memory_space<semaphore_mem>>) src(%dma_wait3A_83 : memref<2x128xi32, #tpu.memory_space<hbm>>) dst(%arg8 : memref<2x128xi32, #tpu.memory_space<vmem>>)
    %dma_start3A_84 = arith.constant 0 : i32
    %dma_start3A_85 = arith.constant 0 : i32
    %dma_start3A_86 = tpu.memref_slice %arg8[%dma_start3A_84, %dma_start3A_85] : memref<2x128xi32, #tpu.memory_space<vmem>> -> memref<1x128xi32, #tpu.memory_space<vmem>>
    %dma_start3A_87 = tpu.memref_squeeze %dma_start3A_86 : memref<1x128xi32, #tpu.memory_space<vmem>> -> memref<128xi32, #tpu.memory_space<vmem>>
    %dma_start3A_88 = arith.constant 0 : i32
    %dma_start3A_89 = arith.constant 0 : i32
    %dma_start3A_90 = tpu.memref_slice %arg2[%dma_start3A_88, %dma_start3A_89] : memref<10112x128xf32, #tpu.memory_space<hbm>> -> memref<10112x128xf32, #tpu.memory_space<hbm>>
    tpu.enqueue_indirect_dma source(%dma_start3A_90 : memref<10112x128xf32, #tpu.memory_space<hbm>>) target(%arg11 : memref<128x128xf32, #tpu.memory_space<vmem>>) offsets(%dma_start3A_87 : memref<128xi32, #tpu.memory_space<vmem>>) semaphore(%arg18 : memref<!tpu.dma_semaphore, #tpu.memory_space<semaphore_mem>>)
    %scan3A = arith.constant 0 : i32
    %scan3A_91 = arith.constant 0 : i32
    %scan3A_92 = arith.constant 27 : i32
    %scan3A_93 = arith.addi %scan3A_91, %scan3A_92 : i32
    %scan3A_94 = arith.constant 1 : i32
    scf.for %scan3A_100 = %scan3A_91 to %scan3A_93 step %scan3A_94  : i32 {
      %mul3A_101 = arith.constant 3 : i32
      %mul3A_102 = arith.muli %mul3A_101, %scan3A_100 : i32
      %dma_wait3A_103 = arith.constant 0 : i32
      %dma_wait3A_104 = arith.constant 0 : i32
      %dma_wait3A_105 = tpu.memref_slice %arg6[%dma_wait3A_103, %dma_wait3A_104] : memref<2x128xi32, #tpu.memory_space<vmem>> -> memref<1x128xi32, #tpu.memory_space<vmem>>
      %dma_wait3A_106 = tpu.memref_squeeze %dma_wait3A_105 : memref<1x128xi32, #tpu.memory_space<vmem>> -> memref<128xi32, #tpu.memory_space<vmem>>
      %dma_wait3A_107 = arith.constant 0 : i32
      %dma_wait3A_108 = arith.constant 0 : i32
      %dma_wait3A_109 = tpu.memref_slice %arg2[%dma_wait3A_107, %dma_wait3A_108] : memref<10112x128xf32, #tpu.memory_space<hbm>> -> memref<10112x128xf32, #tpu.memory_space<hbm>>
      tpu.wait_indirect_dma semaphore(%arg16 : memref<!tpu.dma_semaphore, #tpu.memory_space<semaphore_mem>>) src(%dma_wait3A_109 : memref<10112x128xf32, #tpu.memory_space<hbm>>) dst(%arg9 : memref<128x128xf32, #tpu.memory_space<vmem>>)
      %dma_start3A_110 = arith.constant 1 : i32
      %dma_start3A_111 = arith.constant 0 : i32
      %dma_start3A_112 = tpu.memref_slice %arg6[%dma_start3A_110, %dma_start3A_111] : memref<2x128xi32, #tpu.memory_space<vmem>> -> memref<1x128xi32, #tpu.memory_space<vmem>>
      %dma_start3A_113 = tpu.memref_squeeze %dma_start3A_112 : memref<1x128xi32, #tpu.memory_space<vmem>> -> memref<128xi32, #tpu.memory_space<vmem>>
      %dma_start3A_114 = arith.constant 0 : i32
      %dma_start3A_115 = arith.constant 0 : i32
      %dma_start3A_116 = tpu.memref_slice %arg12[%dma_start3A_114, %dma_start3A_115] : memref<10112x128xf32, #tpu.memory_space<vmem_shared>> -> memref<10112x128xf32, #tpu.memory_space<vmem_shared>>
      tpu.enqueue_indirect_dma source(%arg9 : memref<128x128xf32, #tpu.memory_space<vmem>>) target(%dma_start3A_116 : memref<10112x128xf32, #tpu.memory_space<vmem_shared>>) offsets(%dma_start3A_113 : memref<128xi32, #tpu.memory_space<vmem>>) semaphore(%arg19 : memref<!tpu.dma_semaphore, #tpu.memory_space<semaphore_mem>>) {add = true}
      %dma_wait3A_117 = arith.constant 0 : i32
      %dma_wait3A_118 = arith.constant 0 : i32
      %dma_wait3A_119 = tpu.memref_slice %arg7[%dma_wait3A_117, %dma_wait3A_118] : memref<2x128xi32, #tpu.memory_space<vmem>> -> memref<1x128xi32, #tpu.memory_space<vmem>>
      %dma_wait3A_120 = tpu.memref_squeeze %dma_wait3A_119 : memref<1x128xi32, #tpu.memory_space<vmem>> -> memref<128xi32, #tpu.memory_space<vmem>>
      %dma_wait3A_121 = arith.constant 0 : i32
      %dma_wait3A_122 = arith.constant 0 : i32
      %dma_wait3A_123 = tpu.memref_slice %arg2[%dma_wait3A_121, %dma_wait3A_122] : memref<10112x128xf32, #tpu.memory_space<hbm>> -> memref<10112x128xf32, #tpu.memory_space<hbm>>
      tpu.wait_indirect_dma semaphore(%arg17 : memref<!tpu.dma_semaphore, #tpu.memory_space<semaphore_mem>>) src(%dma_wait3A_123 : memref<10112x128xf32, #tpu.memory_space<hbm>>) dst(%arg10 : memref<128x128xf32, #tpu.memory_space<vmem>>)
      %dma_start3A_124 = arith.constant 1 : i32
      %dma_start3A_125 = arith.constant 0 : i32
      %dma_start3A_126 = tpu.memref_slice %arg7[%dma_start3A_124, %dma_start3A_125] : memref<2x128xi32, #tpu.memory_space<vmem>> -> memref<1x128xi32, #tpu.memory_space<vmem>>
      %dma_start3A_127 = tpu.memref_squeeze %dma_start3A_126 : memref<1x128xi32, #tpu.memory_space<vmem>> -> memref<128xi32, #tpu.memory_space<vmem>>
      %dma_start3A_128 = arith.constant 0 : i32
      %dma_start3A_129 = arith.constant 0 : i32
      %dma_start3A_130 = tpu.memref_slice %arg12[%dma_start3A_128, %dma_start3A_129] : memref<10112x128xf32, #tpu.memory_space<vmem_shared>> -> memref<10112x128xf32, #tpu.memory_space<vmem_shared>>
      tpu.enqueue_indirect_dma source(%arg10 : memref<128x128xf32, #tpu.memory_space<vmem>>) target(%dma_start3A_130 : memref<10112x128xf32, #tpu.memory_space<vmem_shared>>) offsets(%dma_start3A_127 : memref<128xi32, #tpu.memory_space<vmem>>) semaphore(%arg20 : memref<!tpu.dma_semaphore, #tpu.memory_space<semaphore_mem>>) {add = true}
      %dma_wait3A_131 = arith.constant 0 : i32
      %dma_wait3A_132 = arith.constant 0 : i32
      %dma_wait3A_133 = tpu.memref_slice %arg8[%dma_wait3A_131, %dma_wait3A_132] : memref<2x128xi32, #tpu.memory_space<vmem>> -> memref<1x128xi32, #tpu.memory_space<vmem>>
      %dma_wait3A_134 = tpu.memref_squeeze %dma_wait3A_133 : memref<1x128xi32, #tpu.memory_space<vmem>> -> memref<128xi32, #tpu.memory_space<vmem>>
      %dma_wait3A_135 = arith.constant 0 : i32
      %dma_wait3A_136 = arith.constant 0 : i32
      %dma_wait3A_137 = tpu.memref_slice %arg2[%dma_wait3A_135, %dma_wait3A_136] : memref<10112x128xf32, #tpu.memory_space<hbm>> -> memref<10112x128xf32, #tpu.memory_space<hbm>>
      tpu.wait_indirect_dma semaphore(%arg18 : memref<!tpu.dma_semaphore, #tpu.memory_space<semaphore_mem>>) src(%dma_wait3A_137 : memref<10112x128xf32, #tpu.memory_space<hbm>>) dst(%arg11 : memref<128x128xf32, #tpu.memory_space<vmem>>)
      %dma_start3A_138 = arith.constant 1 : i32
      %dma_start3A_139 = arith.constant 0 : i32
      %dma_start3A_140 = tpu.memref_slice %arg8[%dma_start3A_138, %dma_start3A_139] : memref<2x128xi32, #tpu.memory_space<vmem>> -> memref<1x128xi32, #tpu.memory_space<vmem>>
      %dma_start3A_141 = tpu.memref_squeeze %dma_start3A_140 : memref<1x128xi32, #tpu.memory_space<vmem>> -> memref<128xi32, #tpu.memory_space<vmem>>
      %dma_start3A_142 = arith.constant 0 : i32
      %dma_start3A_143 = arith.constant 0 : i32
      %dma_start3A_144 = tpu.memref_slice %arg12[%dma_start3A_142, %dma_start3A_143] : memref<10112x128xf32, #tpu.memory_space<vmem_shared>> -> memref<10112x128xf32, #tpu.memory_space<vmem_shared>>
      tpu.enqueue_indirect_dma source(%arg11 : memref<128x128xf32, #tpu.memory_space<vmem>>) target(%dma_start3A_144 : memref<10112x128xf32, #tpu.memory_space<vmem_shared>>) offsets(%dma_start3A_141 : memref<128xi32, #tpu.memory_space<vmem>>) semaphore(%arg21 : memref<!tpu.dma_semaphore, #tpu.memory_space<semaphore_mem>>) {add = true}
      %dma_wait3A_145 = arith.constant 1 : i32
      %dma_wait3A_146 = arith.constant 0 : i32
      %dma_wait3A_147 = tpu.memref_slice %arg6[%dma_wait3A_145, %dma_wait3A_146] : memref<2x128xi32, #tpu.memory_space<vmem>> -> memref<1x128xi32, #tpu.memory_space<vmem>>
      %dma_wait3A_148 = tpu.memref_squeeze %dma_wait3A_147 : memref<1x128xi32, #tpu.memory_space<vmem>> -> memref<128xi32, #tpu.memory_space<vmem>>
      %dma_wait3A_149 = arith.constant 0 : i32
      %dma_wait3A_150 = arith.constant 0 : i32
      %dma_wait3A_151 = tpu.memref_slice %arg12[%dma_wait3A_149, %dma_wait3A_150] : memref<10112x128xf32, #tpu.memory_space<vmem_shared>> -> memref<10112x128xf32, #tpu.memory_space<vmem_shared>>
      tpu.wait_indirect_dma semaphore(%arg19 : memref<!tpu.dma_semaphore, #tpu.memory_space<semaphore_mem>>) src(%arg9 : memref<128x128xf32, #tpu.memory_space<vmem>>) dst(%dma_wait3A_151 : memref<10112x128xf32, #tpu.memory_space<vmem_shared>>)
      %add3A_152 = arith.constant 1 : i32
      %add3A_153 = arith.addi %scan3A_100, %add3A_152 : i32
      %lt3A = arith.constant 27 : i32
      %lt3A_154 = arith.cmpi slt, %add3A_153, %lt3A : i32
      %convert_element_type3A_155 = arith.extui %lt3A_154 : i1 to i32
      %cond3A_156 = arith.constant 0 : i32
      %cond3A_157 = arith.cmpi ne, %convert_element_type3A_155, %cond3A_156 : i32
      scf.if %cond3A_157 {
        %add3A_186 = arith.constant 3 : i32
        %add3A_187 = arith.addi %mul3A_102, %add3A_186 : i32
        %add3A_188 = arith.constant 0 : i32
        %add3A_189 = arith.addi %add3A_187, %add3A_188 : i32
        %mul3A_190 = arith.constant 81 : i32
        %mul3A_191 = arith.muli %add3A, %mul3A_190 : i32
        %add3A_192 = arith.addi %mul3A_191, %add3A_189 : i32
        %dma_start3A_193 = arith.constant 0 : i32
        %dma_start3A_194 = arith.constant 0 : i32
        %dma_start3A_195 = tpu.memref_slice %arg3[%add3A_192, %dma_start3A_193, %dma_start3A_194] : memref<2592x2x128xi32, #tpu.memory_space<hbm>> -> memref<1x2x128xi32, #tpu.memory_space<hbm>>
        %dma_start3A_196 = tpu.memref_squeeze %dma_start3A_195 : memref<1x2x128xi32, #tpu.memory_space<hbm>> -> memref<2x128xi32, #tpu.memory_space<hbm>>
        %dma_start3A_197 = arith.constant 0 : i32
        %dma_start3A_198 = arith.constant 0 : i32
        %dma_start3A_199 = tpu.memref_slice %arg3[%add3A_192, %dma_start3A_197, %dma_start3A_198] : memref<2592x2x128xi32, #tpu.memory_space<hbm>> -> memref<1x2x128xi32, #tpu.memory_space<hbm>>
        %dma_start3A_200 = tpu.memref_squeeze %dma_start3A_199 : memref<1x2x128xi32, #tpu.memory_space<hbm>> -> memref<2x128xi32, #tpu.memory_space<hbm>>
        tpu.enqueue_dma source(%dma_start3A_200 : memref<2x128xi32, #tpu.memory_space<hbm>>) target(%arg6 : memref<2x128xi32, #tpu.memory_space<vmem>>) target_semaphore(%arg13 : memref<!tpu.dma_semaphore, #tpu.memory_space<semaphore_mem>>)
        %dma_wait3A_201 = arith.constant 0 : i32
        %dma_wait3A_202 = arith.constant 0 : i32
        %dma_wait3A_203 = arith.constant 0 : i32
        %dma_wait3A_204 = tpu.memref_slice %arg3[%dma_wait3A_201, %dma_wait3A_202, %dma_wait3A_203] : memref<2592x2x128xi32, #tpu.memory_space<hbm>> -> memref<1x2x128xi32, #tpu.memory_space<hbm>>
        %dma_wait3A_205 = tpu.memref_squeeze %dma_wait3A_204 : memref<1x2x128xi32, #tpu.memory_space<hbm>> -> memref<2x128xi32, #tpu.memory_space<hbm>>
        %dma_wait3A_206 = arith.constant 0 : i32
        %dma_wait3A_207 = arith.constant 0 : i32
        %dma_wait3A_208 = tpu.memref_slice %arg3[%dma_wait3A_201, %dma_wait3A_206, %dma_wait3A_207] : memref<2592x2x128xi32, #tpu.memory_space<hbm>> -> memref<1x2x128xi32, #tpu.memory_space<hbm>>
        %dma_wait3A_209 = tpu.memref_squeeze %dma_wait3A_208 : memref<1x2x128xi32, #tpu.memory_space<hbm>> -> memref<2x128xi32, #tpu.memory_space<hbm>>
        tpu.wait_dma2 semaphore(%arg13 : memref<!tpu.dma_semaphore, #tpu.memory_space<semaphore_mem>>) src(%dma_wait3A_209 : memref<2x128xi32, #tpu.memory_space<hbm>>) dst(%arg6 : memref<2x128xi32, #tpu.memory_space<vmem>>)
        %dma_start3A_210 = arith.constant 0 : i32
        %dma_start3A_211 = arith.constant 0 : i32
        %dma_start3A_212 = tpu.memref_slice %arg6[%dma_start3A_210, %dma_start3A_211] : memref<2x128xi32, #tpu.memory_space<vmem>> -> memref<1x128xi32, #tpu.memory_space<vmem>>
        %dma_start3A_213 = tpu.memref_squeeze %dma_start3A_212 : memref<1x128xi32, #tpu.memory_space<vmem>> -> memref<128xi32, #tpu.memory_space<vmem>>
        %dma_start3A_214 = arith.constant 0 : i32
        %dma_start3A_215 = arith.constant 0 : i32
        %dma_start3A_216 = tpu.memref_slice %arg2[%dma_start3A_214, %dma_start3A_215] : memref<10112x128xf32, #tpu.memory_space<hbm>> -> memref<10112x128xf32, #tpu.memory_space<hbm>>
        tpu.enqueue_indirect_dma source(%dma_start3A_216 : memref<10112x128xf32, #tpu.memory_space<hbm>>) target(%arg9 : memref<128x128xf32, #tpu.memory_space<vmem>>) offsets(%dma_start3A_213 : memref<128xi32, #tpu.memory_space<vmem>>) semaphore(%arg16 : memref<!tpu.dma_semaphore, #tpu.memory_space<semaphore_mem>>)
      } else {
      }
      %dma_wait3A_158 = arith.constant 1 : i32
      %dma_wait3A_159 = arith.constant 0 : i32
      %dma_wait3A_160 = tpu.memref_slice %arg7[%dma_wait3A_158, %dma_wait3A_159] : memref<2x128xi32, #tpu.memory_space<vmem>> -> memref<1x128xi32, #tpu.memory_space<vmem>>
      %dma_wait3A_161 = tpu.memref_squeeze %dma_wait3A_160 : memref<1x128xi32, #tpu.memory_space<vmem>> -> memref<128xi32, #tpu.memory_space<vmem>>
      %dma_wait3A_162 = arith.constant 0 : i32
      %dma_wait3A_163 = arith.constant 0 : i32
      %dma_wait3A_164 = tpu.memref_slice %arg12[%dma_wait3A_162, %dma_wait3A_163] : memref<10112x128xf32, #tpu.memory_space<vmem_shared>> -> memref<10112x128xf32, #tpu.memory_space<vmem_shared>>
      tpu.wait_indirect_dma semaphore(%arg20 : memref<!tpu.dma_semaphore, #tpu.memory_space<semaphore_mem>>) src(%arg10 : memref<128x128xf32, #tpu.memory_space<vmem>>) dst(%dma_wait3A_164 : memref<10112x128xf32, #tpu.memory_space<vmem_shared>>)
      %add3A_165 = arith.constant 1 : i32
      %add3A_166 = arith.addi %scan3A_100, %add3A_165 : i32
      %lt3A_167 = arith.constant 27 : i32
      %lt3A_168 = arith.cmpi slt, %add3A_166, %lt3A_167 : i32
      %convert_element_type3A_169 = arith.extui %lt3A_168 : i1 to i32
      %cond3A_170 = arith.constant 0 : i32
      %cond3A_171 = arith.cmpi ne, %convert_element_type3A_169, %cond3A_170 : i32
      scf.if %cond3A_171 {
        %add3A_186 = arith.constant 3 : i32
        %add3A_187 = arith.addi %mul3A_102, %add3A_186 : i32
        %add3A_188 = arith.constant 1 : i32
        %add3A_189 = arith.addi %add3A_187, %add3A_188 : i32
        %mul3A_190 = arith.constant 81 : i32
        %mul3A_191 = arith.muli %add3A, %mul3A_190 : i32
        %add3A_192 = arith.addi %mul3A_191, %add3A_189 : i32
        %dma_start3A_193 = arith.constant 0 : i32
        %dma_start3A_194 = arith.constant 0 : i32
        %dma_start3A_195 = tpu.memref_slice %arg3[%add3A_192, %dma_start3A_193, %dma_start3A_194] : memref<2592x2x128xi32, #tpu.memory_space<hbm>> -> memref<1x2x128xi32, #tpu.memory_space<hbm>>
        %dma_start3A_196 = tpu.memref_squeeze %dma_start3A_195 : memref<1x2x128xi32, #tpu.memory_space<hbm>> -> memref<2x128xi32, #tpu.memory_space<hbm>>
        %dma_start3A_197 = arith.constant 0 : i32
        %dma_start3A_198 = arith.constant 0 : i32
        %dma_start3A_199 = tpu.memref_slice %arg3[%add3A_192, %dma_start3A_197, %dma_start3A_198] : memref<2592x2x128xi32, #tpu.memory_space<hbm>> -> memref<1x2x128xi32, #tpu.memory_space<hbm>>
        %dma_start3A_200 = tpu.memref_squeeze %dma_start3A_199 : memref<1x2x128xi32, #tpu.memory_space<hbm>> -> memref<2x128xi32, #tpu.memory_space<hbm>>
        tpu.enqueue_dma source(%dma_start3A_200 : memref<2x128xi32, #tpu.memory_space<hbm>>) target(%arg7 : memref<2x128xi32, #tpu.memory_space<vmem>>) target_semaphore(%arg14 : memref<!tpu.dma_semaphore, #tpu.memory_space<semaphore_mem>>)
        %dma_wait3A_201 = arith.constant 0 : i32
        %dma_wait3A_202 = arith.constant 0 : i32
        %dma_wait3A_203 = arith.constant 0 : i32
        %dma_wait3A_204 = tpu.memref_slice %arg3[%dma_wait3A_201, %dma_wait3A_202, %dma_wait3A_203] : memref<2592x2x128xi32, #tpu.memory_space<hbm>> -> memref<1x2x128xi32, #tpu.memory_space<hbm>>
        %dma_wait3A_205 = tpu.memref_squeeze %dma_wait3A_204 : memref<1x2x128xi32, #tpu.memory_space<hbm>> -> memref<2x128xi32, #tpu.memory_space<hbm>>
        %dma_wait3A_206 = arith.constant 0 : i32
        %dma_wait3A_207 = arith.constant 0 : i32
        %dma_wait3A_208 = tpu.memref_slice %arg3[%dma_wait3A_201, %dma_wait3A_206, %dma_wait3A_207] : memref<2592x2x128xi32, #tpu.memory_space<hbm>> -> memref<1x2x128xi32, #tpu.memory_space<hbm>>
        %dma_wait3A_209 = tpu.memref_squeeze %dma_wait3A_208 : memref<1x2x128xi32, #tpu.memory_space<hbm>> -> memref<2x128xi32, #tpu.memory_space<hbm>>
        tpu.wait_dma2 semaphore(%arg14 : memref<!tpu.dma_semaphore, #tpu.memory_space<semaphore_mem>>) src(%dma_wait3A_209 : memref<2x128xi32, #tpu.memory_space<hbm>>) dst(%arg7 : memref<2x128xi32, #tpu.memory_space<vmem>>)
        %dma_start3A_210 = arith.constant 0 : i32
        %dma_start3A_211 = arith.constant 0 : i32
        %dma_start3A_212 = tpu.memref_slice %arg7[%dma_start3A_210, %dma_start3A_211] : memref<2x128xi32, #tpu.memory_space<vmem>> -> memref<1x128xi32, #tpu.memory_space<vmem>>
        %dma_start3A_213 = tpu.memref_squeeze %dma_start3A_212 : memref<1x128xi32, #tpu.memory_space<vmem>> -> memref<128xi32, #tpu.memory_space<vmem>>
        %dma_start3A_214 = arith.constant 0 : i32
        %dma_start3A_215 = arith.constant 0 : i32
        %dma_start3A_216 = tpu.memref_slice %arg2[%dma_start3A_214, %dma_start3A_215] : memref<10112x128xf32, #tpu.memory_space<hbm>> -> memref<10112x128xf32, #tpu.memory_space<hbm>>
        tpu.enqueue_indirect_dma source(%dma_start3A_216 : memref<10112x128xf32, #tpu.memory_space<hbm>>) target(%arg10 : memref<128x128xf32, #tpu.memory_space<vmem>>) offsets(%dma_start3A_213 : memref<128xi32, #tpu.memory_space<vmem>>) semaphore(%arg17 : memref<!tpu.dma_semaphore, #tpu.memory_space<semaphore_mem>>)
      } else {
      }
      %dma_wait3A_172 = arith.constant 1 : i32
      %dma_wait3A_173 = arith.constant 0 : i32
      %dma_wait3A_174 = tpu.memref_slice %arg8[%dma_wait3A_172, %dma_wait3A_173] : memref<2x128xi32, #tpu.memory_space<vmem>> -> memref<1x128xi32, #tpu.memory_space<vmem>>
      %dma_wait3A_175 = tpu.memref_squeeze %dma_wait3A_174 : memref<1x128xi32, #tpu.memory_space<vmem>> -> memref<128xi32, #tpu.memory_space<vmem>>
      %dma_wait3A_176 = arith.constant 0 : i32
      %dma_wait3A_177 = arith.constant 0 : i32
      %dma_wait3A_178 = tpu.memref_slice %arg12[%dma_wait3A_176, %dma_wait3A_177] : memref<10112x128xf32, #tpu.memory_space<vmem_shared>> -> memref<10112x128xf32, #tpu.memory_space<vmem_shared>>
      tpu.wait_indirect_dma semaphore(%arg21 : memref<!tpu.dma_semaphore, #tpu.memory_space<semaphore_mem>>) src(%arg11 : memref<128x128xf32, #tpu.memory_space<vmem>>) dst(%dma_wait3A_178 : memref<10112x128xf32, #tpu.memory_space<vmem_shared>>)
      %add3A_179 = arith.constant 1 : i32
      %add3A_180 = arith.addi %scan3A_100, %add3A_179 : i32
      %lt3A_181 = arith.constant 27 : i32
      %lt3A_182 = arith.cmpi slt, %add3A_180, %lt3A_181 : i32
      %convert_element_type3A_183 = arith.extui %lt3A_182 : i1 to i32
      %cond3A_184 = arith.constant 0 : i32
      %cond3A_185 = arith.cmpi ne, %convert_element_type3A_183, %cond3A_184 : i32
      scf.if %cond3A_185 {
        %add3A_186 = arith.constant 3 : i32
        %add3A_187 = arith.addi %mul3A_102, %add3A_186 : i32
        %add3A_188 = arith.constant 2 : i32
        %add3A_189 = arith.addi %add3A_187, %add3A_188 : i32
        %mul3A_190 = arith.constant 81 : i32
        %mul3A_191 = arith.muli %add3A, %mul3A_190 : i32
        %add3A_192 = arith.addi %mul3A_191, %add3A_189 : i32
        %dma_start3A_193 = arith.constant 0 : i32
        %dma_start3A_194 = arith.constant 0 : i32
        %dma_start3A_195 = tpu.memref_slice %arg3[%add3A_192, %dma_start3A_193, %dma_start3A_194] : memref<2592x2x128xi32, #tpu.memory_space<hbm>> -> memref<1x2x128xi32, #tpu.memory_space<hbm>>
        %dma_start3A_196 = tpu.memref_squeeze %dma_start3A_195 : memref<1x2x128xi32, #tpu.memory_space<hbm>> -> memref<2x128xi32, #tpu.memory_space<hbm>>
        %dma_start3A_197 = arith.constant 0 : i32
        %dma_start3A_198 = arith.constant 0 : i32
        %dma_start3A_199 = tpu.memref_slice %arg3[%add3A_192, %dma_start3A_197, %dma_start3A_198] : memref<2592x2x128xi32, #tpu.memory_space<hbm>> -> memref<1x2x128xi32, #tpu.memory_space<hbm>>
        %dma_start3A_200 = tpu.memref_squeeze %dma_start3A_199 : memref<1x2x128xi32, #tpu.memory_space<hbm>> -> memref<2x128xi32, #tpu.memory_space<hbm>>
        tpu.enqueue_dma source(%dma_start3A_200 : memref<2x128xi32, #tpu.memory_space<hbm>>) target(%arg8 : memref<2x128xi32, #tpu.memory_space<vmem>>) target_semaphore(%arg15 : memref<!tpu.dma_semaphore, #tpu.memory_space<semaphore_mem>>)
        %dma_wait3A_201 = arith.constant 0 : i32
        %dma_wait3A_202 = arith.constant 0 : i32
        %dma_wait3A_203 = arith.constant 0 : i32
        %dma_wait3A_204 = tpu.memref_slice %arg3[%dma_wait3A_201, %dma_wait3A_202, %dma_wait3A_203] : memref<2592x2x128xi32, #tpu.memory_space<hbm>> -> memref<1x2x128xi32, #tpu.memory_space<hbm>>
        %dma_wait3A_205 = tpu.memref_squeeze %dma_wait3A_204 : memref<1x2x128xi32, #tpu.memory_space<hbm>> -> memref<2x128xi32, #tpu.memory_space<hbm>>
        %dma_wait3A_206 = arith.constant 0 : i32
        %dma_wait3A_207 = arith.constant 0 : i32
        %dma_wait3A_208 = tpu.memref_slice %arg3[%dma_wait3A_201, %dma_wait3A_206, %dma_wait3A_207] : memref<2592x2x128xi32, #tpu.memory_space<hbm>> -> memref<1x2x128xi32, #tpu.memory_space<hbm>>
        %dma_wait3A_209 = tpu.memref_squeeze %dma_wait3A_208 : memref<1x2x128xi32, #tpu.memory_space<hbm>> -> memref<2x128xi32, #tpu.memory_space<hbm>>
        tpu.wait_dma2 semaphore(%arg15 : memref<!tpu.dma_semaphore, #tpu.memory_space<semaphore_mem>>) src(%dma_wait3A_209 : memref<2x128xi32, #tpu.memory_space<hbm>>) dst(%arg8 : memref<2x128xi32, #tpu.memory_space<vmem>>)
        %dma_start3A_210 = arith.constant 0 : i32
        %dma_start3A_211 = arith.constant 0 : i32
        %dma_start3A_212 = tpu.memref_slice %arg8[%dma_start3A_210, %dma_start3A_211] : memref<2x128xi32, #tpu.memory_space<vmem>> -> memref<1x128xi32, #tpu.memory_space<vmem>>
        %dma_start3A_213 = tpu.memref_squeeze %dma_start3A_212 : memref<1x128xi32, #tpu.memory_space<vmem>> -> memref<128xi32, #tpu.memory_space<vmem>>
        %dma_start3A_214 = arith.constant 0 : i32
        %dma_start3A_215 = arith.constant 0 : i32
        %dma_start3A_216 = tpu.memref_slice %arg2[%dma_start3A_214, %dma_start3A_215] : memref<10112x128xf32, #tpu.memory_space<hbm>> -> memref<10112x128xf32, #tpu.memory_space<hbm>>
        tpu.enqueue_indirect_dma source(%dma_start3A_216 : memref<10112x128xf32, #tpu.memory_space<hbm>>) target(%arg11 : memref<128x128xf32, #tpu.memory_space<vmem>>) offsets(%dma_start3A_213 : memref<128xi32, #tpu.memory_space<vmem>>) semaphore(%arg18 : memref<!tpu.dma_semaphore, #tpu.memory_space<semaphore_mem>>)
      } else {
      }
    }
    %scan3A_95 = arith.constant 27 : i32
    %barrier3A_96 = arith.constant 0 : index
    tpu.barrier barrier_id(%barrier3A_96)
    %mul3A_97 = arith.constant 10112 : i32
    %mul3A_98 = arith.muli %arg0, %mul3A_97 : i32
    %add3A_99 = arith.addi %mul3A_98, %mul3A_2 : i32
    "tpu.region"() ({
      %run_scoped3A = tpu.sem_alloc : memref<!tpu.dma_semaphore, #tpu.memory_space<semaphore_mem>>
      %dma_start3A_100 = arith.constant 0 : i32
      %dma_start3A_101 = tpu.memref_slice %arg5[%add3A_99, %dma_start3A_100] : memref<20224x128xf32, #tpu.memory_space<hbm>> -> memref<632x128xf32, #tpu.memory_space<hbm>>
      %dma_start3A_102 = arith.constant 0 : i32
      %dma_start3A_103 = tpu.memref_slice %arg12[%mul3A_2, %dma_start3A_102] : memref<10112x128xf32, #tpu.memory_space<vmem_shared>> -> memref<632x128xf32, #tpu.memory_space<vmem_shared>>
      tpu.enqueue_dma source(%dma_start3A_103 : memref<632x128xf32, #tpu.memory_space<vmem_shared>>) target(%dma_start3A_101 : memref<632x128xf32, #tpu.memory_space<hbm>>) target_semaphore(%run_scoped3A : memref<!tpu.dma_semaphore, #tpu.memory_space<semaphore_mem>>)
      %dma_wait3A_104 = arith.constant 0 : i32
      %dma_wait3A_105 = tpu.memref_slice %arg5[%add3A_99, %dma_wait3A_104] : memref<20224x128xf32, #tpu.memory_space<hbm>> -> memref<632x128xf32, #tpu.memory_space<hbm>>
      %dma_wait3A_106 = arith.constant 0 : i32
      %dma_wait3A_107 = tpu.memref_slice %arg12[%mul3A_2, %dma_wait3A_106] : memref<10112x128xf32, #tpu.memory_space<vmem_shared>> -> memref<632x128xf32, #tpu.memory_space<vmem_shared>>
      tpu.wait_dma2 semaphore(%run_scoped3A : memref<!tpu.dma_semaphore, #tpu.memory_space<semaphore_mem>>) src(%dma_wait3A_107 : memref<632x128xf32, #tpu.memory_space<vmem_shared>>) dst(%dma_wait3A_105 : memref<632x128xf32, #tpu.memory_space<hbm>>)
      tpu.yield
    }) : () -> ()
    return
  }
}

#map = affine_map<(d0, d1) -> (0, 0, 0)>
#map1 = affine_map<(d0, d1) -> (0)>
module attributes {stable_mosaic.version = 14 : i64} {
  func.func @k(%arg0: i32, %arg1: i32, %arg2: memref<2592x2x128xi32, #tpu.memory_space<hbm>>, %arg3: memref<10240xf32, #tpu.memory_space<hbm>>, %arg4: memref<20480xf32, #tpu.memory_space<hbm>>, %arg5: memref<2x128xi32, #tpu.memory_space<vmem>>, %arg6: memref<2x128xi32, #tpu.memory_space<vmem>>, %arg7: memref<2x128xi32, #tpu.memory_space<vmem>>, %arg8: memref<10240xf32, #tpu.memory_space<vmem>>, %arg9: memref<640xf32, #tpu.memory_space<vmem>>, %arg10: memref<640xf32, #tpu.memory_space<vmem>>, %arg11: memref<163840xf32, #tpu.memory_space<vmem_shared>>, %arg12: memref<!tpu.dma_semaphore, #tpu.memory_space<semaphore_mem>>, %arg13: memref<!tpu.dma_semaphore, #tpu.memory_space<semaphore_mem>>, %arg14: memref<!tpu.dma_semaphore, #tpu.memory_space<semaphore_mem>>) attributes {dimension_semantics = [#tpu.dimension_semantics<core_parallel>, #tpu.dimension_semantics<subcore_parallel>], iteration_bounds = array<i64: 2, 16>, scalar_prefetch = 0 : i64, scratch_operands = 10 : i64, tpu.core_type = #tpu.core_type<sc_vector_subcore>, window_params = [{transform_indices = #map}, {transform_indices = #map1}, {transform_indices = #map1}]} {
    %mul3A = arith.constant 16 : i32
    %mul3A_0 = arith.muli %arg0, %mul3A : i32
    %add3A = arith.addi %mul3A_0, %arg1 : i32
    "tpu.region"() ({
      %run_scoped3A = tpu.sem_alloc : memref<!tpu.dma_semaphore, #tpu.memory_space<semaphore_mem>>
      tpu.enqueue_dma source(%arg3 : memref<10240xf32, #tpu.memory_space<hbm>>) target(%arg8 : memref<10240xf32, #tpu.memory_space<vmem>>) target_semaphore(%run_scoped3A : memref<!tpu.dma_semaphore, #tpu.memory_space<semaphore_mem>>)
      tpu.wait_dma2 semaphore(%run_scoped3A : memref<!tpu.dma_semaphore, #tpu.memory_space<semaphore_mem>>) src(%arg3 : memref<10240xf32, #tpu.memory_space<hbm>>) dst(%arg8 : memref<10240xf32, #tpu.memory_space<vmem>>)
      tpu.yield
    }) : () -> ()
    %mul3A_1 = arith.constant 81 : i32
    %mul3A_2 = arith.muli %add3A, %mul3A_1 : i32
    %add3A_3 = arith.constant 0 : i32
    %add3A_4 = arith.addi %mul3A_2, %add3A_3 : i32
    %dma_start3A = arith.constant 0 : i32
    %dma_start3A_5 = arith.constant 0 : i32
    %dma_start3A_6 = tpu.memref_slice %arg2[%add3A_4, %dma_start3A, %dma_start3A_5] : memref<2592x2x128xi32, #tpu.memory_space<hbm>> -> memref<1x2x128xi32, #tpu.memory_space<hbm>>
    %dma_start3A_7 = tpu.memref_squeeze %dma_start3A_6 : memref<1x2x128xi32, #tpu.memory_space<hbm>> -> memref<2x128xi32, #tpu.memory_space<hbm>>
    %dma_start3A_8 = arith.constant 0 : i32
    %dma_start3A_9 = arith.constant 0 : i32
    %dma_start3A_10 = tpu.memref_slice %arg2[%add3A_4, %dma_start3A_8, %dma_start3A_9] : memref<2592x2x128xi32, #tpu.memory_space<hbm>> -> memref<1x2x128xi32, #tpu.memory_space<hbm>>
    %dma_start3A_11 = tpu.memref_squeeze %dma_start3A_10 : memref<1x2x128xi32, #tpu.memory_space<hbm>> -> memref<2x128xi32, #tpu.memory_space<hbm>>
    tpu.enqueue_dma source(%dma_start3A_11 : memref<2x128xi32, #tpu.memory_space<hbm>>) target(%arg5 : memref<2x128xi32, #tpu.memory_space<vmem>>) target_semaphore(%arg12 : memref<!tpu.dma_semaphore, #tpu.memory_space<semaphore_mem>>)
    %mul3A_12 = arith.constant 81 : i32
    %mul3A_13 = arith.muli %add3A, %mul3A_12 : i32
    %add3A_14 = arith.constant 1 : i32
    %add3A_15 = arith.addi %mul3A_13, %add3A_14 : i32
    %dma_start3A_16 = arith.constant 0 : i32
    %dma_start3A_17 = arith.constant 0 : i32
    %dma_start3A_18 = tpu.memref_slice %arg2[%add3A_15, %dma_start3A_16, %dma_start3A_17] : memref<2592x2x128xi32, #tpu.memory_space<hbm>> -> memref<1x2x128xi32, #tpu.memory_space<hbm>>
    %dma_start3A_19 = tpu.memref_squeeze %dma_start3A_18 : memref<1x2x128xi32, #tpu.memory_space<hbm>> -> memref<2x128xi32, #tpu.memory_space<hbm>>
    %dma_start3A_20 = arith.constant 0 : i32
    %dma_start3A_21 = arith.constant 0 : i32
    %dma_start3A_22 = tpu.memref_slice %arg2[%add3A_15, %dma_start3A_20, %dma_start3A_21] : memref<2592x2x128xi32, #tpu.memory_space<hbm>> -> memref<1x2x128xi32, #tpu.memory_space<hbm>>
    %dma_start3A_23 = tpu.memref_squeeze %dma_start3A_22 : memref<1x2x128xi32, #tpu.memory_space<hbm>> -> memref<2x128xi32, #tpu.memory_space<hbm>>
    tpu.enqueue_dma source(%dma_start3A_23 : memref<2x128xi32, #tpu.memory_space<hbm>>) target(%arg6 : memref<2x128xi32, #tpu.memory_space<vmem>>) target_semaphore(%arg13 : memref<!tpu.dma_semaphore, #tpu.memory_space<semaphore_mem>>)
    %mul3A_24 = arith.constant 81 : i32
    %mul3A_25 = arith.muli %add3A, %mul3A_24 : i32
    %add3A_26 = arith.constant 2 : i32
    %add3A_27 = arith.addi %mul3A_25, %add3A_26 : i32
    %dma_start3A_28 = arith.constant 0 : i32
    %dma_start3A_29 = arith.constant 0 : i32
    %dma_start3A_30 = tpu.memref_slice %arg2[%add3A_27, %dma_start3A_28, %dma_start3A_29] : memref<2592x2x128xi32, #tpu.memory_space<hbm>> -> memref<1x2x128xi32, #tpu.memory_space<hbm>>
    %dma_start3A_31 = tpu.memref_squeeze %dma_start3A_30 : memref<1x2x128xi32, #tpu.memory_space<hbm>> -> memref<2x128xi32, #tpu.memory_space<hbm>>
    %dma_start3A_32 = arith.constant 0 : i32
    %dma_start3A_33 = arith.constant 0 : i32
    %dma_start3A_34 = tpu.memref_slice %arg2[%add3A_27, %dma_start3A_32, %dma_start3A_33] : memref<2592x2x128xi32, #tpu.memory_space<hbm>> -> memref<1x2x128xi32, #tpu.memory_space<hbm>>
    %dma_start3A_35 = tpu.memref_squeeze %dma_start3A_34 : memref<1x2x128xi32, #tpu.memory_space<hbm>> -> memref<2x128xi32, #tpu.memory_space<hbm>>
    tpu.enqueue_dma source(%dma_start3A_35 : memref<2x128xi32, #tpu.memory_space<hbm>>) target(%arg7 : memref<2x128xi32, #tpu.memory_space<vmem>>) target_semaphore(%arg14 : memref<!tpu.dma_semaphore, #tpu.memory_space<semaphore_mem>>)
    %broadcast_in_dim3A = arith.constant 1.000000e+00 : f32
    %broadcast_in_dim3A_36 = vector.broadcast %broadcast_in_dim3A : f32 to vector<16xf32>
    %scan3A = arith.constant 0 : i32
    %scan3A_37 = arith.constant 0 : i32
    %scan3A_38 = arith.constant 27 : i32
    %scan3A_39 = arith.addi %scan3A_37, %scan3A_38 : i32
    %scan3A_40 = arith.constant 1 : i32
    scf.for %scan3A_57 = %scan3A_37 to %scan3A_39 step %scan3A_40  : i32 {
      %mul3A_58 = arith.constant 3 : i32
      %mul3A_59 = arith.muli %mul3A_58, %scan3A_57 : i32
      %dma_wait3A = arith.constant 0 : i32
      %dma_wait3A_60 = arith.constant 0 : i32
      %dma_wait3A_61 = arith.constant 0 : i32
      %dma_wait3A_62 = tpu.memref_slice %arg2[%dma_wait3A, %dma_wait3A_60, %dma_wait3A_61] : memref<2592x2x128xi32, #tpu.memory_space<hbm>> -> memref<1x2x128xi32, #tpu.memory_space<hbm>>
      %dma_wait3A_63 = tpu.memref_squeeze %dma_wait3A_62 : memref<1x2x128xi32, #tpu.memory_space<hbm>> -> memref<2x128xi32, #tpu.memory_space<hbm>>
      %dma_wait3A_64 = arith.constant 0 : i32
      %dma_wait3A_65 = arith.constant 0 : i32
      %dma_wait3A_66 = tpu.memref_slice %arg2[%dma_wait3A, %dma_wait3A_64, %dma_wait3A_65] : memref<2592x2x128xi32, #tpu.memory_space<hbm>> -> memref<1x2x128xi32, #tpu.memory_space<hbm>>
      %dma_wait3A_67 = tpu.memref_squeeze %dma_wait3A_66 : memref<1x2x128xi32, #tpu.memory_space<hbm>> -> memref<2x128xi32, #tpu.memory_space<hbm>>
      tpu.wait_dma2 semaphore(%arg12 : memref<!tpu.dma_semaphore, #tpu.memory_space<semaphore_mem>>) src(%dma_wait3A_67 : memref<2x128xi32, #tpu.memory_space<hbm>>) dst(%arg5 : memref<2x128xi32, #tpu.memory_space<vmem>>)
      %get3A = arith.constant 1 : i32
      %get3A_68 = arith.index_cast %get3A : i32 to index
      %get3A_69 = arith.constant 0 : index
      %get3A_70 = tpu.vector_load %arg5[%get3A_68, %get3A_69] {strides = array<i32>} : memref<2x128xi32, #tpu.memory_space<vmem>>, vector<16xi32>,
      tpu.vector_store_idx %arg8[%get3A_70], %broadcast_in_dim3A_36 {add = true} : memref<10240xf32, #tpu.memory_space<vmem>>[vector<16xi32>], vector<16xf32>,
      %get3A_71 = arith.constant 1 : i32
      %get3A_72 = arith.index_cast %get3A_71 : i32 to index
      %get3A_73 = arith.constant 16 : index
      %get3A_74 = tpu.vector_load %arg5[%get3A_72, %get3A_73] {strides = array<i32>} : memref<2x128xi32, #tpu.memory_space<vmem>>, vector<16xi32>,
      tpu.vector_store_idx %arg8[%get3A_74], %broadcast_in_dim3A_36 {add = true} : memref<10240xf32, #tpu.memory_space<vmem>>[vector<16xi32>], vector<16xf32>,
      %get3A_75 = arith.constant 1 : i32
      %get3A_76 = arith.index_cast %get3A_75 : i32 to index
      %get3A_77 = arith.constant 32 : index
      %get3A_78 = tpu.vector_load %arg5[%get3A_76, %get3A_77] {strides = array<i32>} : memref<2x128xi32, #tpu.memory_space<vmem>>, vector<16xi32>,
      tpu.vector_store_idx %arg8[%get3A_78], %broadcast_in_dim3A_36 {add = true} : memref<10240xf32, #tpu.memory_space<vmem>>[vector<16xi32>], vector<16xf32>,
      %get3A_79 = arith.constant 1 : i32
      %get3A_80 = arith.index_cast %get3A_79 : i32 to index
      %get3A_81 = arith.constant 48 : index
      %get3A_82 = tpu.vector_load %arg5[%get3A_80, %get3A_81] {strides = array<i32>} : memref<2x128xi32, #tpu.memory_space<vmem>>, vector<16xi32>,
      tpu.vector_store_idx %arg8[%get3A_82], %broadcast_in_dim3A_36 {add = true} : memref<10240xf32, #tpu.memory_space<vmem>>[vector<16xi32>], vector<16xf32>,
      %get3A_83 = arith.constant 1 : i32
      %get3A_84 = arith.index_cast %get3A_83 : i32 to index
      %get3A_85 = arith.constant 64 : index
      %get3A_86 = tpu.vector_load %arg5[%get3A_84, %get3A_85] {strides = array<i32>} : memref<2x128xi32, #tpu.memory_space<vmem>>, vector<16xi32>,
      tpu.vector_store_idx %arg8[%get3A_86], %broadcast_in_dim3A_36 {add = true} : memref<10240xf32, #tpu.memory_space<vmem>>[vector<16xi32>], vector<16xf32>,
      %get3A_87 = arith.constant 1 : i32
      %get3A_88 = arith.index_cast %get3A_87 : i32 to index
      %get3A_89 = arith.constant 80 : index
      %get3A_90 = tpu.vector_load %arg5[%get3A_88, %get3A_89] {strides = array<i32>} : memref<2x128xi32, #tpu.memory_space<vmem>>, vector<16xi32>,
      tpu.vector_store_idx %arg8[%get3A_90], %broadcast_in_dim3A_36 {add = true} : memref<10240xf32, #tpu.memory_space<vmem>>[vector<16xi32>], vector<16xf32>,
      %get3A_91 = arith.constant 1 : i32
      %get3A_92 = arith.index_cast %get3A_91 : i32 to index
      %get3A_93 = arith.constant 96 : index
      %get3A_94 = tpu.vector_load %arg5[%get3A_92, %get3A_93] {strides = array<i32>} : memref<2x128xi32, #tpu.memory_space<vmem>>, vector<16xi32>,
      tpu.vector_store_idx %arg8[%get3A_94], %broadcast_in_dim3A_36 {add = true} : memref<10240xf32, #tpu.memory_space<vmem>>[vector<16xi32>], vector<16xf32>,
      %get3A_95 = arith.constant 1 : i32
      %get3A_96 = arith.index_cast %get3A_95 : i32 to index
      %get3A_97 = arith.constant 112 : index
      %get3A_98 = tpu.vector_load %arg5[%get3A_96, %get3A_97] {strides = array<i32>} : memref<2x128xi32, #tpu.memory_space<vmem>>, vector<16xi32>,
      tpu.vector_store_idx %arg8[%get3A_98], %broadcast_in_dim3A_36 {add = true} : memref<10240xf32, #tpu.memory_space<vmem>>[vector<16xi32>], vector<16xf32>,
      %add3A_99 = arith.constant 1 : i32
      %add3A_100 = arith.addi %scan3A_57, %add3A_99 : i32
      %lt3A = arith.constant 27 : i32
      %lt3A_101 = arith.cmpi slt, %add3A_100, %lt3A : i32
      %convert_element_type3A = arith.extui %lt3A_101 : i1 to i32
      %cond3A = arith.constant 0 : i32
      %cond3A_102 = arith.cmpi ne, %convert_element_type3A, %cond3A : i32
      scf.if %cond3A_102 {
        %add3A_199 = arith.constant 3 : i32
        %add3A_200 = arith.addi %mul3A_59, %add3A_199 : i32
        %add3A_201 = arith.constant 0 : i32
        %add3A_202 = arith.addi %add3A_200, %add3A_201 : i32
        %mul3A_203 = arith.constant 81 : i32
        %mul3A_204 = arith.muli %add3A, %mul3A_203 : i32
        %add3A_205 = arith.addi %mul3A_204, %add3A_202 : i32
        %dma_start3A_206 = arith.constant 0 : i32
        %dma_start3A_207 = arith.constant 0 : i32
        %dma_start3A_208 = tpu.memref_slice %arg2[%add3A_205, %dma_start3A_206, %dma_start3A_207] : memref<2592x2x128xi32, #tpu.memory_space<hbm>> -> memref<1x2x128xi32, #tpu.memory_space<hbm>>
        %dma_start3A_209 = tpu.memref_squeeze %dma_start3A_208 : memref<1x2x128xi32, #tpu.memory_space<hbm>> -> memref<2x128xi32, #tpu.memory_space<hbm>>
        %dma_start3A_210 = arith.constant 0 : i32
        %dma_start3A_211 = arith.constant 0 : i32
        %dma_start3A_212 = tpu.memref_slice %arg2[%add3A_205, %dma_start3A_210, %dma_start3A_211] : memref<2592x2x128xi32, #tpu.memory_space<hbm>> -> memref<1x2x128xi32, #tpu.memory_space<hbm>>
        %dma_start3A_213 = tpu.memref_squeeze %dma_start3A_212 : memref<1x2x128xi32, #tpu.memory_space<hbm>> -> memref<2x128xi32, #tpu.memory_space<hbm>>
        tpu.enqueue_dma source(%dma_start3A_213 : memref<2x128xi32, #tpu.memory_space<hbm>>) target(%arg5 : memref<2x128xi32, #tpu.memory_space<vmem>>) target_semaphore(%arg12 : memref<!tpu.dma_semaphore, #tpu.memory_space<semaphore_mem>>)
      } else {
      }
      %dma_wait3A_103 = arith.constant 0 : i32
      %dma_wait3A_104 = arith.constant 0 : i32
      %dma_wait3A_105 = arith.constant 0 : i32
      %dma_wait3A_106 = tpu.memref_slice %arg2[%dma_wait3A_103, %dma_wait3A_104, %dma_wait3A_105] : memref<2592x2x128xi32, #tpu.memory_space<hbm>> -> memref<1x2x128xi32, #tpu.memory_space<hbm>>
      %dma_wait3A_107 = tpu.memref_squeeze %dma_wait3A_106 : memref<1x2x128xi32, #tpu.memory_space<hbm>> -> memref<2x128xi32, #tpu.memory_space<hbm>>
      %dma_wait3A_108 = arith.constant 0 : i32
      %dma_wait3A_109 = arith.constant 0 : i32
      %dma_wait3A_110 = tpu.memref_slice %arg2[%dma_wait3A_103, %dma_wait3A_108, %dma_wait3A_109] : memref<2592x2x128xi32, #tpu.memory_space<hbm>> -> memref<1x2x128xi32, #tpu.memory_space<hbm>>
      %dma_wait3A_111 = tpu.memref_squeeze %dma_wait3A_110 : memref<1x2x128xi32, #tpu.memory_space<hbm>> -> memref<2x128xi32, #tpu.memory_space<hbm>>
      tpu.wait_dma2 semaphore(%arg13 : memref<!tpu.dma_semaphore, #tpu.memory_space<semaphore_mem>>) src(%dma_wait3A_111 : memref<2x128xi32, #tpu.memory_space<hbm>>) dst(%arg6 : memref<2x128xi32, #tpu.memory_space<vmem>>)
      %get3A_112 = arith.constant 1 : i32
      %get3A_113 = arith.index_cast %get3A_112 : i32 to index
      %get3A_114 = arith.constant 0 : index
      %get3A_115 = tpu.vector_load %arg6[%get3A_113, %get3A_114] {strides = array<i32>} : memref<2x128xi32, #tpu.memory_space<vmem>>, vector<16xi32>,
      tpu.vector_store_idx %arg8[%get3A_115], %broadcast_in_dim3A_36 {add = true} : memref<10240xf32, #tpu.memory_space<vmem>>[vector<16xi32>], vector<16xf32>,
      %get3A_116 = arith.constant 1 : i32
      %get3A_117 = arith.index_cast %get3A_116 : i32 to index
      %get3A_118 = arith.constant 16 : index
      %get3A_119 = tpu.vector_load %arg6[%get3A_117, %get3A_118] {strides = array<i32>} : memref<2x128xi32, #tpu.memory_space<vmem>>, vector<16xi32>,
      tpu.vector_store_idx %arg8[%get3A_119], %broadcast_in_dim3A_36 {add = true} : memref<10240xf32, #tpu.memory_space<vmem>>[vector<16xi32>], vector<16xf32>,
      %get3A_120 = arith.constant 1 : i32
      %get3A_121 = arith.index_cast %get3A_120 : i32 to index
      %get3A_122 = arith.constant 32 : index
      %get3A_123 = tpu.vector_load %arg6[%get3A_121, %get3A_122] {strides = array<i32>} : memref<2x128xi32, #tpu.memory_space<vmem>>, vector<16xi32>,
      tpu.vector_store_idx %arg8[%get3A_123], %broadcast_in_dim3A_36 {add = true} : memref<10240xf32, #tpu.memory_space<vmem>>[vector<16xi32>], vector<16xf32>,
      %get3A_124 = arith.constant 1 : i32
      %get3A_125 = arith.index_cast %get3A_124 : i32 to index
      %get3A_126 = arith.constant 48 : index
      %get3A_127 = tpu.vector_load %arg6[%get3A_125, %get3A_126] {strides = array<i32>} : memref<2x128xi32, #tpu.memory_space<vmem>>, vector<16xi32>,
      tpu.vector_store_idx %arg8[%get3A_127], %broadcast_in_dim3A_36 {add = true} : memref<10240xf32, #tpu.memory_space<vmem>>[vector<16xi32>], vector<16xf32>,
      %get3A_128 = arith.constant 1 : i32
      %get3A_129 = arith.index_cast %get3A_128 : i32 to index
      %get3A_130 = arith.constant 64 : index
      %get3A_131 = tpu.vector_load %arg6[%get3A_129, %get3A_130] {strides = array<i32>} : memref<2x128xi32, #tpu.memory_space<vmem>>, vector<16xi32>,
      tpu.vector_store_idx %arg8[%get3A_131], %broadcast_in_dim3A_36 {add = true} : memref<10240xf32, #tpu.memory_space<vmem>>[vector<16xi32>], vector<16xf32>,
      %get3A_132 = arith.constant 1 : i32
      %get3A_133 = arith.index_cast %get3A_132 : i32 to index
      %get3A_134 = arith.constant 80 : index
      %get3A_135 = tpu.vector_load %arg6[%get3A_133, %get3A_134] {strides = array<i32>} : memref<2x128xi32, #tpu.memory_space<vmem>>, vector<16xi32>,
      tpu.vector_store_idx %arg8[%get3A_135], %broadcast_in_dim3A_36 {add = true} : memref<10240xf32, #tpu.memory_space<vmem>>[vector<16xi32>], vector<16xf32>,
      %get3A_136 = arith.constant 1 : i32
      %get3A_137 = arith.index_cast %get3A_136 : i32 to index
      %get3A_138 = arith.constant 96 : index
      %get3A_139 = tpu.vector_load %arg6[%get3A_137, %get3A_138] {strides = array<i32>} : memref<2x128xi32, #tpu.memory_space<vmem>>, vector<16xi32>,
      tpu.vector_store_idx %arg8[%get3A_139], %broadcast_in_dim3A_36 {add = true} : memref<10240xf32, #tpu.memory_space<vmem>>[vector<16xi32>], vector<16xf32>,
      %get3A_140 = arith.constant 1 : i32
      %get3A_141 = arith.index_cast %get3A_140 : i32 to index
      %get3A_142 = arith.constant 112 : index
      %get3A_143 = tpu.vector_load %arg6[%get3A_141, %get3A_142] {strides = array<i32>} : memref<2x128xi32, #tpu.memory_space<vmem>>, vector<16xi32>,
      tpu.vector_store_idx %arg8[%get3A_143], %broadcast_in_dim3A_36 {add = true} : memref<10240xf32, #tpu.memory_space<vmem>>[vector<16xi32>], vector<16xf32>,
      %add3A_144 = arith.constant 1 : i32
      %add3A_145 = arith.addi %scan3A_57, %add3A_144 : i32
      %lt3A_146 = arith.constant 27 : i32
      %lt3A_147 = arith.cmpi slt, %add3A_145, %lt3A_146 : i32
      %convert_element_type3A_148 = arith.extui %lt3A_147 : i1 to i32
      %cond3A_149 = arith.constant 0 : i32
      %cond3A_150 = arith.cmpi ne, %convert_element_type3A_148, %cond3A_149 : i32
      scf.if %cond3A_150 {
        %add3A_199 = arith.constant 3 : i32
        %add3A_200 = arith.addi %mul3A_59, %add3A_199 : i32
        %add3A_201 = arith.constant 1 : i32
        %add3A_202 = arith.addi %add3A_200, %add3A_201 : i32
        %mul3A_203 = arith.constant 81 : i32
        %mul3A_204 = arith.muli %add3A, %mul3A_203 : i32
        %add3A_205 = arith.addi %mul3A_204, %add3A_202 : i32
        %dma_start3A_206 = arith.constant 0 : i32
        %dma_start3A_207 = arith.constant 0 : i32
        %dma_start3A_208 = tpu.memref_slice %arg2[%add3A_205, %dma_start3A_206, %dma_start3A_207] : memref<2592x2x128xi32, #tpu.memory_space<hbm>> -> memref<1x2x128xi32, #tpu.memory_space<hbm>>
        %dma_start3A_209 = tpu.memref_squeeze %dma_start3A_208 : memref<1x2x128xi32, #tpu.memory_space<hbm>> -> memref<2x128xi32, #tpu.memory_space<hbm>>
        %dma_start3A_210 = arith.constant 0 : i32
        %dma_start3A_211 = arith.constant 0 : i32
        %dma_start3A_212 = tpu.memref_slice %arg2[%add3A_205, %dma_start3A_210, %dma_start3A_211] : memref<2592x2x128xi32, #tpu.memory_space<hbm>> -> memref<1x2x128xi32, #tpu.memory_space<hbm>>
        %dma_start3A_213 = tpu.memref_squeeze %dma_start3A_212 : memref<1x2x128xi32, #tpu.memory_space<hbm>> -> memref<2x128xi32, #tpu.memory_space<hbm>>
        tpu.enqueue_dma source(%dma_start3A_213 : memref<2x128xi32, #tpu.memory_space<hbm>>) target(%arg6 : memref<2x128xi32, #tpu.memory_space<vmem>>) target_semaphore(%arg13 : memref<!tpu.dma_semaphore, #tpu.memory_space<semaphore_mem>>)
      } else {
      }
      %dma_wait3A_151 = arith.constant 0 : i32
      %dma_wait3A_152 = arith.constant 0 : i32
      %dma_wait3A_153 = arith.constant 0 : i32
      %dma_wait3A_154 = tpu.memref_slice %arg2[%dma_wait3A_151, %dma_wait3A_152, %dma_wait3A_153] : memref<2592x2x128xi32, #tpu.memory_space<hbm>> -> memref<1x2x128xi32, #tpu.memory_space<hbm>>
      %dma_wait3A_155 = tpu.memref_squeeze %dma_wait3A_154 : memref<1x2x128xi32, #tpu.memory_space<hbm>> -> memref<2x128xi32, #tpu.memory_space<hbm>>
      %dma_wait3A_156 = arith.constant 0 : i32
      %dma_wait3A_157 = arith.constant 0 : i32
      %dma_wait3A_158 = tpu.memref_slice %arg2[%dma_wait3A_151, %dma_wait3A_156, %dma_wait3A_157] : memref<2592x2x128xi32, #tpu.memory_space<hbm>> -> memref<1x2x128xi32, #tpu.memory_space<hbm>>
      %dma_wait3A_159 = tpu.memref_squeeze %dma_wait3A_158 : memref<1x2x128xi32, #tpu.memory_space<hbm>> -> memref<2x128xi32, #tpu.memory_space<hbm>>
      tpu.wait_dma2 semaphore(%arg14 : memref<!tpu.dma_semaphore, #tpu.memory_space<semaphore_mem>>) src(%dma_wait3A_159 : memref<2x128xi32, #tpu.memory_space<hbm>>) dst(%arg7 : memref<2x128xi32, #tpu.memory_space<vmem>>)
      %get3A_160 = arith.constant 1 : i32
      %get3A_161 = arith.index_cast %get3A_160 : i32 to index
      %get3A_162 = arith.constant 0 : index
      %get3A_163 = tpu.vector_load %arg7[%get3A_161, %get3A_162] {strides = array<i32>} : memref<2x128xi32, #tpu.memory_space<vmem>>, vector<16xi32>,
      tpu.vector_store_idx %arg8[%get3A_163], %broadcast_in_dim3A_36 {add = true} : memref<10240xf32, #tpu.memory_space<vmem>>[vector<16xi32>], vector<16xf32>,
      %get3A_164 = arith.constant 1 : i32
      %get3A_165 = arith.index_cast %get3A_164 : i32 to index
      %get3A_166 = arith.constant 16 : index
      %get3A_167 = tpu.vector_load %arg7[%get3A_165, %get3A_166] {strides = array<i32>} : memref<2x128xi32, #tpu.memory_space<vmem>>, vector<16xi32>,
      tpu.vector_store_idx %arg8[%get3A_167], %broadcast_in_dim3A_36 {add = true} : memref<10240xf32, #tpu.memory_space<vmem>>[vector<16xi32>], vector<16xf32>,
      %get3A_168 = arith.constant 1 : i32
      %get3A_169 = arith.index_cast %get3A_168 : i32 to index
      %get3A_170 = arith.constant 32 : index
      %get3A_171 = tpu.vector_load %arg7[%get3A_169, %get3A_170] {strides = array<i32>} : memref<2x128xi32, #tpu.memory_space<vmem>>, vector<16xi32>,
      tpu.vector_store_idx %arg8[%get3A_171], %broadcast_in_dim3A_36 {add = true} : memref<10240xf32, #tpu.memory_space<vmem>>[vector<16xi32>], vector<16xf32>,
      %get3A_172 = arith.constant 1 : i32
      %get3A_173 = arith.index_cast %get3A_172 : i32 to index
      %get3A_174 = arith.constant 48 : index
      %get3A_175 = tpu.vector_load %arg7[%get3A_173, %get3A_174] {strides = array<i32>} : memref<2x128xi32, #tpu.memory_space<vmem>>, vector<16xi32>,
      tpu.vector_store_idx %arg8[%get3A_175], %broadcast_in_dim3A_36 {add = true} : memref<10240xf32, #tpu.memory_space<vmem>>[vector<16xi32>], vector<16xf32>,
      %get3A_176 = arith.constant 1 : i32
      %get3A_177 = arith.index_cast %get3A_176 : i32 to index
      %get3A_178 = arith.constant 64 : index
      %get3A_179 = tpu.vector_load %arg7[%get3A_177, %get3A_178] {strides = array<i32>} : memref<2x128xi32, #tpu.memory_space<vmem>>, vector<16xi32>,
      tpu.vector_store_idx %arg8[%get3A_179], %broadcast_in_dim3A_36 {add = true} : memref<10240xf32, #tpu.memory_space<vmem>>[vector<16xi32>], vector<16xf32>,
      %get3A_180 = arith.constant 1 : i32
      %get3A_181 = arith.index_cast %get3A_180 : i32 to index
      %get3A_182 = arith.constant 80 : index
      %get3A_183 = tpu.vector_load %arg7[%get3A_181, %get3A_182] {strides = array<i32>} : memref<2x128xi32, #tpu.memory_space<vmem>>, vector<16xi32>,
      tpu.vector_store_idx %arg8[%get3A_183], %broadcast_in_dim3A_36 {add = true} : memref<10240xf32, #tpu.memory_space<vmem>>[vector<16xi32>], vector<16xf32>,
      %get3A_184 = arith.constant 1 : i32
      %get3A_185 = arith.index_cast %get3A_184 : i32 to index
      %get3A_186 = arith.constant 96 : index
      %get3A_187 = tpu.vector_load %arg7[%get3A_185, %get3A_186] {strides = array<i32>} : memref<2x128xi32, #tpu.memory_space<vmem>>, vector<16xi32>,
      tpu.vector_store_idx %arg8[%get3A_187], %broadcast_in_dim3A_36 {add = true} : memref<10240xf32, #tpu.memory_space<vmem>>[vector<16xi32>], vector<16xf32>,
      %get3A_188 = arith.constant 1 : i32
      %get3A_189 = arith.index_cast %get3A_188 : i32 to index
      %get3A_190 = arith.constant 112 : index
      %get3A_191 = tpu.vector_load %arg7[%get3A_189, %get3A_190] {strides = array<i32>} : memref<2x128xi32, #tpu.memory_space<vmem>>, vector<16xi32>,
      tpu.vector_store_idx %arg8[%get3A_191], %broadcast_in_dim3A_36 {add = true} : memref<10240xf32, #tpu.memory_space<vmem>>[vector<16xi32>], vector<16xf32>,
      %add3A_192 = arith.constant 1 : i32
      %add3A_193 = arith.addi %scan3A_57, %add3A_192 : i32
      %lt3A_194 = arith.constant 27 : i32
      %lt3A_195 = arith.cmpi slt, %add3A_193, %lt3A_194 : i32
      %convert_element_type3A_196 = arith.extui %lt3A_195 : i1 to i32
      %cond3A_197 = arith.constant 0 : i32
      %cond3A_198 = arith.cmpi ne, %convert_element_type3A_196, %cond3A_197 : i32
      scf.if %cond3A_198 {
        %add3A_199 = arith.constant 3 : i32
        %add3A_200 = arith.addi %mul3A_59, %add3A_199 : i32
        %add3A_201 = arith.constant 2 : i32
        %add3A_202 = arith.addi %add3A_200, %add3A_201 : i32
        %mul3A_203 = arith.constant 81 : i32
        %mul3A_204 = arith.muli %add3A, %mul3A_203 : i32
        %add3A_205 = arith.addi %mul3A_204, %add3A_202 : i32
        %dma_start3A_206 = arith.constant 0 : i32
        %dma_start3A_207 = arith.constant 0 : i32
        %dma_start3A_208 = tpu.memref_slice %arg2[%add3A_205, %dma_start3A_206, %dma_start3A_207] : memref<2592x2x128xi32, #tpu.memory_space<hbm>> -> memref<1x2x128xi32, #tpu.memory_space<hbm>>
        %dma_start3A_209 = tpu.memref_squeeze %dma_start3A_208 : memref<1x2x128xi32, #tpu.memory_space<hbm>> -> memref<2x128xi32, #tpu.memory_space<hbm>>
        %dma_start3A_210 = arith.constant 0 : i32
        %dma_start3A_211 = arith.constant 0 : i32
        %dma_start3A_212 = tpu.memref_slice %arg2[%add3A_205, %dma_start3A_210, %dma_start3A_211] : memref<2592x2x128xi32, #tpu.memory_space<hbm>> -> memref<1x2x128xi32, #tpu.memory_space<hbm>>
        %dma_start3A_213 = tpu.memref_squeeze %dma_start3A_212 : memref<1x2x128xi32, #tpu.memory_space<hbm>> -> memref<2x128xi32, #tpu.memory_space<hbm>>
        tpu.enqueue_dma source(%dma_start3A_213 : memref<2x128xi32, #tpu.memory_space<hbm>>) target(%arg7 : memref<2x128xi32, #tpu.memory_space<vmem>>) target_semaphore(%arg14 : memref<!tpu.dma_semaphore, #tpu.memory_space<semaphore_mem>>)
      } else {
      }
    }
    %scan3A_41 = arith.constant 27 : i32
    %mul3A_42 = arith.constant 10240 : i32
    %mul3A_43 = arith.muli %arg1, %mul3A_42 : i32
    "tpu.region"() ({
      %run_scoped3A = tpu.sem_alloc : memref<!tpu.dma_semaphore, #tpu.memory_space<semaphore_mem>>
      %dma_start3A_57 = tpu.memref_slice %arg11[%mul3A_43] : memref<163840xf32, #tpu.memory_space<vmem_shared>> -> memref<10240xf32, #tpu.memory_space<vmem_shared>>
      %dma_start3A_58 = tpu.memref_slice %arg11[%mul3A_43] : memref<163840xf32, #tpu.memory_space<vmem_shared>> -> memref<10240xf32, #tpu.memory_space<vmem_shared>>
      tpu.enqueue_dma source(%arg8 : memref<10240xf32, #tpu.memory_space<vmem>>) target(%dma_start3A_58 : memref<10240xf32, #tpu.memory_space<vmem_shared>>) target_semaphore(%run_scoped3A : memref<!tpu.dma_semaphore, #tpu.memory_space<semaphore_mem>>)
      %dma_wait3A = tpu.memref_slice %arg11[%mul3A_43] : memref<163840xf32, #tpu.memory_space<vmem_shared>> -> memref<10240xf32, #tpu.memory_space<vmem_shared>>
      %dma_wait3A_59 = tpu.memref_slice %arg11[%mul3A_43] : memref<163840xf32, #tpu.memory_space<vmem_shared>> -> memref<10240xf32, #tpu.memory_space<vmem_shared>>
      tpu.wait_dma2 semaphore(%run_scoped3A : memref<!tpu.dma_semaphore, #tpu.memory_space<semaphore_mem>>) src(%arg8 : memref<10240xf32, #tpu.memory_space<vmem>>) dst(%dma_wait3A_59 : memref<10240xf32, #tpu.memory_space<vmem_shared>>)
      tpu.yield
    }) : () -> ()
    %barrier3A = arith.constant 0 : index
    tpu.barrier barrier_id(%barrier3A)
    %mul3A_44 = arith.constant 640 : i32
    %mul3A_45 = arith.muli %arg1, %mul3A_44 : i32
    "tpu.region"() ({
      %run_scoped3A = tpu.sem_alloc : memref<!tpu.dma_semaphore, #tpu.memory_space<semaphore_mem>>
      %dma_start3A_57 = tpu.memref_slice %arg11[%mul3A_45] : memref<163840xf32, #tpu.memory_space<vmem_shared>> -> memref<640xf32, #tpu.memory_space<vmem_shared>>
      %dma_start3A_58 = tpu.memref_slice %arg11[%mul3A_45] : memref<163840xf32, #tpu.memory_space<vmem_shared>> -> memref<640xf32, #tpu.memory_space<vmem_shared>>
      tpu.enqueue_dma source(%dma_start3A_58 : memref<640xf32, #tpu.memory_space<vmem_shared>>) target(%arg10 : memref<640xf32, #tpu.memory_space<vmem>>) target_semaphore(%run_scoped3A : memref<!tpu.dma_semaphore, #tpu.memory_space<semaphore_mem>>)
      %dma_wait3A = tpu.memref_slice %arg11[%mul3A_45] : memref<163840xf32, #tpu.memory_space<vmem_shared>> -> memref<640xf32, #tpu.memory_space<vmem_shared>>
      %dma_wait3A_59 = tpu.memref_slice %arg11[%mul3A_45] : memref<163840xf32, #tpu.memory_space<vmem_shared>> -> memref<640xf32, #tpu.memory_space<vmem_shared>>
      tpu.wait_dma2 semaphore(%run_scoped3A : memref<!tpu.dma_semaphore, #tpu.memory_space<semaphore_mem>>) src(%dma_wait3A_59 : memref<640xf32, #tpu.memory_space<vmem_shared>>) dst(%arg10 : memref<640xf32, #tpu.memory_space<vmem>>)
      tpu.yield
    }) : () -> ()
    %scan3A_46 = arith.constant 0 : i32
    %scan3A_47 = arith.constant 1 : i32
    %scan3A_48 = arith.constant 15 : i32
    %scan3A_49 = arith.addi %scan3A_47, %scan3A_48 : i32
    %scan3A_50 = arith.constant 1 : i32
    scf.for %scan3A_57 = %scan3A_47 to %scan3A_49 step %scan3A_50  : i32 {
      %mul3A_58 = arith.constant 10240 : i32
      %mul3A_59 = arith.muli %scan3A_57, %mul3A_58 : i32
      %mul3A_60 = arith.constant 640 : i32
      %mul3A_61 = arith.muli %arg1, %mul3A_60 : i32
      %add3A_62 = arith.addi %mul3A_59, %mul3A_61 : i32
      "tpu.region"() ({
        %run_scoped3A = tpu.sem_alloc : memref<!tpu.dma_semaphore, #tpu.memory_space<semaphore_mem>>
        %dma_start3A_341 = tpu.memref_slice %arg11[%add3A_62] : memref<163840xf32, #tpu.memory_space<vmem_shared>> -> memref<640xf32, #tpu.memory_space<vmem_shared>>
        %dma_start3A_342 = tpu.memref_slice %arg11[%add3A_62] : memref<163840xf32, #tpu.memory_space<vmem_shared>> -> memref<640xf32, #tpu.memory_space<vmem_shared>>
        tpu.enqueue_dma source(%dma_start3A_342 : memref<640xf32, #tpu.memory_space<vmem_shared>>) target(%arg9 : memref<640xf32, #tpu.memory_space<vmem>>) target_semaphore(%run_scoped3A : memref<!tpu.dma_semaphore, #tpu.memory_space<semaphore_mem>>)
        %dma_wait3A = tpu.memref_slice %arg11[%add3A_62] : memref<163840xf32, #tpu.memory_space<vmem_shared>> -> memref<640xf32, #tpu.memory_space<vmem_shared>>
        %dma_wait3A_343 = tpu.memref_slice %arg11[%add3A_62] : memref<163840xf32, #tpu.memory_space<vmem_shared>> -> memref<640xf32, #tpu.memory_space<vmem_shared>>
        tpu.wait_dma2 semaphore(%run_scoped3A : memref<!tpu.dma_semaphore, #tpu.memory_space<semaphore_mem>>) src(%dma_wait3A_343 : memref<640xf32, #tpu.memory_space<vmem_shared>>) dst(%arg9 : memref<640xf32, #tpu.memory_space<vmem>>)
        tpu.yield
      }) : () -> ()
      %get3A = arith.constant 0 : index
      %get3A_63 = tpu.vector_load %arg10[%get3A] {strides = array<i32>} : memref<640xf32, #tpu.memory_space<vmem>>, vector<16xf32>,
      %get3A_64 = arith.constant 0 : index
      %get3A_65 = tpu.vector_load %arg9[%get3A_64] {strides = array<i32>} : memref<640xf32, #tpu.memory_space<vmem>>, vector<16xf32>,
      %add3A_66 = arith.addf %get3A_63, %get3A_65 : vector<16xf32>
      %swap3A = arith.constant 0 : index
      %swap3A_67 = tpu.vector_load %arg10[%swap3A] {strides = array<i32>} : memref<640xf32, #tpu.memory_space<vmem>>, vector<16xf32>,
      tpu.vector_store %arg10[%swap3A], %add3A_66 {strides = array<i32>} : memref<640xf32, #tpu.memory_space<vmem>>, vector<16xf32>,
      %get3A_68 = arith.constant 16 : index
      %get3A_69 = tpu.vector_load %arg10[%get3A_68] {strides = array<i32>} : memref<640xf32, #tpu.memory_space<vmem>>, vector<16xf32>,
      %get3A_70 = arith.constant 16 : index
      %get3A_71 = tpu.vector_load %arg9[%get3A_70] {strides = array<i32>} : memref<640xf32, #tpu.memory_space<vmem>>, vector<16xf32>,
      %add3A_72 = arith.addf %get3A_69, %get3A_71 : vector<16xf32>
      %swap3A_73 = arith.constant 16 : index
      %swap3A_74 = tpu.vector_load %arg10[%swap3A_73] {strides = array<i32>} : memref<640xf32, #tpu.memory_space<vmem>>, vector<16xf32>,
      tpu.vector_store %arg10[%swap3A_73], %add3A_72 {strides = array<i32>} : memref<640xf32, #tpu.memory_space<vmem>>, vector<16xf32>,
      %get3A_75 = arith.constant 32 : index
      %get3A_76 = tpu.vector_load %arg10[%get3A_75] {strides = array<i32>} : memref<640xf32, #tpu.memory_space<vmem>>, vector<16xf32>,
      %get3A_77 = arith.constant 32 : index
      %get3A_78 = tpu.vector_load %arg9[%get3A_77] {strides = array<i32>} : memref<640xf32, #tpu.memory_space<vmem>>, vector<16xf32>,
      %add3A_79 = arith.addf %get3A_76, %get3A_78 : vector<16xf32>
      %swap3A_80 = arith.constant 32 : index
      %swap3A_81 = tpu.vector_load %arg10[%swap3A_80] {strides = array<i32>} : memref<640xf32, #tpu.memory_space<vmem>>, vector<16xf32>,
      tpu.vector_store %arg10[%swap3A_80], %add3A_79 {strides = array<i32>} : memref<640xf32, #tpu.memory_space<vmem>>, vector<16xf32>,
      %get3A_82 = arith.constant 48 : index
      %get3A_83 = tpu.vector_load %arg10[%get3A_82] {strides = array<i32>} : memref<640xf32, #tpu.memory_space<vmem>>, vector<16xf32>,
      %get3A_84 = arith.constant 48 : index
      %get3A_85 = tpu.vector_load %arg9[%get3A_84] {strides = array<i32>} : memref<640xf32, #tpu.memory_space<vmem>>, vector<16xf32>,
      %add3A_86 = arith.addf %get3A_83, %get3A_85 : vector<16xf32>
      %swap3A_87 = arith.constant 48 : index
      %swap3A_88 = tpu.vector_load %arg10[%swap3A_87] {strides = array<i32>} : memref<640xf32, #tpu.memory_space<vmem>>, vector<16xf32>,
      tpu.vector_store %arg10[%swap3A_87], %add3A_86 {strides = array<i32>} : memref<640xf32, #tpu.memory_space<vmem>>, vector<16xf32>,
      %get3A_89 = arith.constant 64 : index
      %get3A_90 = tpu.vector_load %arg10[%get3A_89] {strides = array<i32>} : memref<640xf32, #tpu.memory_space<vmem>>, vector<16xf32>,
      %get3A_91 = arith.constant 64 : index
      %get3A_92 = tpu.vector_load %arg9[%get3A_91] {strides = array<i32>} : memref<640xf32, #tpu.memory_space<vmem>>, vector<16xf32>,
      %add3A_93 = arith.addf %get3A_90, %get3A_92 : vector<16xf32>
      %swap3A_94 = arith.constant 64 : index
      %swap3A_95 = tpu.vector_load %arg10[%swap3A_94] {strides = array<i32>} : memref<640xf32, #tpu.memory_space<vmem>>, vector<16xf32>,
      tpu.vector_store %arg10[%swap3A_94], %add3A_93 {strides = array<i32>} : memref<640xf32, #tpu.memory_space<vmem>>, vector<16xf32>,
      %get3A_96 = arith.constant 80 : index
      %get3A_97 = tpu.vector_load %arg10[%get3A_96] {strides = array<i32>} : memref<640xf32, #tpu.memory_space<vmem>>, vector<16xf32>,
      %get3A_98 = arith.constant 80 : index
      %get3A_99 = tpu.vector_load %arg9[%get3A_98] {strides = array<i32>} : memref<640xf32, #tpu.memory_space<vmem>>, vector<16xf32>,
      %add3A_100 = arith.addf %get3A_97, %get3A_99 : vector<16xf32>
      %swap3A_101 = arith.constant 80 : index
      %swap3A_102 = tpu.vector_load %arg10[%swap3A_101] {strides = array<i32>} : memref<640xf32, #tpu.memory_space<vmem>>, vector<16xf32>,
      tpu.vector_store %arg10[%swap3A_101], %add3A_100 {strides = array<i32>} : memref<640xf32, #tpu.memory_space<vmem>>, vector<16xf32>,
      %get3A_103 = arith.constant 96 : index
      %get3A_104 = tpu.vector_load %arg10[%get3A_103] {strides = array<i32>} : memref<640xf32, #tpu.memory_space<vmem>>, vector<16xf32>,
      %get3A_105 = arith.constant 96 : index
      %get3A_106 = tpu.vector_load %arg9[%get3A_105] {strides = array<i32>} : memref<640xf32, #tpu.memory_space<vmem>>, vector<16xf32>,
      %add3A_107 = arith.addf %get3A_104, %get3A_106 : vector<16xf32>
      %swap3A_108 = arith.constant 96 : index
      %swap3A_109 = tpu.vector_load %arg10[%swap3A_108] {strides = array<i32>} : memref<640xf32, #tpu.memory_space<vmem>>, vector<16xf32>,
      tpu.vector_store %arg10[%swap3A_108], %add3A_107 {strides = array<i32>} : memref<640xf32, #tpu.memory_space<vmem>>, vector<16xf32>,
      %get3A_110 = arith.constant 112 : index
      %get3A_111 = tpu.vector_load %arg10[%get3A_110] {strides = array<i32>} : memref<640xf32, #tpu.memory_space<vmem>>, vector<16xf32>,
      %get3A_112 = arith.constant 112 : index
      %get3A_113 = tpu.vector_load %arg9[%get3A_112] {strides = array<i32>} : memref<640xf32, #tpu.memory_space<vmem>>, vector<16xf32>,
      %add3A_114 = arith.addf %get3A_111, %get3A_113 : vector<16xf32>
      %swap3A_115 = arith.constant 112 : index
      %swap3A_116 = tpu.vector_load %arg10[%swap3A_115] {strides = array<i32>} : memref<640xf32, #tpu.memory_space<vmem>>, vector<16xf32>,
      tpu.vector_store %arg10[%swap3A_115], %add3A_114 {strides = array<i32>} : memref<640xf32, #tpu.memory_space<vmem>>, vector<16xf32>,
      %get3A_117 = arith.constant 128 : index
      %get3A_118 = tpu.vector_load %arg10[%get3A_117] {strides = array<i32>} : memref<640xf32, #tpu.memory_space<vmem>>, vector<16xf32>,
      %get3A_119 = arith.constant 128 : index
      %get3A_120 = tpu.vector_load %arg9[%get3A_119] {strides = array<i32>} : memref<640xf32, #tpu.memory_space<vmem>>, vector<16xf32>,
      %add3A_121 = arith.addf %get3A_118, %get3A_120 : vector<16xf32>
      %swap3A_122 = arith.constant 128 : index
      %swap3A_123 = tpu.vector_load %arg10[%swap3A_122] {strides = array<i32>} : memref<640xf32, #tpu.memory_space<vmem>>, vector<16xf32>,
      tpu.vector_store %arg10[%swap3A_122], %add3A_121 {strides = array<i32>} : memref<640xf32, #tpu.memory_space<vmem>>, vector<16xf32>,
      %get3A_124 = arith.constant 144 : index
      %get3A_125 = tpu.vector_load %arg10[%get3A_124] {strides = array<i32>} : memref<640xf32, #tpu.memory_space<vmem>>, vector<16xf32>,
      %get3A_126 = arith.constant 144 : index
      %get3A_127 = tpu.vector_load %arg9[%get3A_126] {strides = array<i32>} : memref<640xf32, #tpu.memory_space<vmem>>, vector<16xf32>,
      %add3A_128 = arith.addf %get3A_125, %get3A_127 : vector<16xf32>
      %swap3A_129 = arith.constant 144 : index
      %swap3A_130 = tpu.vector_load %arg10[%swap3A_129] {strides = array<i32>} : memref<640xf32, #tpu.memory_space<vmem>>, vector<16xf32>,
      tpu.vector_store %arg10[%swap3A_129], %add3A_128 {strides = array<i32>} : memref<640xf32, #tpu.memory_space<vmem>>, vector<16xf32>,
      %get3A_131 = arith.constant 160 : index
      %get3A_132 = tpu.vector_load %arg10[%get3A_131] {strides = array<i32>} : memref<640xf32, #tpu.memory_space<vmem>>, vector<16xf32>,
      %get3A_133 = arith.constant 160 : index
      %get3A_134 = tpu.vector_load %arg9[%get3A_133] {strides = array<i32>} : memref<640xf32, #tpu.memory_space<vmem>>, vector<16xf32>,
      %add3A_135 = arith.addf %get3A_132, %get3A_134 : vector<16xf32>
      %swap3A_136 = arith.constant 160 : index
      %swap3A_137 = tpu.vector_load %arg10[%swap3A_136] {strides = array<i32>} : memref<640xf32, #tpu.memory_space<vmem>>, vector<16xf32>,
      tpu.vector_store %arg10[%swap3A_136], %add3A_135 {strides = array<i32>} : memref<640xf32, #tpu.memory_space<vmem>>, vector<16xf32>,
      %get3A_138 = arith.constant 176 : index
      %get3A_139 = tpu.vector_load %arg10[%get3A_138] {strides = array<i32>} : memref<640xf32, #tpu.memory_space<vmem>>, vector<16xf32>,
      %get3A_140 = arith.constant 176 : index
      %get3A_141 = tpu.vector_load %arg9[%get3A_140] {strides = array<i32>} : memref<640xf32, #tpu.memory_space<vmem>>, vector<16xf32>,
      %add3A_142 = arith.addf %get3A_139, %get3A_141 : vector<16xf32>
      %swap3A_143 = arith.constant 176 : index
      %swap3A_144 = tpu.vector_load %arg10[%swap3A_143] {strides = array<i32>} : memref<640xf32, #tpu.memory_space<vmem>>, vector<16xf32>,
      tpu.vector_store %arg10[%swap3A_143], %add3A_142 {strides = array<i32>} : memref<640xf32, #tpu.memory_space<vmem>>, vector<16xf32>,
      %get3A_145 = arith.constant 192 : index
      %get3A_146 = tpu.vector_load %arg10[%get3A_145] {strides = array<i32>} : memref<640xf32, #tpu.memory_space<vmem>>, vector<16xf32>,
      %get3A_147 = arith.constant 192 : index
      %get3A_148 = tpu.vector_load %arg9[%get3A_147] {strides = array<i32>} : memref<640xf32, #tpu.memory_space<vmem>>, vector<16xf32>,
      %add3A_149 = arith.addf %get3A_146, %get3A_148 : vector<16xf32>
      %swap3A_150 = arith.constant 192 : index
      %swap3A_151 = tpu.vector_load %arg10[%swap3A_150] {strides = array<i32>} : memref<640xf32, #tpu.memory_space<vmem>>, vector<16xf32>,
      tpu.vector_store %arg10[%swap3A_150], %add3A_149 {strides = array<i32>} : memref<640xf32, #tpu.memory_space<vmem>>, vector<16xf32>,
      %get3A_152 = arith.constant 208 : index
      %get3A_153 = tpu.vector_load %arg10[%get3A_152] {strides = array<i32>} : memref<640xf32, #tpu.memory_space<vmem>>, vector<16xf32>,
      %get3A_154 = arith.constant 208 : index
      %get3A_155 = tpu.vector_load %arg9[%get3A_154] {strides = array<i32>} : memref<640xf32, #tpu.memory_space<vmem>>, vector<16xf32>,
      %add3A_156 = arith.addf %get3A_153, %get3A_155 : vector<16xf32>
      %swap3A_157 = arith.constant 208 : index
      %swap3A_158 = tpu.vector_load %arg10[%swap3A_157] {strides = array<i32>} : memref<640xf32, #tpu.memory_space<vmem>>, vector<16xf32>,
      tpu.vector_store %arg10[%swap3A_157], %add3A_156 {strides = array<i32>} : memref<640xf32, #tpu.memory_space<vmem>>, vector<16xf32>,
      %get3A_159 = arith.constant 224 : index
      %get3A_160 = tpu.vector_load %arg10[%get3A_159] {strides = array<i32>} : memref<640xf32, #tpu.memory_space<vmem>>, vector<16xf32>,
      %get3A_161 = arith.constant 224 : index
      %get3A_162 = tpu.vector_load %arg9[%get3A_161] {strides = array<i32>} : memref<640xf32, #tpu.memory_space<vmem>>, vector<16xf32>,
      %add3A_163 = arith.addf %get3A_160, %get3A_162 : vector<16xf32>
      %swap3A_164 = arith.constant 224 : index
      %swap3A_165 = tpu.vector_load %arg10[%swap3A_164] {strides = array<i32>} : memref<640xf32, #tpu.memory_space<vmem>>, vector<16xf32>,
      tpu.vector_store %arg10[%swap3A_164], %add3A_163 {strides = array<i32>} : memref<640xf32, #tpu.memory_space<vmem>>, vector<16xf32>,
      %get3A_166 = arith.constant 240 : index
      %get3A_167 = tpu.vector_load %arg10[%get3A_166] {strides = array<i32>} : memref<640xf32, #tpu.memory_space<vmem>>, vector<16xf32>,
      %get3A_168 = arith.constant 240 : index
      %get3A_169 = tpu.vector_load %arg9[%get3A_168] {strides = array<i32>} : memref<640xf32, #tpu.memory_space<vmem>>, vector<16xf32>,
      %add3A_170 = arith.addf %get3A_167, %get3A_169 : vector<16xf32>
      %swap3A_171 = arith.constant 240 : index
      %swap3A_172 = tpu.vector_load %arg10[%swap3A_171] {strides = array<i32>} : memref<640xf32, #tpu.memory_space<vmem>>, vector<16xf32>,
      tpu.vector_store %arg10[%swap3A_171], %add3A_170 {strides = array<i32>} : memref<640xf32, #tpu.memory_space<vmem>>, vector<16xf32>,
      %get3A_173 = arith.constant 256 : index
      %get3A_174 = tpu.vector_load %arg10[%get3A_173] {strides = array<i32>} : memref<640xf32, #tpu.memory_space<vmem>>, vector<16xf32>,
      %get3A_175 = arith.constant 256 : index
      %get3A_176 = tpu.vector_load %arg9[%get3A_175] {strides = array<i32>} : memref<640xf32, #tpu.memory_space<vmem>>, vector<16xf32>,
      %add3A_177 = arith.addf %get3A_174, %get3A_176 : vector<16xf32>
      %swap3A_178 = arith.constant 256 : index
      %swap3A_179 = tpu.vector_load %arg10[%swap3A_178] {strides = array<i32>} : memref<640xf32, #tpu.memory_space<vmem>>, vector<16xf32>,
      tpu.vector_store %arg10[%swap3A_178], %add3A_177 {strides = array<i32>} : memref<640xf32, #tpu.memory_space<vmem>>, vector<16xf32>,
      %get3A_180 = arith.constant 272 : index
      %get3A_181 = tpu.vector_load %arg10[%get3A_180] {strides = array<i32>} : memref<640xf32, #tpu.memory_space<vmem>>, vector<16xf32>,
      %get3A_182 = arith.constant 272 : index
      %get3A_183 = tpu.vector_load %arg9[%get3A_182] {strides = array<i32>} : memref<640xf32, #tpu.memory_space<vmem>>, vector<16xf32>,
      %add3A_184 = arith.addf %get3A_181, %get3A_183 : vector<16xf32>
      %swap3A_185 = arith.constant 272 : index
      %swap3A_186 = tpu.vector_load %arg10[%swap3A_185] {strides = array<i32>} : memref<640xf32, #tpu.memory_space<vmem>>, vector<16xf32>,
      tpu.vector_store %arg10[%swap3A_185], %add3A_184 {strides = array<i32>} : memref<640xf32, #tpu.memory_space<vmem>>, vector<16xf32>,
      %get3A_187 = arith.constant 288 : index
      %get3A_188 = tpu.vector_load %arg10[%get3A_187] {strides = array<i32>} : memref<640xf32, #tpu.memory_space<vmem>>, vector<16xf32>,
      %get3A_189 = arith.constant 288 : index
      %get3A_190 = tpu.vector_load %arg9[%get3A_189] {strides = array<i32>} : memref<640xf32, #tpu.memory_space<vmem>>, vector<16xf32>,
      %add3A_191 = arith.addf %get3A_188, %get3A_190 : vector<16xf32>
      %swap3A_192 = arith.constant 288 : index
      %swap3A_193 = tpu.vector_load %arg10[%swap3A_192] {strides = array<i32>} : memref<640xf32, #tpu.memory_space<vmem>>, vector<16xf32>,
      tpu.vector_store %arg10[%swap3A_192], %add3A_191 {strides = array<i32>} : memref<640xf32, #tpu.memory_space<vmem>>, vector<16xf32>,
      %get3A_194 = arith.constant 304 : index
      %get3A_195 = tpu.vector_load %arg10[%get3A_194] {strides = array<i32>} : memref<640xf32, #tpu.memory_space<vmem>>, vector<16xf32>,
      %get3A_196 = arith.constant 304 : index
      %get3A_197 = tpu.vector_load %arg9[%get3A_196] {strides = array<i32>} : memref<640xf32, #tpu.memory_space<vmem>>, vector<16xf32>,
      %add3A_198 = arith.addf %get3A_195, %get3A_197 : vector<16xf32>
      %swap3A_199 = arith.constant 304 : index
      %swap3A_200 = tpu.vector_load %arg10[%swap3A_199] {strides = array<i32>} : memref<640xf32, #tpu.memory_space<vmem>>, vector<16xf32>,
      tpu.vector_store %arg10[%swap3A_199], %add3A_198 {strides = array<i32>} : memref<640xf32, #tpu.memory_space<vmem>>, vector<16xf32>,
      %get3A_201 = arith.constant 320 : index
      %get3A_202 = tpu.vector_load %arg10[%get3A_201] {strides = array<i32>} : memref<640xf32, #tpu.memory_space<vmem>>, vector<16xf32>,
      %get3A_203 = arith.constant 320 : index
      %get3A_204 = tpu.vector_load %arg9[%get3A_203] {strides = array<i32>} : memref<640xf32, #tpu.memory_space<vmem>>, vector<16xf32>,
      %add3A_205 = arith.addf %get3A_202, %get3A_204 : vector<16xf32>
      %swap3A_206 = arith.constant 320 : index
      %swap3A_207 = tpu.vector_load %arg10[%swap3A_206] {strides = array<i32>} : memref<640xf32, #tpu.memory_space<vmem>>, vector<16xf32>,
      tpu.vector_store %arg10[%swap3A_206], %add3A_205 {strides = array<i32>} : memref<640xf32, #tpu.memory_space<vmem>>, vector<16xf32>,
      %get3A_208 = arith.constant 336 : index
      %get3A_209 = tpu.vector_load %arg10[%get3A_208] {strides = array<i32>} : memref<640xf32, #tpu.memory_space<vmem>>, vector<16xf32>,
      %get3A_210 = arith.constant 336 : index
      %get3A_211 = tpu.vector_load %arg9[%get3A_210] {strides = array<i32>} : memref<640xf32, #tpu.memory_space<vmem>>, vector<16xf32>,
      %add3A_212 = arith.addf %get3A_209, %get3A_211 : vector<16xf32>
      %swap3A_213 = arith.constant 336 : index
      %swap3A_214 = tpu.vector_load %arg10[%swap3A_213] {strides = array<i32>} : memref<640xf32, #tpu.memory_space<vmem>>, vector<16xf32>,
      tpu.vector_store %arg10[%swap3A_213], %add3A_212 {strides = array<i32>} : memref<640xf32, #tpu.memory_space<vmem>>, vector<16xf32>,
      %get3A_215 = arith.constant 352 : index
      %get3A_216 = tpu.vector_load %arg10[%get3A_215] {strides = array<i32>} : memref<640xf32, #tpu.memory_space<vmem>>, vector<16xf32>,
      %get3A_217 = arith.constant 352 : index
      %get3A_218 = tpu.vector_load %arg9[%get3A_217] {strides = array<i32>} : memref<640xf32, #tpu.memory_space<vmem>>, vector<16xf32>,
      %add3A_219 = arith.addf %get3A_216, %get3A_218 : vector<16xf32>
      %swap3A_220 = arith.constant 352 : index
      %swap3A_221 = tpu.vector_load %arg10[%swap3A_220] {strides = array<i32>} : memref<640xf32, #tpu.memory_space<vmem>>, vector<16xf32>,
      tpu.vector_store %arg10[%swap3A_220], %add3A_219 {strides = array<i32>} : memref<640xf32, #tpu.memory_space<vmem>>, vector<16xf32>,
      %get3A_222 = arith.constant 368 : index
      %get3A_223 = tpu.vector_load %arg10[%get3A_222] {strides = array<i32>} : memref<640xf32, #tpu.memory_space<vmem>>, vector<16xf32>,
      %get3A_224 = arith.constant 368 : index
      %get3A_225 = tpu.vector_load %arg9[%get3A_224] {strides = array<i32>} : memref<640xf32, #tpu.memory_space<vmem>>, vector<16xf32>,
      %add3A_226 = arith.addf %get3A_223, %get3A_225 : vector<16xf32>
      %swap3A_227 = arith.constant 368 : index
      %swap3A_228 = tpu.vector_load %arg10[%swap3A_227] {strides = array<i32>} : memref<640xf32, #tpu.memory_space<vmem>>, vector<16xf32>,
      tpu.vector_store %arg10[%swap3A_227], %add3A_226 {strides = array<i32>} : memref<640xf32, #tpu.memory_space<vmem>>, vector<16xf32>,
      %get3A_229 = arith.constant 384 : index
      %get3A_230 = tpu.vector_load %arg10[%get3A_229] {strides = array<i32>} : memref<640xf32, #tpu.memory_space<vmem>>, vector<16xf32>,
      %get3A_231 = arith.constant 384 : index
      %get3A_232 = tpu.vector_load %arg9[%get3A_231] {strides = array<i32>} : memref<640xf32, #tpu.memory_space<vmem>>, vector<16xf32>,
      %add3A_233 = arith.addf %get3A_230, %get3A_232 : vector<16xf32>
      %swap3A_234 = arith.constant 384 : index
      %swap3A_235 = tpu.vector_load %arg10[%swap3A_234] {strides = array<i32>} : memref<640xf32, #tpu.memory_space<vmem>>, vector<16xf32>,
      tpu.vector_store %arg10[%swap3A_234], %add3A_233 {strides = array<i32>} : memref<640xf32, #tpu.memory_space<vmem>>, vector<16xf32>,
      %get3A_236 = arith.constant 400 : index
      %get3A_237 = tpu.vector_load %arg10[%get3A_236] {strides = array<i32>} : memref<640xf32, #tpu.memory_space<vmem>>, vector<16xf32>,
      %get3A_238 = arith.constant 400 : index
      %get3A_239 = tpu.vector_load %arg9[%get3A_238] {strides = array<i32>} : memref<640xf32, #tpu.memory_space<vmem>>, vector<16xf32>,
      %add3A_240 = arith.addf %get3A_237, %get3A_239 : vector<16xf32>
      %swap3A_241 = arith.constant 400 : index
      %swap3A_242 = tpu.vector_load %arg10[%swap3A_241] {strides = array<i32>} : memref<640xf32, #tpu.memory_space<vmem>>, vector<16xf32>,
      tpu.vector_store %arg10[%swap3A_241], %add3A_240 {strides = array<i32>} : memref<640xf32, #tpu.memory_space<vmem>>, vector<16xf32>,
      %get3A_243 = arith.constant 416 : index
      %get3A_244 = tpu.vector_load %arg10[%get3A_243] {strides = array<i32>} : memref<640xf32, #tpu.memory_space<vmem>>, vector<16xf32>,
      %get3A_245 = arith.constant 416 : index
      %get3A_246 = tpu.vector_load %arg9[%get3A_245] {strides = array<i32>} : memref<640xf32, #tpu.memory_space<vmem>>, vector<16xf32>,
      %add3A_247 = arith.addf %get3A_244, %get3A_246 : vector<16xf32>
      %swap3A_248 = arith.constant 416 : index
      %swap3A_249 = tpu.vector_load %arg10[%swap3A_248] {strides = array<i32>} : memref<640xf32, #tpu.memory_space<vmem>>, vector<16xf32>,
      tpu.vector_store %arg10[%swap3A_248], %add3A_247 {strides = array<i32>} : memref<640xf32, #tpu.memory_space<vmem>>, vector<16xf32>,
      %get3A_250 = arith.constant 432 : index
      %get3A_251 = tpu.vector_load %arg10[%get3A_250] {strides = array<i32>} : memref<640xf32, #tpu.memory_space<vmem>>, vector<16xf32>,
      %get3A_252 = arith.constant 432 : index
      %get3A_253 = tpu.vector_load %arg9[%get3A_252] {strides = array<i32>} : memref<640xf32, #tpu.memory_space<vmem>>, vector<16xf32>,
      %add3A_254 = arith.addf %get3A_251, %get3A_253 : vector<16xf32>
      %swap3A_255 = arith.constant 432 : index
      %swap3A_256 = tpu.vector_load %arg10[%swap3A_255] {strides = array<i32>} : memref<640xf32, #tpu.memory_space<vmem>>, vector<16xf32>,
      tpu.vector_store %arg10[%swap3A_255], %add3A_254 {strides = array<i32>} : memref<640xf32, #tpu.memory_space<vmem>>, vector<16xf32>,
      %get3A_257 = arith.constant 448 : index
      %get3A_258 = tpu.vector_load %arg10[%get3A_257] {strides = array<i32>} : memref<640xf32, #tpu.memory_space<vmem>>, vector<16xf32>,
      %get3A_259 = arith.constant 448 : index
      %get3A_260 = tpu.vector_load %arg9[%get3A_259] {strides = array<i32>} : memref<640xf32, #tpu.memory_space<vmem>>, vector<16xf32>,
      %add3A_261 = arith.addf %get3A_258, %get3A_260 : vector<16xf32>
      %swap3A_262 = arith.constant 448 : index
      %swap3A_263 = tpu.vector_load %arg10[%swap3A_262] {strides = array<i32>} : memref<640xf32, #tpu.memory_space<vmem>>, vector<16xf32>,
      tpu.vector_store %arg10[%swap3A_262], %add3A_261 {strides = array<i32>} : memref<640xf32, #tpu.memory_space<vmem>>, vector<16xf32>,
      %get3A_264 = arith.constant 464 : index
      %get3A_265 = tpu.vector_load %arg10[%get3A_264] {strides = array<i32>} : memref<640xf32, #tpu.memory_space<vmem>>, vector<16xf32>,
      %get3A_266 = arith.constant 464 : index
      %get3A_267 = tpu.vector_load %arg9[%get3A_266] {strides = array<i32>} : memref<640xf32, #tpu.memory_space<vmem>>, vector<16xf32>,
      %add3A_268 = arith.addf %get3A_265, %get3A_267 : vector<16xf32>
      %swap3A_269 = arith.constant 464 : index
      %swap3A_270 = tpu.vector_load %arg10[%swap3A_269] {strides = array<i32>} : memref<640xf32, #tpu.memory_space<vmem>>, vector<16xf32>,
      tpu.vector_store %arg10[%swap3A_269], %add3A_268 {strides = array<i32>} : memref<640xf32, #tpu.memory_space<vmem>>, vector<16xf32>,
      %get3A_271 = arith.constant 480 : index
      %get3A_272 = tpu.vector_load %arg10[%get3A_271] {strides = array<i32>} : memref<640xf32, #tpu.memory_space<vmem>>, vector<16xf32>,
      %get3A_273 = arith.constant 480 : index
      %get3A_274 = tpu.vector_load %arg9[%get3A_273] {strides = array<i32>} : memref<640xf32, #tpu.memory_space<vmem>>, vector<16xf32>,
      %add3A_275 = arith.addf %get3A_272, %get3A_274 : vector<16xf32>
      %swap3A_276 = arith.constant 480 : index
      %swap3A_277 = tpu.vector_load %arg10[%swap3A_276] {strides = array<i32>} : memref<640xf32, #tpu.memory_space<vmem>>, vector<16xf32>,
      tpu.vector_store %arg10[%swap3A_276], %add3A_275 {strides = array<i32>} : memref<640xf32, #tpu.memory_space<vmem>>, vector<16xf32>,
      %get3A_278 = arith.constant 496 : index
      %get3A_279 = tpu.vector_load %arg10[%get3A_278] {strides = array<i32>} : memref<640xf32, #tpu.memory_space<vmem>>, vector<16xf32>,
      %get3A_280 = arith.constant 496 : index
      %get3A_281 = tpu.vector_load %arg9[%get3A_280] {strides = array<i32>} : memref<640xf32, #tpu.memory_space<vmem>>, vector<16xf32>,
      %add3A_282 = arith.addf %get3A_279, %get3A_281 : vector<16xf32>
      %swap3A_283 = arith.constant 496 : index
      %swap3A_284 = tpu.vector_load %arg10[%swap3A_283] {strides = array<i32>} : memref<640xf32, #tpu.memory_space<vmem>>, vector<16xf32>,
      tpu.vector_store %arg10[%swap3A_283], %add3A_282 {strides = array<i32>} : memref<640xf32, #tpu.memory_space<vmem>>, vector<16xf32>,
      %get3A_285 = arith.constant 512 : index
      %get3A_286 = tpu.vector_load %arg10[%get3A_285] {strides = array<i32>} : memref<640xf32, #tpu.memory_space<vmem>>, vector<16xf32>,
      %get3A_287 = arith.constant 512 : index
      %get3A_288 = tpu.vector_load %arg9[%get3A_287] {strides = array<i32>} : memref<640xf32, #tpu.memory_space<vmem>>, vector<16xf32>,
      %add3A_289 = arith.addf %get3A_286, %get3A_288 : vector<16xf32>
      %swap3A_290 = arith.constant 512 : index
      %swap3A_291 = tpu.vector_load %arg10[%swap3A_290] {strides = array<i32>} : memref<640xf32, #tpu.memory_space<vmem>>, vector<16xf32>,
      tpu.vector_store %arg10[%swap3A_290], %add3A_289 {strides = array<i32>} : memref<640xf32, #tpu.memory_space<vmem>>, vector<16xf32>,
      %get3A_292 = arith.constant 528 : index
      %get3A_293 = tpu.vector_load %arg10[%get3A_292] {strides = array<i32>} : memref<640xf32, #tpu.memory_space<vmem>>, vector<16xf32>,
      %get3A_294 = arith.constant 528 : index
      %get3A_295 = tpu.vector_load %arg9[%get3A_294] {strides = array<i32>} : memref<640xf32, #tpu.memory_space<vmem>>, vector<16xf32>,
      %add3A_296 = arith.addf %get3A_293, %get3A_295 : vector<16xf32>
      %swap3A_297 = arith.constant 528 : index
      %swap3A_298 = tpu.vector_load %arg10[%swap3A_297] {strides = array<i32>} : memref<640xf32, #tpu.memory_space<vmem>>, vector<16xf32>,
      tpu.vector_store %arg10[%swap3A_297], %add3A_296 {strides = array<i32>} : memref<640xf32, #tpu.memory_space<vmem>>, vector<16xf32>,
      %get3A_299 = arith.constant 544 : index
      %get3A_300 = tpu.vector_load %arg10[%get3A_299] {strides = array<i32>} : memref<640xf32, #tpu.memory_space<vmem>>, vector<16xf32>,
      %get3A_301 = arith.constant 544 : index
      %get3A_302 = tpu.vector_load %arg9[%get3A_301] {strides = array<i32>} : memref<640xf32, #tpu.memory_space<vmem>>, vector<16xf32>,
      %add3A_303 = arith.addf %get3A_300, %get3A_302 : vector<16xf32>
      %swap3A_304 = arith.constant 544 : index
      %swap3A_305 = tpu.vector_load %arg10[%swap3A_304] {strides = array<i32>} : memref<640xf32, #tpu.memory_space<vmem>>, vector<16xf32>,
      tpu.vector_store %arg10[%swap3A_304], %add3A_303 {strides = array<i32>} : memref<640xf32, #tpu.memory_space<vmem>>, vector<16xf32>,
      %get3A_306 = arith.constant 560 : index
      %get3A_307 = tpu.vector_load %arg10[%get3A_306] {strides = array<i32>} : memref<640xf32, #tpu.memory_space<vmem>>, vector<16xf32>,
      %get3A_308 = arith.constant 560 : index
      %get3A_309 = tpu.vector_load %arg9[%get3A_308] {strides = array<i32>} : memref<640xf32, #tpu.memory_space<vmem>>, vector<16xf32>,
      %add3A_310 = arith.addf %get3A_307, %get3A_309 : vector<16xf32>
      %swap3A_311 = arith.constant 560 : index
      %swap3A_312 = tpu.vector_load %arg10[%swap3A_311] {strides = array<i32>} : memref<640xf32, #tpu.memory_space<vmem>>, vector<16xf32>,
      tpu.vector_store %arg10[%swap3A_311], %add3A_310 {strides = array<i32>} : memref<640xf32, #tpu.memory_space<vmem>>, vector<16xf32>,
      %get3A_313 = arith.constant 576 : index
      %get3A_314 = tpu.vector_load %arg10[%get3A_313] {strides = array<i32>} : memref<640xf32, #tpu.memory_space<vmem>>, vector<16xf32>,
      %get3A_315 = arith.constant 576 : index
      %get3A_316 = tpu.vector_load %arg9[%get3A_315] {strides = array<i32>} : memref<640xf32, #tpu.memory_space<vmem>>, vector<16xf32>,
      %add3A_317 = arith.addf %get3A_314, %get3A_316 : vector<16xf32>
      %swap3A_318 = arith.constant 576 : index
      %swap3A_319 = tpu.vector_load %arg10[%swap3A_318] {strides = array<i32>} : memref<640xf32, #tpu.memory_space<vmem>>, vector<16xf32>,
      tpu.vector_store %arg10[%swap3A_318], %add3A_317 {strides = array<i32>} : memref<640xf32, #tpu.memory_space<vmem>>, vector<16xf32>,
      %get3A_320 = arith.constant 592 : index
      %get3A_321 = tpu.vector_load %arg10[%get3A_320] {strides = array<i32>} : memref<640xf32, #tpu.memory_space<vmem>>, vector<16xf32>,
      %get3A_322 = arith.constant 592 : index
      %get3A_323 = tpu.vector_load %arg9[%get3A_322] {strides = array<i32>} : memref<640xf32, #tpu.memory_space<vmem>>, vector<16xf32>,
      %add3A_324 = arith.addf %get3A_321, %get3A_323 : vector<16xf32>
      %swap3A_325 = arith.constant 592 : index
      %swap3A_326 = tpu.vector_load %arg10[%swap3A_325] {strides = array<i32>} : memref<640xf32, #tpu.memory_space<vmem>>, vector<16xf32>,
      tpu.vector_store %arg10[%swap3A_325], %add3A_324 {strides = array<i32>} : memref<640xf32, #tpu.memory_space<vmem>>, vector<16xf32>,
      %get3A_327 = arith.constant 608 : index
      %get3A_328 = tpu.vector_load %arg10[%get3A_327] {strides = array<i32>} : memref<640xf32, #tpu.memory_space<vmem>>, vector<16xf32>,
      %get3A_329 = arith.constant 608 : index
      %get3A_330 = tpu.vector_load %arg9[%get3A_329] {strides = array<i32>} : memref<640xf32, #tpu.memory_space<vmem>>, vector<16xf32>,
      %add3A_331 = arith.addf %get3A_328, %get3A_330 : vector<16xf32>
      %swap3A_332 = arith.constant 608 : index
      %swap3A_333 = tpu.vector_load %arg10[%swap3A_332] {strides = array<i32>} : memref<640xf32, #tpu.memory_space<vmem>>, vector<16xf32>,
      tpu.vector_store %arg10[%swap3A_332], %add3A_331 {strides = array<i32>} : memref<640xf32, #tpu.memory_space<vmem>>, vector<16xf32>,
      %get3A_334 = arith.constant 624 : index
      %get3A_335 = tpu.vector_load %arg10[%get3A_334] {strides = array<i32>} : memref<640xf32, #tpu.memory_space<vmem>>, vector<16xf32>,
      %get3A_336 = arith.constant 624 : index
      %get3A_337 = tpu.vector_load %arg9[%get3A_336] {strides = array<i32>} : memref<640xf32, #tpu.memory_space<vmem>>, vector<16xf32>,
      %add3A_338 = arith.addf %get3A_335, %get3A_337 : vector<16xf32>
      %swap3A_339 = arith.constant 624 : index
      %swap3A_340 = tpu.vector_load %arg10[%swap3A_339] {strides = array<i32>} : memref<640xf32, #tpu.memory_space<vmem>>, vector<16xf32>,
      tpu.vector_store %arg10[%swap3A_339], %add3A_338 {strides = array<i32>} : memref<640xf32, #tpu.memory_space<vmem>>, vector<16xf32>,
    }
    %scan3A_51 = arith.constant 15 : i32
    %mul3A_52 = arith.constant 10240 : i32
    %mul3A_53 = arith.muli %arg0, %mul3A_52 : i32
    %mul3A_54 = arith.constant 640 : i32
    %mul3A_55 = arith.muli %arg1, %mul3A_54 : i32
    %add3A_56 = arith.addi %mul3A_53, %mul3A_55 : i32
    "tpu.region"() ({
      %run_scoped3A = tpu.sem_alloc : memref<!tpu.dma_semaphore, #tpu.memory_space<semaphore_mem>>
      %dma_start3A_57 = tpu.memref_slice %arg4[%add3A_56] : memref<20480xf32, #tpu.memory_space<hbm>> -> memref<640xf32, #tpu.memory_space<hbm>>
      %dma_start3A_58 = tpu.memref_slice %arg4[%add3A_56] : memref<20480xf32, #tpu.memory_space<hbm>> -> memref<640xf32, #tpu.memory_space<hbm>>
      tpu.enqueue_dma source(%arg10 : memref<640xf32, #tpu.memory_space<vmem>>) target(%dma_start3A_58 : memref<640xf32, #tpu.memory_space<hbm>>) target_semaphore(%run_scoped3A : memref<!tpu.dma_semaphore, #tpu.memory_space<semaphore_mem>>)
      %dma_wait3A = tpu.memref_slice %arg4[%add3A_56] : memref<20480xf32, #tpu.memory_space<hbm>> -> memref<640xf32, #tpu.memory_space<hbm>>
      %dma_wait3A_59 = tpu.memref_slice %arg4[%add3A_56] : memref<20480xf32, #tpu.memory_space<hbm>> -> memref<640xf32, #tpu.memory_space<hbm>>
      tpu.wait_dma2 semaphore(%run_scoped3A : memref<!tpu.dma_semaphore, #tpu.memory_space<semaphore_mem>>) src(%arg10 : memref<640xf32, #tpu.memory_space<vmem>>) dst(%dma_wait3A_59 : memref<640xf32, #tpu.memory_space<hbm>>)
      tpu.yield
    }) : () -> ()
    return
  }
}

#map = affine_map<(d0, d1) -> (0, 0)>
#map1 = affine_map<(d0, d1) -> (0, 0, 0)>
module attributes {stable_mosaic.version = 14 : i64} {
  func.func @k(%arg0: i32, %arg1: i32, %arg2: memref<10112x128xf32, #tpu.memory_space<hbm>>, %arg3: memref<2592x2x128xi32, #tpu.memory_space<hbm>>, %arg4: memref<10112x128xf32, #tpu.memory_space<hbm>>, %arg5: memref<20224x128xf32, #tpu.memory_space<hbm>>, %arg6: memref<2x128xi32, #tpu.memory_space<vmem>>, %arg7: memref<2x128xi32, #tpu.memory_space<vmem>>, %arg8: memref<2x128xi32, #tpu.memory_space<vmem>>, %arg9: memref<128x128xf32, #tpu.memory_space<vmem>>, %arg10: memref<128x128xf32, #tpu.memory_space<vmem>>, %arg11: memref<128x128xf32, #tpu.memory_space<vmem>>, %arg12: memref<10112x128xf32, #tpu.memory_space<vmem_shared>>, %arg13: memref<!tpu.dma_semaphore, #tpu.memory_space<semaphore_mem>>, %arg14: memref<!tpu.dma_semaphore, #tpu.memory_space<semaphore_mem>>, %arg15: memref<!tpu.dma_semaphore, #tpu.memory_space<semaphore_mem>>, %arg16: memref<!tpu.dma_semaphore, #tpu.memory_space<semaphore_mem>>, %arg17: memref<!tpu.dma_semaphore, #tpu.memory_space<semaphore_mem>>, %arg18: memref<!tpu.dma_semaphore, #tpu.memory_space<semaphore_mem>>, %arg19: memref<!tpu.dma_semaphore, #tpu.memory_space<semaphore_mem>>, %arg20: memref<!tpu.dma_semaphore, #tpu.memory_space<semaphore_mem>>, %arg21: memref<!tpu.dma_semaphore, #tpu.memory_space<semaphore_mem>>) attributes {dimension_semantics = [#tpu.dimension_semantics<core_parallel>, #tpu.dimension_semantics<subcore_parallel>], iteration_bounds = array<i64: 2, 16>, scalar_prefetch = 0 : i64, scratch_operands = 16 : i64, tpu.core_type = #tpu.core_type<sc_vector_subcore>, window_params = [{transform_indices = #map}, {transform_indices = #map1}, {transform_indices = #map}, {transform_indices = #map}]} {
    %mul3A = arith.constant 16 : i32
    %mul3A_0 = arith.muli %arg0, %mul3A : i32
    %add3A = arith.addi %mul3A_0, %arg1 : i32
    %mul3A_1 = arith.constant 632 : i32
    %mul3A_2 = arith.muli %arg1, %mul3A_1 : i32
    %eq3A = arith.constant 0 : i32
    %eq3A_3 = arith.cmpi eq, %arg0, %eq3A : i32
    %convert_element_type3A = arith.extui %eq3A_3 : i1 to i32
    %cond3A = arith.constant 0 : i32
    %cond3A_4 = arith.cmpi ne, %convert_element_type3A, %cond3A : i32
    scf.if %cond3A_4 {
      "tpu.region"() ({
        %run_scoped3A = tpu.sem_alloc : memref<!tpu.dma_semaphore, #tpu.memory_space<semaphore_mem>>
        %dma_start3A_100 = arith.constant 0 : i32
        %dma_start3A_101 = tpu.memref_slice %arg12[%mul3A_2, %dma_start3A_100] : memref<10112x128xf32, #tpu.memory_space<vmem_shared>> -> memref<632x128xf32, #tpu.memory_space<vmem_shared>>
        %dma_start3A_102 = arith.constant 0 : i32
        %dma_start3A_103 = tpu.memref_slice %arg2[%mul3A_2, %dma_start3A_102] : memref<10112x128xf32, #tpu.memory_space<hbm>> -> memref<632x128xf32, #tpu.memory_space<hbm>>
        tpu.enqueue_dma source(%dma_start3A_103 : memref<632x128xf32, #tpu.memory_space<hbm>>) target(%dma_start3A_101 : memref<632x128xf32, #tpu.memory_space<vmem_shared>>) target_semaphore(%run_scoped3A : memref<!tpu.dma_semaphore, #tpu.memory_space<semaphore_mem>>)
        %dma_wait3A_104 = arith.constant 0 : i32
        %dma_wait3A_105 = tpu.memref_slice %arg12[%mul3A_2, %dma_wait3A_104] : memref<10112x128xf32, #tpu.memory_space<vmem_shared>> -> memref<632x128xf32, #tpu.memory_space<vmem_shared>>
        %dma_wait3A_106 = arith.constant 0 : i32
        %dma_wait3A_107 = tpu.memref_slice %arg2[%mul3A_2, %dma_wait3A_106] : memref<10112x128xf32, #tpu.memory_space<hbm>> -> memref<632x128xf32, #tpu.memory_space<hbm>>
        tpu.wait_dma2 semaphore(%run_scoped3A : memref<!tpu.dma_semaphore, #tpu.memory_space<semaphore_mem>>) src(%dma_wait3A_107 : memref<632x128xf32, #tpu.memory_space<hbm>>) dst(%dma_wait3A_105 : memref<632x128xf32, #tpu.memory_space<vmem_shared>>)
        tpu.yield
      }) : () -> ()
    } else {
    }
    %ne3A = arith.constant 0 : i32
    %ne3A_5 = arith.cmpi ne, %arg0, %ne3A : i32
    %convert_element_type3A_6 = arith.extui %ne3A_5 : i1 to i32
    %cond3A_7 = arith.constant 0 : i32
    %cond3A_8 = arith.cmpi ne, %convert_element_type3A_6, %cond3A_7 : i32
    scf.if %cond3A_8 {
      "tpu.region"() ({
        %run_scoped3A = tpu.sem_alloc : memref<!tpu.dma_semaphore, #tpu.memory_space<semaphore_mem>>
        %dma_start3A_100 = arith.constant 0 : i32
        %dma_start3A_101 = tpu.memref_slice %arg12[%mul3A_2, %dma_start3A_100] : memref<10112x128xf32, #tpu.memory_space<vmem_shared>> -> memref<632x128xf32, #tpu.memory_space<vmem_shared>>
        %dma_start3A_102 = arith.constant 0 : i32
        %dma_start3A_103 = tpu.memref_slice %arg4[%mul3A_2, %dma_start3A_102] : memref<10112x128xf32, #tpu.memory_space<hbm>> -> memref<632x128xf32, #tpu.memory_space<hbm>>
        tpu.enqueue_dma source(%dma_start3A_103 : memref<632x128xf32, #tpu.memory_space<hbm>>) target(%dma_start3A_101 : memref<632x128xf32, #tpu.memory_space<vmem_shared>>) target_semaphore(%run_scoped3A : memref<!tpu.dma_semaphore, #tpu.memory_space<semaphore_mem>>)
        %dma_wait3A_104 = arith.constant 0 : i32
        %dma_wait3A_105 = tpu.memref_slice %arg12[%mul3A_2, %dma_wait3A_104] : memref<10112x128xf32, #tpu.memory_space<vmem_shared>> -> memref<632x128xf32, #tpu.memory_space<vmem_shared>>
        %dma_wait3A_106 = arith.constant 0 : i32
        %dma_wait3A_107 = tpu.memref_slice %arg4[%mul3A_2, %dma_wait3A_106] : memref<10112x128xf32, #tpu.memory_space<hbm>> -> memref<632x128xf32, #tpu.memory_space<hbm>>
        tpu.wait_dma2 semaphore(%run_scoped3A : memref<!tpu.dma_semaphore, #tpu.memory_space<semaphore_mem>>) src(%dma_wait3A_107 : memref<632x128xf32, #tpu.memory_space<hbm>>) dst(%dma_wait3A_105 : memref<632x128xf32, #tpu.memory_space<vmem_shared>>)
        tpu.yield
      }) : () -> ()
    } else {
    }
    %mul3A_9 = arith.constant 81 : i32
    %mul3A_10 = arith.muli %add3A, %mul3A_9 : i32
    %add3A_11 = arith.constant 0 : i32
    %add3A_12 = arith.addi %mul3A_10, %add3A_11 : i32
    %dma_start3A = arith.constant 0 : i32
    %dma_start3A_13 = arith.constant 0 : i32
    %dma_start3A_14 = tpu.memref_slice %arg3[%add3A_12, %dma_start3A, %dma_start3A_13] : memref<2592x2x128xi32, #tpu.memory_space<hbm>> -> memref<1x2x128xi32, #tpu.memory_space<hbm>>
    %dma_start3A_15 = tpu.memref_squeeze %dma_start3A_14 : memref<1x2x128xi32, #tpu.memory_space<hbm>> -> memref<2x128xi32, #tpu.memory_space<hbm>>
    %dma_start3A_16 = arith.constant 0 : i32
    %dma_start3A_17 = arith.constant 0 : i32
    %dma_start3A_18 = tpu.memref_slice %arg3[%add3A_12, %dma_start3A_16, %dma_start3A_17] : memref<2592x2x128xi32, #tpu.memory_space<hbm>> -> memref<1x2x128xi32, #tpu.memory_space<hbm>>
    %dma_start3A_19 = tpu.memref_squeeze %dma_start3A_18 : memref<1x2x128xi32, #tpu.memory_space<hbm>> -> memref<2x128xi32, #tpu.memory_space<hbm>>
    tpu.enqueue_dma source(%dma_start3A_19 : memref<2x128xi32, #tpu.memory_space<hbm>>) target(%arg6 : memref<2x128xi32, #tpu.memory_space<vmem>>) target_semaphore(%arg13 : memref<!tpu.dma_semaphore, #tpu.memory_space<semaphore_mem>>)
    %mul3A_20 = arith.constant 81 : i32
    %mul3A_21 = arith.muli %add3A, %mul3A_20 : i32
    %add3A_22 = arith.constant 1 : i32
    %add3A_23 = arith.addi %mul3A_21, %add3A_22 : i32
    %dma_start3A_24 = arith.constant 0 : i32
    %dma_start3A_25 = arith.constant 0 : i32
    %dma_start3A_26 = tpu.memref_slice %arg3[%add3A_23, %dma_start3A_24, %dma_start3A_25] : memref<2592x2x128xi32, #tpu.memory_space<hbm>> -> memref<1x2x128xi32, #tpu.memory_space<hbm>>
    %dma_start3A_27 = tpu.memref_squeeze %dma_start3A_26 : memref<1x2x128xi32, #tpu.memory_space<hbm>> -> memref<2x128xi32, #tpu.memory_space<hbm>>
    %dma_start3A_28 = arith.constant 0 : i32
    %dma_start3A_29 = arith.constant 0 : i32
    %dma_start3A_30 = tpu.memref_slice %arg3[%add3A_23, %dma_start3A_28, %dma_start3A_29] : memref<2592x2x128xi32, #tpu.memory_space<hbm>> -> memref<1x2x128xi32, #tpu.memory_space<hbm>>
    %dma_start3A_31 = tpu.memref_squeeze %dma_start3A_30 : memref<1x2x128xi32, #tpu.memory_space<hbm>> -> memref<2x128xi32, #tpu.memory_space<hbm>>
    tpu.enqueue_dma source(%dma_start3A_31 : memref<2x128xi32, #tpu.memory_space<hbm>>) target(%arg7 : memref<2x128xi32, #tpu.memory_space<vmem>>) target_semaphore(%arg14 : memref<!tpu.dma_semaphore, #tpu.memory_space<semaphore_mem>>)
    %mul3A_32 = arith.constant 81 : i32
    %mul3A_33 = arith.muli %add3A, %mul3A_32 : i32
    %add3A_34 = arith.constant 2 : i32
    %add3A_35 = arith.addi %mul3A_33, %add3A_34 : i32
    %dma_start3A_36 = arith.constant 0 : i32
    %dma_start3A_37 = arith.constant 0 : i32
    %dma_start3A_38 = tpu.memref_slice %arg3[%add3A_35, %dma_start3A_36, %dma_start3A_37] : memref<2592x2x128xi32, #tpu.memory_space<hbm>> -> memref<1x2x128xi32, #tpu.memory_space<hbm>>
    %dma_start3A_39 = tpu.memref_squeeze %dma_start3A_38 : memref<1x2x128xi32, #tpu.memory_space<hbm>> -> memref<2x128xi32, #tpu.memory_space<hbm>>
    %dma_start3A_40 = arith.constant 0 : i32
    %dma_start3A_41 = arith.constant 0 : i32
    %dma_start3A_42 = tpu.memref_slice %arg3[%add3A_35, %dma_start3A_40, %dma_start3A_41] : memref<2592x2x128xi32, #tpu.memory_space<hbm>> -> memref<1x2x128xi32, #tpu.memory_space<hbm>>
    %dma_start3A_43 = tpu.memref_squeeze %dma_start3A_42 : memref<1x2x128xi32, #tpu.memory_space<hbm>> -> memref<2x128xi32, #tpu.memory_space<hbm>>
    tpu.enqueue_dma source(%dma_start3A_43 : memref<2x128xi32, #tpu.memory_space<hbm>>) target(%arg8 : memref<2x128xi32, #tpu.memory_space<vmem>>) target_semaphore(%arg15 : memref<!tpu.dma_semaphore, #tpu.memory_space<semaphore_mem>>)
    %barrier3A = arith.constant 0 : index
    tpu.barrier barrier_id(%barrier3A)
    %dma_wait3A = arith.constant 0 : i32
    %dma_wait3A_44 = arith.constant 0 : i32
    %dma_wait3A_45 = arith.constant 0 : i32
    %dma_wait3A_46 = tpu.memref_slice %arg3[%dma_wait3A, %dma_wait3A_44, %dma_wait3A_45] : memref<2592x2x128xi32, #tpu.memory_space<hbm>> -> memref<1x2x128xi32, #tpu.memory_space<hbm>>
    %dma_wait3A_47 = tpu.memref_squeeze %dma_wait3A_46 : memref<1x2x128xi32, #tpu.memory_space<hbm>> -> memref<2x128xi32, #tpu.memory_space<hbm>>
    %dma_wait3A_48 = arith.constant 0 : i32
    %dma_wait3A_49 = arith.constant 0 : i32
    %dma_wait3A_50 = tpu.memref_slice %arg3[%dma_wait3A, %dma_wait3A_48, %dma_wait3A_49] : memref<2592x2x128xi32, #tpu.memory_space<hbm>> -> memref<1x2x128xi32, #tpu.memory_space<hbm>>
    %dma_wait3A_51 = tpu.memref_squeeze %dma_wait3A_50 : memref<1x2x128xi32, #tpu.memory_space<hbm>> -> memref<2x128xi32, #tpu.memory_space<hbm>>
    tpu.wait_dma2 semaphore(%arg13 : memref<!tpu.dma_semaphore, #tpu.memory_space<semaphore_mem>>) src(%dma_wait3A_51 : memref<2x128xi32, #tpu.memory_space<hbm>>) dst(%arg6 : memref<2x128xi32, #tpu.memory_space<vmem>>)
    %dma_start3A_52 = arith.constant 0 : i32
    %dma_start3A_53 = arith.constant 0 : i32
    %dma_start3A_54 = tpu.memref_slice %arg6[%dma_start3A_52, %dma_start3A_53] : memref<2x128xi32, #tpu.memory_space<vmem>> -> memref<1x128xi32, #tpu.memory_space<vmem>>
    %dma_start3A_55 = tpu.memref_squeeze %dma_start3A_54 : memref<1x128xi32, #tpu.memory_space<vmem>> -> memref<128xi32, #tpu.memory_space<vmem>>
    %dma_start3A_56 = arith.constant 0 : i32
    %dma_start3A_57 = arith.constant 0 : i32
    %dma_start3A_58 = tpu.memref_slice %arg2[%dma_start3A_56, %dma_start3A_57] : memref<10112x128xf32, #tpu.memory_space<hbm>> -> memref<10112x128xf32, #tpu.memory_space<hbm>>
    tpu.enqueue_indirect_dma source(%dma_start3A_58 : memref<10112x128xf32, #tpu.memory_space<hbm>>) target(%arg9 : memref<128x128xf32, #tpu.memory_space<vmem>>) offsets(%dma_start3A_55 : memref<128xi32, #tpu.memory_space<vmem>>) semaphore(%arg16 : memref<!tpu.dma_semaphore, #tpu.memory_space<semaphore_mem>>)
    %dma_wait3A_59 = arith.constant 0 : i32
    %dma_wait3A_60 = arith.constant 0 : i32
    %dma_wait3A_61 = arith.constant 0 : i32
    %dma_wait3A_62 = tpu.memref_slice %arg3[%dma_wait3A_59, %dma_wait3A_60, %dma_wait3A_61] : memref<2592x2x128xi32, #tpu.memory_space<hbm>> -> memref<1x2x128xi32, #tpu.memory_space<hbm>>
    %dma_wait3A_63 = tpu.memref_squeeze %dma_wait3A_62 : memref<1x2x128xi32, #tpu.memory_space<hbm>> -> memref<2x128xi32, #tpu.memory_space<hbm>>
    %dma_wait3A_64 = arith.constant 0 : i32
    %dma_wait3A_65 = arith.constant 0 : i32
    %dma_wait3A_66 = tpu.memref_slice %arg3[%dma_wait3A_59, %dma_wait3A_64, %dma_wait3A_65] : memref<2592x2x128xi32, #tpu.memory_space<hbm>> -> memref<1x2x128xi32, #tpu.memory_space<hbm>>
    %dma_wait3A_67 = tpu.memref_squeeze %dma_wait3A_66 : memref<1x2x128xi32, #tpu.memory_space<hbm>> -> memref<2x128xi32, #tpu.memory_space<hbm>>
    tpu.wait_dma2 semaphore(%arg14 : memref<!tpu.dma_semaphore, #tpu.memory_space<semaphore_mem>>) src(%dma_wait3A_67 : memref<2x128xi32, #tpu.memory_space<hbm>>) dst(%arg7 : memref<2x128xi32, #tpu.memory_space<vmem>>)
    %dma_start3A_68 = arith.constant 0 : i32
    %dma_start3A_69 = arith.constant 0 : i32
    %dma_start3A_70 = tpu.memref_slice %arg7[%dma_start3A_68, %dma_start3A_69] : memref<2x128xi32, #tpu.memory_space<vmem>> -> memref<1x128xi32, #tpu.memory_space<vmem>>
    %dma_start3A_71 = tpu.memref_squeeze %dma_start3A_70 : memref<1x128xi32, #tpu.memory_space<vmem>> -> memref<128xi32, #tpu.memory_space<vmem>>
    %dma_start3A_72 = arith.constant 0 : i32
    %dma_start3A_73 = arith.constant 0 : i32
    %dma_start3A_74 = tpu.memref_slice %arg2[%dma_start3A_72, %dma_start3A_73] : memref<10112x128xf32, #tpu.memory_space<hbm>> -> memref<10112x128xf32, #tpu.memory_space<hbm>>
    tpu.enqueue_indirect_dma source(%dma_start3A_74 : memref<10112x128xf32, #tpu.memory_space<hbm>>) target(%arg10 : memref<128x128xf32, #tpu.memory_space<vmem>>) offsets(%dma_start3A_71 : memref<128xi32, #tpu.memory_space<vmem>>) semaphore(%arg17 : memref<!tpu.dma_semaphore, #tpu.memory_space<semaphore_mem>>)
    %dma_wait3A_75 = arith.constant 0 : i32
    %dma_wait3A_76 = arith.constant 0 : i32
    %dma_wait3A_77 = arith.constant 0 : i32
    %dma_wait3A_78 = tpu.memref_slice %arg3[%dma_wait3A_75, %dma_wait3A_76, %dma_wait3A_77] : memref<2592x2x128xi32, #tpu.memory_space<hbm>> -> memref<1x2x128xi32, #tpu.memory_space<hbm>>
    %dma_wait3A_79 = tpu.memref_squeeze %dma_wait3A_78 : memref<1x2x128xi32, #tpu.memory_space<hbm>> -> memref<2x128xi32, #tpu.memory_space<hbm>>
    %dma_wait3A_80 = arith.constant 0 : i32
    %dma_wait3A_81 = arith.constant 0 : i32
    %dma_wait3A_82 = tpu.memref_slice %arg3[%dma_wait3A_75, %dma_wait3A_80, %dma_wait3A_81] : memref<2592x2x128xi32, #tpu.memory_space<hbm>> -> memref<1x2x128xi32, #tpu.memory_space<hbm>>
    %dma_wait3A_83 = tpu.memref_squeeze %dma_wait3A_82 : memref<1x2x128xi32, #tpu.memory_space<hbm>> -> memref<2x128xi32, #tpu.memory_space<hbm>>
    tpu.wait_dma2 semaphore(%arg15 : memref<!tpu.dma_semaphore, #tpu.memory_space<semaphore_mem>>) src(%dma_wait3A_83 : memref<2x128xi32, #tpu.memory_space<hbm>>) dst(%arg8 : memref<2x128xi32, #tpu.memory_space<vmem>>)
    %dma_start3A_84 = arith.constant 0 : i32
    %dma_start3A_85 = arith.constant 0 : i32
    %dma_start3A_86 = tpu.memref_slice %arg8[%dma_start3A_84, %dma_start3A_85] : memref<2x128xi32, #tpu.memory_space<vmem>> -> memref<1x128xi32, #tpu.memory_space<vmem>>
    %dma_start3A_87 = tpu.memref_squeeze %dma_start3A_86 : memref<1x128xi32, #tpu.memory_space<vmem>> -> memref<128xi32, #tpu.memory_space<vmem>>
    %dma_start3A_88 = arith.constant 0 : i32
    %dma_start3A_89 = arith.constant 0 : i32
    %dma_start3A_90 = tpu.memref_slice %arg2[%dma_start3A_88, %dma_start3A_89] : memref<10112x128xf32, #tpu.memory_space<hbm>> -> memref<10112x128xf32, #tpu.memory_space<hbm>>
    tpu.enqueue_indirect_dma source(%dma_start3A_90 : memref<10112x128xf32, #tpu.memory_space<hbm>>) target(%arg11 : memref<128x128xf32, #tpu.memory_space<vmem>>) offsets(%dma_start3A_87 : memref<128xi32, #tpu.memory_space<vmem>>) semaphore(%arg18 : memref<!tpu.dma_semaphore, #tpu.memory_space<semaphore_mem>>)
    %scan3A = arith.constant 0 : i32
    %scan3A_91 = arith.constant 0 : i32
    %scan3A_92 = arith.constant 27 : i32
    %scan3A_93 = arith.addi %scan3A_91, %scan3A_92 : i32
    %scan3A_94 = arith.constant 1 : i32
    scf.for %scan3A_100 = %scan3A_91 to %scan3A_93 step %scan3A_94  : i32 {
      %mul3A_101 = arith.constant 3 : i32
      %mul3A_102 = arith.muli %mul3A_101, %scan3A_100 : i32
      %dma_wait3A_103 = arith.constant 0 : i32
      %dma_wait3A_104 = arith.constant 0 : i32
      %dma_wait3A_105 = tpu.memref_slice %arg6[%dma_wait3A_103, %dma_wait3A_104] : memref<2x128xi32, #tpu.memory_space<vmem>> -> memref<1x128xi32, #tpu.memory_space<vmem>>
      %dma_wait3A_106 = tpu.memref_squeeze %dma_wait3A_105 : memref<1x128xi32, #tpu.memory_space<vmem>> -> memref<128xi32, #tpu.memory_space<vmem>>
      %dma_wait3A_107 = arith.constant 0 : i32
      %dma_wait3A_108 = arith.constant 0 : i32
      %dma_wait3A_109 = tpu.memref_slice %arg2[%dma_wait3A_107, %dma_wait3A_108] : memref<10112x128xf32, #tpu.memory_space<hbm>> -> memref<10112x128xf32, #tpu.memory_space<hbm>>
      tpu.wait_indirect_dma semaphore(%arg16 : memref<!tpu.dma_semaphore, #tpu.memory_space<semaphore_mem>>) src(%dma_wait3A_109 : memref<10112x128xf32, #tpu.memory_space<hbm>>) dst(%arg9 : memref<128x128xf32, #tpu.memory_space<vmem>>)
      %dma_start3A_110 = arith.constant 1 : i32
      %dma_start3A_111 = arith.constant 0 : i32
      %dma_start3A_112 = tpu.memref_slice %arg6[%dma_start3A_110, %dma_start3A_111] : memref<2x128xi32, #tpu.memory_space<vmem>> -> memref<1x128xi32, #tpu.memory_space<vmem>>
      %dma_start3A_113 = tpu.memref_squeeze %dma_start3A_112 : memref<1x128xi32, #tpu.memory_space<vmem>> -> memref<128xi32, #tpu.memory_space<vmem>>
      %dma_start3A_114 = arith.constant 0 : i32
      %dma_start3A_115 = arith.constant 0 : i32
      %dma_start3A_116 = tpu.memref_slice %arg12[%dma_start3A_114, %dma_start3A_115] : memref<10112x128xf32, #tpu.memory_space<vmem_shared>> -> memref<10112x128xf32, #tpu.memory_space<vmem_shared>>
      tpu.enqueue_indirect_dma source(%arg9 : memref<128x128xf32, #tpu.memory_space<vmem>>) target(%dma_start3A_116 : memref<10112x128xf32, #tpu.memory_space<vmem_shared>>) offsets(%dma_start3A_113 : memref<128xi32, #tpu.memory_space<vmem>>) semaphore(%arg19 : memref<!tpu.dma_semaphore, #tpu.memory_space<semaphore_mem>>) {add = true}
      %dma_wait3A_117 = arith.constant 0 : i32
      %dma_wait3A_118 = arith.constant 0 : i32
      %dma_wait3A_119 = tpu.memref_slice %arg7[%dma_wait3A_117, %dma_wait3A_118] : memref<2x128xi32, #tpu.memory_space<vmem>> -> memref<1x128xi32, #tpu.memory_space<vmem>>
      %dma_wait3A_120 = tpu.memref_squeeze %dma_wait3A_119 : memref<1x128xi32, #tpu.memory_space<vmem>> -> memref<128xi32, #tpu.memory_space<vmem>>
      %dma_wait3A_121 = arith.constant 0 : i32
      %dma_wait3A_122 = arith.constant 0 : i32
      %dma_wait3A_123 = tpu.memref_slice %arg2[%dma_wait3A_121, %dma_wait3A_122] : memref<10112x128xf32, #tpu.memory_space<hbm>> -> memref<10112x128xf32, #tpu.memory_space<hbm>>
      tpu.wait_indirect_dma semaphore(%arg17 : memref<!tpu.dma_semaphore, #tpu.memory_space<semaphore_mem>>) src(%dma_wait3A_123 : memref<10112x128xf32, #tpu.memory_space<hbm>>) dst(%arg10 : memref<128x128xf32, #tpu.memory_space<vmem>>)
      %dma_start3A_124 = arith.constant 1 : i32
      %dma_start3A_125 = arith.constant 0 : i32
      %dma_start3A_126 = tpu.memref_slice %arg7[%dma_start3A_124, %dma_start3A_125] : memref<2x128xi32, #tpu.memory_space<vmem>> -> memref<1x128xi32, #tpu.memory_space<vmem>>
      %dma_start3A_127 = tpu.memref_squeeze %dma_start3A_126 : memref<1x128xi32, #tpu.memory_space<vmem>> -> memref<128xi32, #tpu.memory_space<vmem>>
      %dma_start3A_128 = arith.constant 0 : i32
      %dma_start3A_129 = arith.constant 0 : i32
      %dma_start3A_130 = tpu.memref_slice %arg12[%dma_start3A_128, %dma_start3A_129] : memref<10112x128xf32, #tpu.memory_space<vmem_shared>> -> memref<10112x128xf32, #tpu.memory_space<vmem_shared>>
      tpu.enqueue_indirect_dma source(%arg10 : memref<128x128xf32, #tpu.memory_space<vmem>>) target(%dma_start3A_130 : memref<10112x128xf32, #tpu.memory_space<vmem_shared>>) offsets(%dma_start3A_127 : memref<128xi32, #tpu.memory_space<vmem>>) semaphore(%arg20 : memref<!tpu.dma_semaphore, #tpu.memory_space<semaphore_mem>>) {add = true}
      %dma_wait3A_131 = arith.constant 0 : i32
      %dma_wait3A_132 = arith.constant 0 : i32
      %dma_wait3A_133 = tpu.memref_slice %arg8[%dma_wait3A_131, %dma_wait3A_132] : memref<2x128xi32, #tpu.memory_space<vmem>> -> memref<1x128xi32, #tpu.memory_space<vmem>>
      %dma_wait3A_134 = tpu.memref_squeeze %dma_wait3A_133 : memref<1x128xi32, #tpu.memory_space<vmem>> -> memref<128xi32, #tpu.memory_space<vmem>>
      %dma_wait3A_135 = arith.constant 0 : i32
      %dma_wait3A_136 = arith.constant 0 : i32
      %dma_wait3A_137 = tpu.memref_slice %arg2[%dma_wait3A_135, %dma_wait3A_136] : memref<10112x128xf32, #tpu.memory_space<hbm>> -> memref<10112x128xf32, #tpu.memory_space<hbm>>
      tpu.wait_indirect_dma semaphore(%arg18 : memref<!tpu.dma_semaphore, #tpu.memory_space<semaphore_mem>>) src(%dma_wait3A_137 : memref<10112x128xf32, #tpu.memory_space<hbm>>) dst(%arg11 : memref<128x128xf32, #tpu.memory_space<vmem>>)
      %dma_start3A_138 = arith.constant 1 : i32
      %dma_start3A_139 = arith.constant 0 : i32
      %dma_start3A_140 = tpu.memref_slice %arg8[%dma_start3A_138, %dma_start3A_139] : memref<2x128xi32, #tpu.memory_space<vmem>> -> memref<1x128xi32, #tpu.memory_space<vmem>>
      %dma_start3A_141 = tpu.memref_squeeze %dma_start3A_140 : memref<1x128xi32, #tpu.memory_space<vmem>> -> memref<128xi32, #tpu.memory_space<vmem>>
      %dma_start3A_142 = arith.constant 0 : i32
      %dma_start3A_143 = arith.constant 0 : i32
      %dma_start3A_144 = tpu.memref_slice %arg12[%dma_start3A_142, %dma_start3A_143] : memref<10112x128xf32, #tpu.memory_space<vmem_shared>> -> memref<10112x128xf32, #tpu.memory_space<vmem_shared>>
      tpu.enqueue_indirect_dma source(%arg11 : memref<128x128xf32, #tpu.memory_space<vmem>>) target(%dma_start3A_144 : memref<10112x128xf32, #tpu.memory_space<vmem_shared>>) offsets(%dma_start3A_141 : memref<128xi32, #tpu.memory_space<vmem>>) semaphore(%arg21 : memref<!tpu.dma_semaphore, #tpu.memory_space<semaphore_mem>>) {add = true}
      %dma_wait3A_145 = arith.constant 1 : i32
      %dma_wait3A_146 = arith.constant 0 : i32
      %dma_wait3A_147 = tpu.memref_slice %arg6[%dma_wait3A_145, %dma_wait3A_146] : memref<2x128xi32, #tpu.memory_space<vmem>> -> memref<1x128xi32, #tpu.memory_space<vmem>>
      %dma_wait3A_148 = tpu.memref_squeeze %dma_wait3A_147 : memref<1x128xi32, #tpu.memory_space<vmem>> -> memref<128xi32, #tpu.memory_space<vmem>>
      %dma_wait3A_149 = arith.constant 0 : i32
      %dma_wait3A_150 = arith.constant 0 : i32
      %dma_wait3A_151 = tpu.memref_slice %arg12[%dma_wait3A_149, %dma_wait3A_150] : memref<10112x128xf32, #tpu.memory_space<vmem_shared>> -> memref<10112x128xf32, #tpu.memory_space<vmem_shared>>
      tpu.wait_indirect_dma semaphore(%arg19 : memref<!tpu.dma_semaphore, #tpu.memory_space<semaphore_mem>>) src(%arg9 : memref<128x128xf32, #tpu.memory_space<vmem>>) dst(%dma_wait3A_151 : memref<10112x128xf32, #tpu.memory_space<vmem_shared>>)
      %add3A_152 = arith.constant 1 : i32
      %add3A_153 = arith.addi %scan3A_100, %add3A_152 : i32
      %lt3A = arith.constant 27 : i32
      %lt3A_154 = arith.cmpi slt, %add3A_153, %lt3A : i32
      %convert_element_type3A_155 = arith.extui %lt3A_154 : i1 to i32
      %cond3A_156 = arith.constant 0 : i32
      %cond3A_157 = arith.cmpi ne, %convert_element_type3A_155, %cond3A_156 : i32
      scf.if %cond3A_157 {
        %add3A_186 = arith.constant 3 : i32
        %add3A_187 = arith.addi %mul3A_102, %add3A_186 : i32
        %add3A_188 = arith.constant 0 : i32
        %add3A_189 = arith.addi %add3A_187, %add3A_188 : i32
        %mul3A_190 = arith.constant 81 : i32
        %mul3A_191 = arith.muli %add3A, %mul3A_190 : i32
        %add3A_192 = arith.addi %mul3A_191, %add3A_189 : i32
        %dma_start3A_193 = arith.constant 0 : i32
        %dma_start3A_194 = arith.constant 0 : i32
        %dma_start3A_195 = tpu.memref_slice %arg3[%add3A_192, %dma_start3A_193, %dma_start3A_194] : memref<2592x2x128xi32, #tpu.memory_space<hbm>> -> memref<1x2x128xi32, #tpu.memory_space<hbm>>
        %dma_start3A_196 = tpu.memref_squeeze %dma_start3A_195 : memref<1x2x128xi32, #tpu.memory_space<hbm>> -> memref<2x128xi32, #tpu.memory_space<hbm>>
        %dma_start3A_197 = arith.constant 0 : i32
        %dma_start3A_198 = arith.constant 0 : i32
        %dma_start3A_199 = tpu.memref_slice %arg3[%add3A_192, %dma_start3A_197, %dma_start3A_198] : memref<2592x2x128xi32, #tpu.memory_space<hbm>> -> memref<1x2x128xi32, #tpu.memory_space<hbm>>
        %dma_start3A_200 = tpu.memref_squeeze %dma_start3A_199 : memref<1x2x128xi32, #tpu.memory_space<hbm>> -> memref<2x128xi32, #tpu.memory_space<hbm>>
        tpu.enqueue_dma source(%dma_start3A_200 : memref<2x128xi32, #tpu.memory_space<hbm>>) target(%arg6 : memref<2x128xi32, #tpu.memory_space<vmem>>) target_semaphore(%arg13 : memref<!tpu.dma_semaphore, #tpu.memory_space<semaphore_mem>>)
        %dma_wait3A_201 = arith.constant 0 : i32
        %dma_wait3A_202 = arith.constant 0 : i32
        %dma_wait3A_203 = arith.constant 0 : i32
        %dma_wait3A_204 = tpu.memref_slice %arg3[%dma_wait3A_201, %dma_wait3A_202, %dma_wait3A_203] : memref<2592x2x128xi32, #tpu.memory_space<hbm>> -> memref<1x2x128xi32, #tpu.memory_space<hbm>>
        %dma_wait3A_205 = tpu.memref_squeeze %dma_wait3A_204 : memref<1x2x128xi32, #tpu.memory_space<hbm>> -> memref<2x128xi32, #tpu.memory_space<hbm>>
        %dma_wait3A_206 = arith.constant 0 : i32
        %dma_wait3A_207 = arith.constant 0 : i32
        %dma_wait3A_208 = tpu.memref_slice %arg3[%dma_wait3A_201, %dma_wait3A_206, %dma_wait3A_207] : memref<2592x2x128xi32, #tpu.memory_space<hbm>> -> memref<1x2x128xi32, #tpu.memory_space<hbm>>
        %dma_wait3A_209 = tpu.memref_squeeze %dma_wait3A_208 : memref<1x2x128xi32, #tpu.memory_space<hbm>> -> memref<2x128xi32, #tpu.memory_space<hbm>>
        tpu.wait_dma2 semaphore(%arg13 : memref<!tpu.dma_semaphore, #tpu.memory_space<semaphore_mem>>) src(%dma_wait3A_209 : memref<2x128xi32, #tpu.memory_space<hbm>>) dst(%arg6 : memref<2x128xi32, #tpu.memory_space<vmem>>)
        %dma_start3A_210 = arith.constant 0 : i32
        %dma_start3A_211 = arith.constant 0 : i32
        %dma_start3A_212 = tpu.memref_slice %arg6[%dma_start3A_210, %dma_start3A_211] : memref<2x128xi32, #tpu.memory_space<vmem>> -> memref<1x128xi32, #tpu.memory_space<vmem>>
        %dma_start3A_213 = tpu.memref_squeeze %dma_start3A_212 : memref<1x128xi32, #tpu.memory_space<vmem>> -> memref<128xi32, #tpu.memory_space<vmem>>
        %dma_start3A_214 = arith.constant 0 : i32
        %dma_start3A_215 = arith.constant 0 : i32
        %dma_start3A_216 = tpu.memref_slice %arg2[%dma_start3A_214, %dma_start3A_215] : memref<10112x128xf32, #tpu.memory_space<hbm>> -> memref<10112x128xf32, #tpu.memory_space<hbm>>
        tpu.enqueue_indirect_dma source(%dma_start3A_216 : memref<10112x128xf32, #tpu.memory_space<hbm>>) target(%arg9 : memref<128x128xf32, #tpu.memory_space<vmem>>) offsets(%dma_start3A_213 : memref<128xi32, #tpu.memory_space<vmem>>) semaphore(%arg16 : memref<!tpu.dma_semaphore, #tpu.memory_space<semaphore_mem>>)
      } else {
      }
      %dma_wait3A_158 = arith.constant 1 : i32
      %dma_wait3A_159 = arith.constant 0 : i32
      %dma_wait3A_160 = tpu.memref_slice %arg7[%dma_wait3A_158, %dma_wait3A_159] : memref<2x128xi32, #tpu.memory_space<vmem>> -> memref<1x128xi32, #tpu.memory_space<vmem>>
      %dma_wait3A_161 = tpu.memref_squeeze %dma_wait3A_160 : memref<1x128xi32, #tpu.memory_space<vmem>> -> memref<128xi32, #tpu.memory_space<vmem>>
      %dma_wait3A_162 = arith.constant 0 : i32
      %dma_wait3A_163 = arith.constant 0 : i32
      %dma_wait3A_164 = tpu.memref_slice %arg12[%dma_wait3A_162, %dma_wait3A_163] : memref<10112x128xf32, #tpu.memory_space<vmem_shared>> -> memref<10112x128xf32, #tpu.memory_space<vmem_shared>>
      tpu.wait_indirect_dma semaphore(%arg20 : memref<!tpu.dma_semaphore, #tpu.memory_space<semaphore_mem>>) src(%arg10 : memref<128x128xf32, #tpu.memory_space<vmem>>) dst(%dma_wait3A_164 : memref<10112x128xf32, #tpu.memory_space<vmem_shared>>)
      %add3A_165 = arith.constant 1 : i32
      %add3A_166 = arith.addi %scan3A_100, %add3A_165 : i32
      %lt3A_167 = arith.constant 27 : i32
      %lt3A_168 = arith.cmpi slt, %add3A_166, %lt3A_167 : i32
      %convert_element_type3A_169 = arith.extui %lt3A_168 : i1 to i32
      %cond3A_170 = arith.constant 0 : i32
      %cond3A_171 = arith.cmpi ne, %convert_element_type3A_169, %cond3A_170 : i32
      scf.if %cond3A_171 {
        %add3A_186 = arith.constant 3 : i32
        %add3A_187 = arith.addi %mul3A_102, %add3A_186 : i32
        %add3A_188 = arith.constant 1 : i32
        %add3A_189 = arith.addi %add3A_187, %add3A_188 : i32
        %mul3A_190 = arith.constant 81 : i32
        %mul3A_191 = arith.muli %add3A, %mul3A_190 : i32
        %add3A_192 = arith.addi %mul3A_191, %add3A_189 : i32
        %dma_start3A_193 = arith.constant 0 : i32
        %dma_start3A_194 = arith.constant 0 : i32
        %dma_start3A_195 = tpu.memref_slice %arg3[%add3A_192, %dma_start3A_193, %dma_start3A_194] : memref<2592x2x128xi32, #tpu.memory_space<hbm>> -> memref<1x2x128xi32, #tpu.memory_space<hbm>>
        %dma_start3A_196 = tpu.memref_squeeze %dma_start3A_195 : memref<1x2x128xi32, #tpu.memory_space<hbm>> -> memref<2x128xi32, #tpu.memory_space<hbm>>
        %dma_start3A_197 = arith.constant 0 : i32
        %dma_start3A_198 = arith.constant 0 : i32
        %dma_start3A_199 = tpu.memref_slice %arg3[%add3A_192, %dma_start3A_197, %dma_start3A_198] : memref<2592x2x128xi32, #tpu.memory_space<hbm>> -> memref<1x2x128xi32, #tpu.memory_space<hbm>>
        %dma_start3A_200 = tpu.memref_squeeze %dma_start3A_199 : memref<1x2x128xi32, #tpu.memory_space<hbm>> -> memref<2x128xi32, #tpu.memory_space<hbm>>
        tpu.enqueue_dma source(%dma_start3A_200 : memref<2x128xi32, #tpu.memory_space<hbm>>) target(%arg7 : memref<2x128xi32, #tpu.memory_space<vmem>>) target_semaphore(%arg14 : memref<!tpu.dma_semaphore, #tpu.memory_space<semaphore_mem>>)
        %dma_wait3A_201 = arith.constant 0 : i32
        %dma_wait3A_202 = arith.constant 0 : i32
        %dma_wait3A_203 = arith.constant 0 : i32
        %dma_wait3A_204 = tpu.memref_slice %arg3[%dma_wait3A_201, %dma_wait3A_202, %dma_wait3A_203] : memref<2592x2x128xi32, #tpu.memory_space<hbm>> -> memref<1x2x128xi32, #tpu.memory_space<hbm>>
        %dma_wait3A_205 = tpu.memref_squeeze %dma_wait3A_204 : memref<1x2x128xi32, #tpu.memory_space<hbm>> -> memref<2x128xi32, #tpu.memory_space<hbm>>
        %dma_wait3A_206 = arith.constant 0 : i32
        %dma_wait3A_207 = arith.constant 0 : i32
        %dma_wait3A_208 = tpu.memref_slice %arg3[%dma_wait3A_201, %dma_wait3A_206, %dma_wait3A_207] : memref<2592x2x128xi32, #tpu.memory_space<hbm>> -> memref<1x2x128xi32, #tpu.memory_space<hbm>>
        %dma_wait3A_209 = tpu.memref_squeeze %dma_wait3A_208 : memref<1x2x128xi32, #tpu.memory_space<hbm>> -> memref<2x128xi32, #tpu.memory_space<hbm>>
        tpu.wait_dma2 semaphore(%arg14 : memref<!tpu.dma_semaphore, #tpu.memory_space<semaphore_mem>>) src(%dma_wait3A_209 : memref<2x128xi32, #tpu.memory_space<hbm>>) dst(%arg7 : memref<2x128xi32, #tpu.memory_space<vmem>>)
        %dma_start3A_210 = arith.constant 0 : i32
        %dma_start3A_211 = arith.constant 0 : i32
        %dma_start3A_212 = tpu.memref_slice %arg7[%dma_start3A_210, %dma_start3A_211] : memref<2x128xi32, #tpu.memory_space<vmem>> -> memref<1x128xi32, #tpu.memory_space<vmem>>
        %dma_start3A_213 = tpu.memref_squeeze %dma_start3A_212 : memref<1x128xi32, #tpu.memory_space<vmem>> -> memref<128xi32, #tpu.memory_space<vmem>>
        %dma_start3A_214 = arith.constant 0 : i32
        %dma_start3A_215 = arith.constant 0 : i32
        %dma_start3A_216 = tpu.memref_slice %arg2[%dma_start3A_214, %dma_start3A_215] : memref<10112x128xf32, #tpu.memory_space<hbm>> -> memref<10112x128xf32, #tpu.memory_space<hbm>>
        tpu.enqueue_indirect_dma source(%dma_start3A_216 : memref<10112x128xf32, #tpu.memory_space<hbm>>) target(%arg10 : memref<128x128xf32, #tpu.memory_space<vmem>>) offsets(%dma_start3A_213 : memref<128xi32, #tpu.memory_space<vmem>>) semaphore(%arg17 : memref<!tpu.dma_semaphore, #tpu.memory_space<semaphore_mem>>)
      } else {
      }
      %dma_wait3A_172 = arith.constant 1 : i32
      %dma_wait3A_173 = arith.constant 0 : i32
      %dma_wait3A_174 = tpu.memref_slice %arg8[%dma_wait3A_172, %dma_wait3A_173] : memref<2x128xi32, #tpu.memory_space<vmem>> -> memref<1x128xi32, #tpu.memory_space<vmem>>
      %dma_wait3A_175 = tpu.memref_squeeze %dma_wait3A_174 : memref<1x128xi32, #tpu.memory_space<vmem>> -> memref<128xi32, #tpu.memory_space<vmem>>
      %dma_wait3A_176 = arith.constant 0 : i32
      %dma_wait3A_177 = arith.constant 0 : i32
      %dma_wait3A_178 = tpu.memref_slice %arg12[%dma_wait3A_176, %dma_wait3A_177] : memref<10112x128xf32, #tpu.memory_space<vmem_shared>> -> memref<10112x128xf32, #tpu.memory_space<vmem_shared>>
      tpu.wait_indirect_dma semaphore(%arg21 : memref<!tpu.dma_semaphore, #tpu.memory_space<semaphore_mem>>) src(%arg11 : memref<128x128xf32, #tpu.memory_space<vmem>>) dst(%dma_wait3A_178 : memref<10112x128xf32, #tpu.memory_space<vmem_shared>>)
      %add3A_179 = arith.constant 1 : i32
      %add3A_180 = arith.addi %scan3A_100, %add3A_179 : i32
      %lt3A_181 = arith.constant 27 : i32
      %lt3A_182 = arith.cmpi slt, %add3A_180, %lt3A_181 : i32
      %convert_element_type3A_183 = arith.extui %lt3A_182 : i1 to i32
      %cond3A_184 = arith.constant 0 : i32
      %cond3A_185 = arith.cmpi ne, %convert_element_type3A_183, %cond3A_184 : i32
      scf.if %cond3A_185 {
        %add3A_186 = arith.constant 3 : i32
        %add3A_187 = arith.addi %mul3A_102, %add3A_186 : i32
        %add3A_188 = arith.constant 2 : i32
        %add3A_189 = arith.addi %add3A_187, %add3A_188 : i32
        %mul3A_190 = arith.constant 81 : i32
        %mul3A_191 = arith.muli %add3A, %mul3A_190 : i32
        %add3A_192 = arith.addi %mul3A_191, %add3A_189 : i32
        %dma_start3A_193 = arith.constant 0 : i32
        %dma_start3A_194 = arith.constant 0 : i32
        %dma_start3A_195 = tpu.memref_slice %arg3[%add3A_192, %dma_start3A_193, %dma_start3A_194] : memref<2592x2x128xi32, #tpu.memory_space<hbm>> -> memref<1x2x128xi32, #tpu.memory_space<hbm>>
        %dma_start3A_196 = tpu.memref_squeeze %dma_start3A_195 : memref<1x2x128xi32, #tpu.memory_space<hbm>> -> memref<2x128xi32, #tpu.memory_space<hbm>>
        %dma_start3A_197 = arith.constant 0 : i32
        %dma_start3A_198 = arith.constant 0 : i32
        %dma_start3A_199 = tpu.memref_slice %arg3[%add3A_192, %dma_start3A_197, %dma_start3A_198] : memref<2592x2x128xi32, #tpu.memory_space<hbm>> -> memref<1x2x128xi32, #tpu.memory_space<hbm>>
        %dma_start3A_200 = tpu.memref_squeeze %dma_start3A_199 : memref<1x2x128xi32, #tpu.memory_space<hbm>> -> memref<2x128xi32, #tpu.memory_space<hbm>>
        tpu.enqueue_dma source(%dma_start3A_200 : memref<2x128xi32, #tpu.memory_space<hbm>>) target(%arg8 : memref<2x128xi32, #tpu.memory_space<vmem>>) target_semaphore(%arg15 : memref<!tpu.dma_semaphore, #tpu.memory_space<semaphore_mem>>)
        %dma_wait3A_201 = arith.constant 0 : i32
        %dma_wait3A_202 = arith.constant 0 : i32
        %dma_wait3A_203 = arith.constant 0 : i32
        %dma_wait3A_204 = tpu.memref_slice %arg3[%dma_wait3A_201, %dma_wait3A_202, %dma_wait3A_203] : memref<2592x2x128xi32, #tpu.memory_space<hbm>> -> memref<1x2x128xi32, #tpu.memory_space<hbm>>
        %dma_wait3A_205 = tpu.memref_squeeze %dma_wait3A_204 : memref<1x2x128xi32, #tpu.memory_space<hbm>> -> memref<2x128xi32, #tpu.memory_space<hbm>>
        %dma_wait3A_206 = arith.constant 0 : i32
        %dma_wait3A_207 = arith.constant 0 : i32
        %dma_wait3A_208 = tpu.memref_slice %arg3[%dma_wait3A_201, %dma_wait3A_206, %dma_wait3A_207] : memref<2592x2x128xi32, #tpu.memory_space<hbm>> -> memref<1x2x128xi32, #tpu.memory_space<hbm>>
        %dma_wait3A_209 = tpu.memref_squeeze %dma_wait3A_208 : memref<1x2x128xi32, #tpu.memory_space<hbm>> -> memref<2x128xi32, #tpu.memory_space<hbm>>
        tpu.wait_dma2 semaphore(%arg15 : memref<!tpu.dma_semaphore, #tpu.memory_space<semaphore_mem>>) src(%dma_wait3A_209 : memref<2x128xi32, #tpu.memory_space<hbm>>) dst(%arg8 : memref<2x128xi32, #tpu.memory_space<vmem>>)
        %dma_start3A_210 = arith.constant 0 : i32
        %dma_start3A_211 = arith.constant 0 : i32
        %dma_start3A_212 = tpu.memref_slice %arg8[%dma_start3A_210, %dma_start3A_211] : memref<2x128xi32, #tpu.memory_space<vmem>> -> memref<1x128xi32, #tpu.memory_space<vmem>>
        %dma_start3A_213 = tpu.memref_squeeze %dma_start3A_212 : memref<1x128xi32, #tpu.memory_space<vmem>> -> memref<128xi32, #tpu.memory_space<vmem>>
        %dma_start3A_214 = arith.constant 0 : i32
        %dma_start3A_215 = arith.constant 0 : i32
        %dma_start3A_216 = tpu.memref_slice %arg2[%dma_start3A_214, %dma_start3A_215] : memref<10112x128xf32, #tpu.memory_space<hbm>> -> memref<10112x128xf32, #tpu.memory_space<hbm>>
        tpu.enqueue_indirect_dma source(%dma_start3A_216 : memref<10112x128xf32, #tpu.memory_space<hbm>>) target(%arg11 : memref<128x128xf32, #tpu.memory_space<vmem>>) offsets(%dma_start3A_213 : memref<128xi32, #tpu.memory_space<vmem>>) semaphore(%arg18 : memref<!tpu.dma_semaphore, #tpu.memory_space<semaphore_mem>>)
      } else {
      }
    }
    %scan3A_95 = arith.constant 27 : i32
    %barrier3A_96 = arith.constant 0 : index
    tpu.barrier barrier_id(%barrier3A_96)
    %mul3A_97 = arith.constant 10112 : i32
    %mul3A_98 = arith.muli %arg0, %mul3A_97 : i32
    %add3A_99 = arith.addi %mul3A_98, %mul3A_2 : i32
    "tpu.region"() ({
      %run_scoped3A = tpu.sem_alloc : memref<!tpu.dma_semaphore, #tpu.memory_space<semaphore_mem>>
      %dma_start3A_100 = arith.constant 0 : i32
      %dma_start3A_101 = tpu.memref_slice %arg5[%add3A_99, %dma_start3A_100] : memref<20224x128xf32, #tpu.memory_space<hbm>> -> memref<632x128xf32, #tpu.memory_space<hbm>>
      %dma_start3A_102 = arith.constant 0 : i32
      %dma_start3A_103 = tpu.memref_slice %arg12[%mul3A_2, %dma_start3A_102] : memref<10112x128xf32, #tpu.memory_space<vmem_shared>> -> memref<632x128xf32, #tpu.memory_space<vmem_shared>>
      tpu.enqueue_dma source(%dma_start3A_103 : memref<632x128xf32, #tpu.memory_space<vmem_shared>>) target(%dma_start3A_101 : memref<632x128xf32, #tpu.memory_space<hbm>>) target_semaphore(%run_scoped3A : memref<!tpu.dma_semaphore, #tpu.memory_space<semaphore_mem>>)
      %dma_wait3A_104 = arith.constant 0 : i32
      %dma_wait3A_105 = tpu.memref_slice %arg5[%add3A_99, %dma_wait3A_104] : memref<20224x128xf32, #tpu.memory_space<hbm>> -> memref<632x128xf32, #tpu.memory_space<hbm>>
      %dma_wait3A_106 = arith.constant 0 : i32
      %dma_wait3A_107 = tpu.memref_slice %arg12[%mul3A_2, %dma_wait3A_106] : memref<10112x128xf32, #tpu.memory_space<vmem_shared>> -> memref<632x128xf32, #tpu.memory_space<vmem_shared>>
      tpu.wait_dma2 semaphore(%run_scoped3A : memref<!tpu.dma_semaphore, #tpu.memory_space<semaphore_mem>>) src(%dma_wait3A_107 : memref<632x128xf32, #tpu.memory_space<vmem_shared>>) dst(%dma_wait3A_105 : memref<632x128xf32, #tpu.memory_space<hbm>>)
      tpu.yield
    }) : () -> ()
    return
  }
}

module attributes {stable_mosaic.version = 14 : i64} {
  func.func @_prep_body(%arg0: i32, %arg1: memref<2x632x1xf32, #tpu.memory_space<vmem>>, %arg2: memref<632x128xf32, #tpu.memory_space<vmem>>, %arg3: memref<632x128xf32, #tpu.memory_space<vmem>>) attributes {dimension_semantics = [#tpu.dimension_semantics<arbitrary>], iteration_bounds = array<i64: 16>, scalar_prefetch = 0 : i64, scratch_operands = 0 : i64, tpu.core_type = #tpu.core_type<tc>, window_params = [{transform_indices = @transform_0, window_bounds = array<i64: 2, 632, 1>}, {transform_indices = @transform_1, window_bounds = array<i64: 632, 128>}, {transform_indices = @transform_2, window_bounds = array<i64: 632, 128>}]} {
    %get3A = arith.constant 0 : index
    %get3A_0 = arith.constant 0 : index
    %get3A_1 = arith.constant 0 : index
    %get3A_2 = vector.load %arg1[%get3A, %get3A_0, %get3A_1] : memref<2x632x1xf32, #tpu.memory_space<vmem>>, vector<1x632x1xf32>
    %get3A_3 = vector.shape_cast %get3A_2 : vector<1x632x1xf32> to vector<632x1xf32>
    %get3A_4 = arith.constant 1 : index
    %get3A_5 = arith.constant 0 : index
    %get3A_6 = arith.constant 0 : index
    %get3A_7 = vector.load %arg1[%get3A_4, %get3A_5, %get3A_6] : memref<2x632x1xf32, #tpu.memory_space<vmem>>, vector<1x632x1xf32>
    %get3A_8 = vector.shape_cast %get3A_7 : vector<1x632x1xf32> to vector<632x1xf32>
    %add3A = arith.addf %get3A_3, %get3A_8 : vector<632x1xf32>
    %add3A_9 = arith.constant 1.000000e+00 : f32
    %add3A_10 = vector.broadcast %add3A_9 : f32 to vector<632x1xf32>
    %add3A_11 = arith.addf %add3A, %add3A_10 : vector<632x1xf32>
    %rsqrt3A = math.rsqrt %add3A_11 : vector<632x1xf32>
    %get3A_12 = arith.constant 0 : index
    %get3A_13 = arith.constant 0 : index
    %get3A_14 = vector.load %arg2[%get3A_12, %get3A_13] : memref<632x128xf32, #tpu.memory_space<vmem>>, vector<632x128xf32>
    %broadcast_in_dim3A = vector.shape_cast %rsqrt3A : vector<632x1xf32> to vector<632x1xf32>
    %broadcast_in_dim3A_15 = vector.broadcast %broadcast_in_dim3A : vector<632x1xf32> to vector<632x128xf32>
    %mul3A = arith.mulf %get3A_14, %broadcast_in_dim3A_15 : vector<632x128xf32>
    %swap3A = arith.constant 0 : index
    %swap3A_16 = arith.constant 0 : index
    %swap3A_17 = vector.load %arg3[%swap3A, %swap3A_16] : memref<632x128xf32, #tpu.memory_space<vmem>>, vector<632x128xf32>
    tpu.vector_store %arg3[%swap3A, %swap3A_16], %mul3A {strides = array<i32>} : memref<632x128xf32, #tpu.memory_space<vmem>>, vector<632x128xf32>,
    return
  }
  func.func @transform_0(%arg0: i32) -> (i32, i32, i32) {
    %c0_i32 = arith.constant 0 : i32
    %c0_i32_0 = arith.constant 0 : i32
    %c0_i32_1 = arith.constant 0 : i32
    return %c0_i32, %arg0, %c0_i32_0 : i32, i32, i32
  }
  func.func @transform_1(%arg0: i32) -> (i32, i32) {
    %c0_i32 = arith.constant 0 : i32
    %c0_i32_0 = arith.constant 0 : i32
    return %arg0, %c0_i32 : i32, i32
  }
  func.func @transform_2(%arg0: i32) -> (i32, i32) {
    %c0_i32 = arith.constant 0 : i32
    %c0_i32_0 = arith.constant 0 : i32
    return %arg0, %c0_i32 : i32, i32
  }
}

module attributes {stable_mosaic.version = 14 : i64} {
  func.func @_layer_body(%arg0: i32, %arg1: memref<2x632x128xf32, #tpu.memory_space<vmem>>, %arg2: memref<2x632x1xf32, #tpu.memory_space<vmem>>, %arg3: memref<128x128xf32, #tpu.memory_space<vmem>>, %arg4: memref<1x128xf32, #tpu.memory_space<vmem>>, %arg5: memref<632x128xf32, #tpu.memory_space<vmem>>) attributes {dimension_semantics = [#tpu.dimension_semantics<arbitrary>], iteration_bounds = array<i64: 16>, scalar_prefetch = 0 : i64, scratch_operands = 0 : i64, tpu.core_type = #tpu.core_type<tc>, window_params = [{transform_indices = @transform_0, window_bounds = array<i64: 2, 632, 128>}, {transform_indices = @transform_1, window_bounds = array<i64: 2, 632, 1>}, {pipeline_mode = #tpu.pipeline_mode<synchronous>, transform_indices = @transform_2, window_bounds = array<i64: 128, 128>}, {pipeline_mode = #tpu.pipeline_mode<synchronous>, transform_indices = @transform_3, window_bounds = array<i64: 1, 128>}, {transform_indices = @transform_4, window_bounds = array<i64: 632, 128>}]} {
    %get3A = arith.constant 0 : index
    %get3A_0 = arith.constant 0 : index
    %get3A_1 = arith.constant 0 : index
    %get3A_2 = vector.load %arg2[%get3A, %get3A_0, %get3A_1] : memref<2x632x1xf32, #tpu.memory_space<vmem>>, vector<1x632x1xf32>
    %get3A_3 = vector.shape_cast %get3A_2 : vector<1x632x1xf32> to vector<632x1xf32>
    %get3A_4 = arith.constant 1 : index
    %get3A_5 = arith.constant 0 : index
    %get3A_6 = arith.constant 0 : index
    %get3A_7 = vector.load %arg2[%get3A_4, %get3A_5, %get3A_6] : memref<2x632x1xf32, #tpu.memory_space<vmem>>, vector<1x632x1xf32>
    %get3A_8 = vector.shape_cast %get3A_7 : vector<1x632x1xf32> to vector<632x1xf32>
    %add3A = arith.addf %get3A_3, %get3A_8 : vector<632x1xf32>
    %add3A_9 = arith.constant 1.000000e+00 : f32
    %add3A_10 = vector.broadcast %add3A_9 : f32 to vector<632x1xf32>
    %add3A_11 = arith.addf %add3A, %add3A_10 : vector<632x1xf32>
    %rsqrt3A = math.rsqrt %add3A_11 : vector<632x1xf32>
    %broadcast_in_dim3A = vector.shape_cast %rsqrt3A : vector<632x1xf32> to vector<632x1xf32>
    %broadcast_in_dim3A_12 = vector.broadcast %broadcast_in_dim3A : vector<632x1xf32> to vector<632x128xf32>
    %get3A_13 = arith.constant 0 : index
    %get3A_14 = arith.constant 0 : index
    %get3A_15 = arith.constant 0 : index
    %get3A_16 = vector.load %arg1[%get3A_13, %get3A_14, %get3A_15] : memref<2x632x128xf32, #tpu.memory_space<vmem>>, vector<1x632x128xf32>
    %get3A_17 = vector.shape_cast %get3A_16 : vector<1x632x128xf32> to vector<632x128xf32>
    %get3A_18 = arith.constant 1 : index
    %get3A_19 = arith.constant 0 : index
    %get3A_20 = arith.constant 0 : index
    %get3A_21 = vector.load %arg1[%get3A_18, %get3A_19, %get3A_20] : memref<2x632x128xf32, #tpu.memory_space<vmem>>, vector<1x632x128xf32>
    %get3A_22 = vector.shape_cast %get3A_21 : vector<1x632x128xf32> to vector<632x128xf32>
    %add3A_23 = arith.addf %get3A_17, %get3A_22 : vector<632x128xf32>
    %mul3A = arith.mulf %add3A_23, %broadcast_in_dim3A_12 : vector<632x128xf32>
    %get3A_24 = arith.constant 0 : index
    %get3A_25 = arith.constant 0 : index
    %get3A_26 = vector.load %arg3[%get3A_24, %get3A_25] : memref<128x128xf32, #tpu.memory_space<vmem>>, vector<128x128xf32>
    %dot_general3A = arith.constant dense<0.000000e+00> : vector<632x128xf32>
    %dot_general3A_27 = tpu.matmul %mul3A, %get3A_26, %dot_general3A {dimension_numbers = #tpu.dot_dimension_numbers<[1], [0], [0], [1], [0, 0, 1, 1], [], []>, transpose_lhs_hint = false} : vector<632x128xf32>, vector<128x128xf32>, vector<632x128xf32> -> vector<632x128xf32>
    %get3A_28 = arith.constant 0 : index
    %get3A_29 = arith.constant 0 : index
    %get3A_30 = vector.load %arg4[%get3A_28, %get3A_29] : memref<1x128xf32, #tpu.memory_space<vmem>>, vector<1x128xf32>
    %add3A_31 = vector.broadcast %get3A_30 : vector<1x128xf32> to vector<632x128xf32>
    %add3A_32 = arith.addf %dot_general3A_27, %add3A_31 : vector<632x128xf32>
    %max3A = arith.constant 0.000000e+00 : f32
    %max3A_33 = vector.broadcast %max3A : f32 to vector<632x128xf32>
    %max3A_34 = arith.maximumf %add3A_32, %max3A_33 : vector<632x128xf32>
    %mul3A_35 = arith.mulf %max3A_34, %broadcast_in_dim3A_12 : vector<632x128xf32>
    %swap3A = arith.constant 0 : index
    %swap3A_36 = arith.constant 0 : index
    %swap3A_37 = vector.load %arg5[%swap3A, %swap3A_36] : memref<632x128xf32, #tpu.memory_space<vmem>>, vector<632x128xf32>
    tpu.vector_store %arg5[%swap3A, %swap3A_36], %mul3A_35 {strides = array<i32>} : memref<632x128xf32, #tpu.memory_space<vmem>>, vector<632x128xf32>,
    return
  }
  func.func @transform_0(%arg0: i32) -> (i32, i32, i32) {
    %c0_i32 = arith.constant 0 : i32
    %c0_i32_0 = arith.constant 0 : i32
    %c0_i32_1 = arith.constant 0 : i32
    return %c0_i32, %arg0, %c0_i32_0 : i32, i32, i32
  }
  func.func @transform_1(%arg0: i32) -> (i32, i32, i32) {
    %c0_i32 = arith.constant 0 : i32
    %c0_i32_0 = arith.constant 0 : i32
    %c0_i32_1 = arith.constant 0 : i32
    return %c0_i32, %arg0, %c0_i32_0 : i32, i32, i32
  }
  func.func @transform_2(%arg0: i32) -> (i32, i32) {
    %c0_i32 = arith.constant 0 : i32
    %c0_i32_0 = arith.constant 0 : i32
    %c0_i32_1 = arith.constant 0 : i32
    return %c0_i32, %c0_i32_0 : i32, i32
  }
  func.func @transform_3(%arg0: i32) -> (i32, i32) {
    %c0_i32 = arith.constant 0 : i32
    %c0_i32_0 = arith.constant 0 : i32
    %c0_i32_1 = arith.constant 0 : i32
    return %c0_i32, %c0_i32_0 : i32, i32
  }
  func.func @transform_4(%arg0: i32) -> (i32, i32) {
    %c0_i32 = arith.constant 0 : i32
    %c0_i32_0 = arith.constant 0 : i32
    return %arg0, %c0_i32 : i32, i32
  }
}

module attributes {stable_mosaic.version = 14 : i64} {
  func.func @_layer_body(%arg0: i32, %arg1: memref<2x632x128xf32, #tpu.memory_space<vmem>>, %arg2: memref<2x632x1xf32, #tpu.memory_space<vmem>>, %arg3: memref<128x128xf32, #tpu.memory_space<vmem>>, %arg4: memref<1x128xf32, #tpu.memory_space<vmem>>, %arg5: memref<632x128xf32, #tpu.memory_space<vmem>>) attributes {dimension_semantics = [#tpu.dimension_semantics<arbitrary>], iteration_bounds = array<i64: 16>, scalar_prefetch = 0 : i64, scratch_operands = 0 : i64, tpu.core_type = #tpu.core_type<tc>, window_params = [{transform_indices = @transform_0, window_bounds = array<i64: 2, 632, 128>}, {transform_indices = @transform_1, window_bounds = array<i64: 2, 632, 1>}, {pipeline_mode = #tpu.pipeline_mode<synchronous>, transform_indices = @transform_2, window_bounds = array<i64: 128, 128>}, {pipeline_mode = #tpu.pipeline_mode<synchronous>, transform_indices = @transform_3, window_bounds = array<i64: 1, 128>}, {transform_indices = @transform_4, window_bounds = array<i64: 632, 128>}]} {
    %get3A = arith.constant 0 : index
    %get3A_0 = arith.constant 0 : index
    %get3A_1 = arith.constant 0 : index
    %get3A_2 = vector.load %arg2[%get3A, %get3A_0, %get3A_1] : memref<2x632x1xf32, #tpu.memory_space<vmem>>, vector<1x632x1xf32>
    %get3A_3 = vector.shape_cast %get3A_2 : vector<1x632x1xf32> to vector<632x1xf32>
    %get3A_4 = arith.constant 1 : index
    %get3A_5 = arith.constant 0 : index
    %get3A_6 = arith.constant 0 : index
    %get3A_7 = vector.load %arg2[%get3A_4, %get3A_5, %get3A_6] : memref<2x632x1xf32, #tpu.memory_space<vmem>>, vector<1x632x1xf32>
    %get3A_8 = vector.shape_cast %get3A_7 : vector<1x632x1xf32> to vector<632x1xf32>
    %add3A = arith.addf %get3A_3, %get3A_8 : vector<632x1xf32>
    %add3A_9 = arith.constant 1.000000e+00 : f32
    %add3A_10 = vector.broadcast %add3A_9 : f32 to vector<632x1xf32>
    %add3A_11 = arith.addf %add3A, %add3A_10 : vector<632x1xf32>
    %rsqrt3A = math.rsqrt %add3A_11 : vector<632x1xf32>
    %broadcast_in_dim3A = vector.shape_cast %rsqrt3A : vector<632x1xf32> to vector<632x1xf32>
    %broadcast_in_dim3A_12 = vector.broadcast %broadcast_in_dim3A : vector<632x1xf32> to vector<632x128xf32>
    %get3A_13 = arith.constant 0 : index
    %get3A_14 = arith.constant 0 : index
    %get3A_15 = arith.constant 0 : index
    %get3A_16 = vector.load %arg1[%get3A_13, %get3A_14, %get3A_15] : memref<2x632x128xf32, #tpu.memory_space<vmem>>, vector<1x632x128xf32>
    %get3A_17 = vector.shape_cast %get3A_16 : vector<1x632x128xf32> to vector<632x128xf32>
    %get3A_18 = arith.constant 1 : index
    %get3A_19 = arith.constant 0 : index
    %get3A_20 = arith.constant 0 : index
    %get3A_21 = vector.load %arg1[%get3A_18, %get3A_19, %get3A_20] : memref<2x632x128xf32, #tpu.memory_space<vmem>>, vector<1x632x128xf32>
    %get3A_22 = vector.shape_cast %get3A_21 : vector<1x632x128xf32> to vector<632x128xf32>
    %add3A_23 = arith.addf %get3A_17, %get3A_22 : vector<632x128xf32>
    %mul3A = arith.mulf %add3A_23, %broadcast_in_dim3A_12 : vector<632x128xf32>
    %get3A_24 = arith.constant 0 : index
    %get3A_25 = arith.constant 0 : index
    %get3A_26 = vector.load %arg3[%get3A_24, %get3A_25] : memref<128x128xf32, #tpu.memory_space<vmem>>, vector<128x128xf32>
    %dot_general3A = arith.constant dense<0.000000e+00> : vector<632x128xf32>
    %dot_general3A_27 = tpu.matmul %mul3A, %get3A_26, %dot_general3A {dimension_numbers = #tpu.dot_dimension_numbers<[1], [0], [0], [1], [0, 0, 1, 1], [], []>, transpose_lhs_hint = false} : vector<632x128xf32>, vector<128x128xf32>, vector<632x128xf32> -> vector<632x128xf32>
    %get3A_28 = arith.constant 0 : index
    %get3A_29 = arith.constant 0 : index
    %get3A_30 = vector.load %arg4[%get3A_28, %get3A_29] : memref<1x128xf32, #tpu.memory_space<vmem>>, vector<1x128xf32>
    %add3A_31 = vector.broadcast %get3A_30 : vector<1x128xf32> to vector<632x128xf32>
    %add3A_32 = arith.addf %dot_general3A_27, %add3A_31 : vector<632x128xf32>
    %swap3A = arith.constant 0 : index
    %swap3A_33 = arith.constant 0 : index
    %swap3A_34 = vector.load %arg5[%swap3A, %swap3A_33] : memref<632x128xf32, #tpu.memory_space<vmem>>, vector<632x128xf32>
    tpu.vector_store %arg5[%swap3A, %swap3A_33], %add3A_32 {strides = array<i32>} : memref<632x128xf32, #tpu.memory_space<vmem>>, vector<632x128xf32>,
    return
  }
  func.func @transform_0(%arg0: i32) -> (i32, i32, i32) {
    %c0_i32 = arith.constant 0 : i32
    %c0_i32_0 = arith.constant 0 : i32
    %c0_i32_1 = arith.constant 0 : i32
    return %c0_i32, %arg0, %c0_i32_0 : i32, i32, i32
  }
  func.func @transform_1(%arg0: i32) -> (i32, i32, i32) {
    %c0_i32 = arith.constant 0 : i32
    %c0_i32_0 = arith.constant 0 : i32
    %c0_i32_1 = arith.constant 0 : i32
    return %c0_i32, %arg0, %c0_i32_0 : i32, i32, i32
  }
  func.func @transform_2(%arg0: i32) -> (i32, i32) {
    %c0_i32 = arith.constant 0 : i32
    %c0_i32_0 = arith.constant 0 : i32
    %c0_i32_1 = arith.constant 0 : i32
    return %c0_i32, %c0_i32_0 : i32, i32
  }
  func.func @transform_3(%arg0: i32) -> (i32, i32) {
    %c0_i32 = arith.constant 0 : i32
    %c0_i32_0 = arith.constant 0 : i32
    %c0_i32_1 = arith.constant 0 : i32
    return %c0_i32, %c0_i32_0 : i32, i32
  }
  func.func @transform_4(%arg0: i32) -> (i32, i32) {
    %c0_i32 = arith.constant 0 : i32
    %c0_i32_0 = arith.constant 0 : i32
    return %arg0, %c0_i32 : i32, i32
  }
}

</mosaic_0001>

<sc_bundles>
// kernel: kernel.11.cloned.1.call-start
scs
__scs_entry_jumppad:
0x0: {  	(pc) =	sbr.rel $0x88, $3  }
0x1: {  	(tag) =	ssettag $0x0;
	lr =	simm.s32 $0x1  }
0x2: {  	[smem:$0x3F9B] =	sst lr;
	_ =	strace $0xD0000000  }
0x3: {  	_ = 	snop  }
0x4: {  	_ = 	snop  }
0x5: {  	_ = 	snop  }
0x6: {  	_ = 	snop  }
0x7: {  	_ = 	snop  }
__scs_overlays_trampoline_lowered:
0x8: {  	[smem:$0x3FAA] =	sst s0  }
0x9: {  	[smem:$0x3FAB] =	sst s1  }
0xa: {  	[smem:$0x3FAC] =	sst s2  }
0xb: {  	[smem:$0x3FAD] =	sst s3  }
0xc: {  	[smem:$0x3FAE] =	sst s4  }
0xd: {  	[smem:$0x3FAF] =	sst s5  }
0xe: {  	[smem:$0x3FB0] =	sst s6  }
0xf: {  	[smem:$0x3FB1] =	sst s7  }
0x10: {  	[smem:$0x3FB2] =	sst s8  }
0x11: {  	[smem:$0x3FB3] =	sst s9;
	s0 =	simm.s32 @!p0 $0x0  }
0x12: {  	s1 =	sld [smem:$0x3F99];
	s0 =	simm.s32 @p0 $0x1  }
0x13: {  	[smem:$0x3FB4] =	sst s0;
	s0 =	simm.s32 @!p1 $0x0  }
0x14: {  	s2 =	sld [smem:$0x3F98];
	s0 =	simm.s32 @p1 $0x1  }
0x15: {  	[smem:$0x3FB5] =	sst s0;
	s0 =	simm.s32 @!p2 $0x0  }
0x16: {  	s3 =	sld [smem:$0x3FDB];
	s0 =	simm.s32 @p2 $0x1  }
0x17: {  	s4 =	simm.s32 $0x1BF5;
	[smem:$0x3FB7] =	sst s0  }
0x18: {  	s0 =	sld [smem:$0x3F9A];
	_ =	swait.ge [sflag:s4], $0x0  }
0x19: {  	s7 =	sld [smem:$0x3F9B]  }
0x1a: {  	s8 =	sadd.s32 $0xFFFFE003, lr  }
0x1b: {  	s9 =	sadd.s32 $0xFFFFFEF7, lr;
	s5 =	simm.s32 $0xFFFFFFFF;
	p2 =	slt.u32 s8, $0xFFFFF086  }
0x1c: {  	p1 =	slt.u32 s9, $0xF7A;
	s5 =	simm.s32 @!p2 $0x0  }
0x1d: {  	s5 =	simm.s32 @p1 $0x1;
	p0 =	seq.s32 s7, s2  }
0x1e: {  	s7 =	smul.u32 @!p0 $0xF7A, s2;
	p2 =	seq.s32 @!p0 s5, $0x0  }
0x1f: {  	s9 =	smul.u32 $0xF7A, s1;
	s8 =	simm.s32 @!p0 $0x1BF5;
	p2 =	por !p2, p0  }
0x20: {  	[sflag:s8] =	ssyncset.s32 @!p0 $0xFFFFF086;
	s6 =	sadd.s32 @!p0 s3, s7;
	s7 =	simm.s32 @!p0 $0x108  }
0x21: {  	s3 =	sadd.s32 s3, s9;
	s6 =	sadd.s32 @!p0 $0x88, s6;
	s7 =	simm.s32 @p2 $0x1082  }
0x22: {  	[simem:s7], [sflag:s8] =	dma.local @!p0 [hbm:s6], $0xF7A  }
0x23: {  	s9 =	sor.u32 $0xD0000000, s2;
	s6 =	simm.s32 $0x108;
	_ =	swait.ge @!p0 [sflag:s8], $0x0  }
0x24: {  	s3 =	sadd.s32 $0x88, s3;
	s6 =	simm.s32 @!p1 $0x1082;
	[sflag:s4] =	ssyncset.s32 $0xFFFFF086  }
0x25: {  	[simem:s6], [sflag:s4] =	dma.local [hbm:s3], $0xF7A  }
0x26: {  	[smem:$0x3F9B] =	sst s1;
	(tag) =	ssettag s2;
	_ =	strace s9  }
0x27: {  	s1 =	sld [smem:$0x3FAB]  }
0x28: {  	s2 =	sld [smem:$0x3FAC]  }
0x29: {  	s4 =	sld [smem:$0x3FAE]  }
0x2a: {  	p0 =	seq.s32 s5, $0x0;
	s5 =	sld [smem:$0x3FAF]  }
0x2b: {  	s6 =	sld [smem:$0x3FB0]  }
0x2c: {  	s7 =	sld [smem:$0x3FB1]  }
0x2d: {  	s3 =	simm.s32 $0x108;
	s8 =	sld [smem:$0x3FB2]  }
0x2e: {  	s3 =	simm.s32 @!p0 $0x1082;
	s9 =	sld [smem:$0x3FB3]  }
0x2f: {  	lr =	sadd.s32 s0, s3;
	s0 =	sld [smem:$0x3FAA]  }
0x30: {  	s3 =	sld [smem:$0x3FAD]  }
0x31: {  	[smem:$0x3FB6] =	sst s10  }
0x32: {  	s10 =	sld [smem:$0x3FB4];
	_ =	sdelay $0x3  }
0x33: {  	p0 =	seq.s32 s10, $0x1;
	s10 =	sld [smem:$0x3FB6];
	_ =	sdelay $0x3  }
0x34: {  	[smem:$0x3FB6] =	sst s10  }
0x35: {  	s10 =	sld [smem:$0x3FB5];
	_ =	sdelay $0x3  }
0x36: {  	p1 =	seq.s32 s10, $0x1;
	s10 =	sld [smem:$0x3FB6];
	_ =	sdelay $0x3  }
0x37: {  	[smem:$0x3FB6] =	sst s10  }
0x38: {  	s10 =	sld [smem:$0x3FB7]  }
0x39: {  	_ = 	snop;
	(pc) =	sbr.ind lr, $3  }
0x3a: {  	_ = 	snop  }
0x3b: {  	_ = 	snop  }
0x3c: {  	p2 =	seq.s32 s10, $0x1;
	s10 =	sld [smem:$0x3FB6]  }
0x3d: {  	_ =	shalt  }
0x3e: {  	_ =	shalt  }
0x3f: {  	_ =	shalt  }
0x40: {  	_ =	shalt  }
0x41: {  	_ =	shalt  }
0x42: {  	_ =	shalt  }
0x43: {  	_ =	shalt  }
0x44: {  	_ =	shalt  }
0x45: {  	_ =	shalt  }
0x46: {  	_ =	shalt  }
0x47: {  	_ =	shalt  }
0x48: {  	_ =	shalt  }
0x49: {  	_ =	shalt  }
0x4a: {  	_ =	shalt  }
0x4b: {  	_ =	shalt  }
0x4c: {  	_ =	shalt  }
0x4d: {  	_ =	shalt  }
0x4e: {  	_ =	shalt  }
0x4f: {  	_ =	shalt  }
0x50: {  	_ =	shalt  }
0x51: {  	_ =	shalt  }
0x52: {  	_ =	shalt  }
0x53: {  	_ =	shalt  }
0x54: {  	_ =	shalt  }
0x55: {  	_ =	shalt  }
0x56: {  	_ =	shalt  }
0x57: {  	_ =	shalt  }
0x58: {  	_ =	shalt  }
0x59: {  	_ =	shalt  }
0x5a: {  	_ =	shalt  }
0x5b: {  	_ =	shalt  }
0x5c: {  	_ =	shalt  }
0x5d: {  	_ =	shalt  }
0x5e: {  	_ =	shalt  }
0x5f: {  	_ =	shalt  }
0x60: {  	_ =	shalt  }
0x61: {  	_ =	shalt  }
0x62: {  	_ =	shalt  }
0x63: {  	_ =	shalt  }
0x64: {  	_ =	shalt  }
0x65: {  	_ =	shalt  }
0x66: {  	_ =	shalt  }
0x67: {  	_ =	shalt  }
0x68: {  	_ =	shalt  }
0x69: {  	_ =	shalt  }
0x6a: {  	_ =	shalt  }
0x6b: {  	_ =	shalt  }
0x6c: {  	_ =	shalt  }
0x6d: {  	_ =	shalt  }
0x6e: {  	_ =	shalt  }
0x6f: {  	_ =	shalt  }
0x70: {  	_ =	shalt  }
0x71: {  	_ =	shalt  }
0x72: {  	_ =	shalt  }
0x73: {  	_ =	shalt  }
0x74: {  	_ =	shalt  }
0x75: {  	_ =	shalt  }
0x76: {  	_ =	shalt  }
0x77: {  	_ =	shalt  }
0x78: {  	_ =	shalt  }
0x79: {  	_ =	shalt  }
0x7a: {  	_ =	shalt  }
0x7b: {  	_ =	shalt  }
0x7c: {  	_ =	shalt  }
0x7d: {  	_ =	shalt  }
0x7e: {  	_ =	shalt  }
0x7f: {  	_ =	shalt  }
0x80: {  	_ =	shalt  }
0x81: {  	_ =	shalt  }
0x82: {  	_ =	shalt  }
0x83: {  	_ =	shalt  }
0x84: {  	_ =	shalt  }
0x85: {  	_ =	shalt  }
0x86: {  	_ =	shalt  }
0x87: {  	_ =	shalt  }
.Lfunc_end0:
.L_simem_size_0:
called_computation.1_lowered:
.L_overlay_start_0:
0x88: {  	s2 =	sld [smem:$0x3FD9]  }
0x89: {  	s3 =	sld [smem:$0x3FFE];
	_ =	sdelay $0x1  }
0x8a: {  	s1 =	srdreg.scid  }
0x8b: {  	s0 =	sand.u32 $0x1, s1  }
0x8c: {  	s17 =	sshll.u32 s0, $0xA;
	s2 =	sadd.s32 s3, s2  }
0x8d: {  	s2 =	sadd.s32 s2, s17  }
0x8e: {  	[smem:$0x3FC2] =	sst s2  }
0x8f: {  	_ = 	snop  }
0x90: {  	s2 =	sld [smem:$0x3FD0];
	(tm) =	ssettm $0x1  }
0x91: {  	s18 =	sld [smem:$0x3FFB];
	_ =	sdelay $0x3  }
0x92: {  	_ =	strace s18  }
0x93: {  	s3 =	sld [smem:$0x3FFC];
	_ =	sdelay $0x3  }
0x94: {  	_ =	strace s3  }
0x95: {  	s3 =	sld [smem:$0x3FFD];
	_ =	sdelay $0x3  }
0x96: {  	_ =	strace s3  }
0x97: {  	_ =	strace $0x8FFFFFFF  }
0x98: {  	s19 =	sld [smem:$0x3FDB];
	_ =	sdelay $0x1  }
0x99: {  	s4 =	simm.s32 $_scs_section_size  }
0x9a: {  	s5 =	simm.s32 $_size__tile_overlayer_lowered;
	s6 =	simm.s32 $_tile_overlayer_lowered  }
0x9b: {  	s22 =	simm.s32 $0x1BFF;
	s21 =	sshll.u32 s6, $0x1;
	s3 =	sadd.s32 s4, s19  }
0x9c: {  	s7 =	simm.s32 $0x0;
	s20 =	sshll.u32 s5, $0x1;
	s5 =	sadd.s32 s21, s3  }
0x9d: {  	[timem:s7], [sflag:s22] =	dma.local [hbm:s5], s20  }
0x9e: {  	_ =	swait.ge [sflag:s22], s20  }
0x9f: {  	s4 =	ssub.s32 $0x0, s20;
	[sflag:s22] =	ssyncset.done $0x0  }
0xa0: {  	[sflag:s22] =	ssyncadd.s32 s4;
	_ =	sdelay $0x1  }
0xa1: {  	s23 =	simm.s32 $0x1B8B  }
0xa2: {  	_ =	swait.ge [sflag:s23], $0x1  }
0xa3: {  	[sflag:s23] =	ssyncset.done $0x0  }
0xa4: {  	s25 =	simm.s32 $0x1B8E;
	s24 =	sld [smem:$0x3FFE];
	[sflag:s23] =	ssyncadd.s32 $0xFFFFFFFF  }
0xa5: {  	s26 =	simm.s32 $execute0_lowered;
	[smem:$0x3FD2] =	sst s25  }
0xa6: {  	s5 =	sshll.u32 s26, $0x1;
	_ =	strace $0x80000049;
	[dreg:$0x1] =	wrdreg $0xFFFFFFFF  }
0xa7: {  	s28 =	simm.s32 $_size_execute0_lowered;
	s3 =	sadd.s32 s3, s5;
	[dreg:$0x0] =	wrdreg $0x0  }
0xa8: {  	s5 =	sshll.u32 s28, $0x1;
	[dreg:$0x2] =	wrdreg s3  }
0xa9: {  	[dreg:$0x3] =	wrdreg s5  }
0xaa: {  	[dreg:$0x4] =	wrdreg $0xC0  }
0xab: {  	_ =	task [dreg:s7], $0x5FFFF  }
0xac: {  	[dreg:$0x1] =	wrdreg $0xFFFFFFFF  }
0xad: {  	[dreg:$0x0] =	wrdreg $0x60  }
0xae: {  	[dreg:$0x2] =	wrdreg s24  }
0xaf: {  	[dreg:$0x3] =	wrdreg s2  }
0xb0: {  	[dreg:$0x4] =	wrdreg $0xC3000  }
0xb1: {  	[dreg:$0x5] =	wrdreg $0x9  }
0xb2: {  	_ =	task.clear_ibuf [dreg:s7], $0x6FFFF;
	_ =	strace $0x90000049  }
0xb3: {  	s29 =	simm.s32 $0x9;
	_ =	strace $0x8000004B  }
0xb4: {  	_ =	swait.ge [sflag:s29], $0x1  }
0xb5: {  	[sflag:s29] =	ssyncadd.s32 $0xFFFFFFFF  }
0xb6: {  	_ =	strace $0x9000004B  }
0xb7: {  	_ =	sfence  }
0xb8: {  	s30 =	sld [smem:$0x0];
	_ =	sdelay $0x2  }
0xb9: {  	s31 =	sshll.u32 s1, $0xD;
	s1 =	sshrl.u32 s1, $0x2  }
0xba: {  	s3 =	sand.u32 $0x4000, s31;
	s1 =	sadd.s32 s1, s30  }
0xbb: {  	s0 =	sor.u32 s3, s0;
	s1 =	sshll.u32 s1, $0x11  }
0xbc: {  	s0 =	sor.u32 s1, s0  }
0xbd: {  	s0 =	sadd.s32 $0x8F2B, s0  }
0xbe: {  	[sflag:s0] =	ssyncadd.remote.s32 $0x1  }
0xbf: {  	_ =	sfence.sel $0xFFFF  }
0xc0: {  	[dreg:$0x0] =	wrdreg $0xFFFFFFFF;
	(pc) =	sbr.abs _section_cstart, $3  }
0xc1: {  	[dreg:$0x1] =	wrdreg $0xFFFFFFFF  }
0xc2: {  	_ =	task.clear_ibuf [dreg:s7], $0x2FFFF;
	_ =	strace $0x9FFFFFFF  }
0xc3: {  	(tm) =	ssettm $0x7FFFFFFF  }
tec
execute0_lowered:
.L_overlay_start_1:
0x0: {  	(tag) =	ssettag $0x1  }
0x1: {  	s0 =	rddreg [dreg:$0x0]  }
0x2: {  	s2 =	rddreg [dreg:$0x1]  }
0x3: {  	s1 =	rddreg [dreg:$0x2];
	s3 =	simm.s32 $0x0  }
0x4: {  	s5 =	srdreg.scid;
	s14 =	stileid.u32;
	s16 =	simm.s32 $0xA  }
0x5: {  	s17 =	simm.s32 $0x100;
	s18 =	simm.s32 $0x200;
	s28 =	simm.s32 $0x5  }
0x6: {  	s29 =	simm.s32 $0x180;
	s30 =	simm.s32 $0x6;
	s31 =	simm.s32 $0x280  }
0x7: {  	[smem:$0x7FF] =	sst s3;
	s4 =	sadd.s32 $0x51600, s0;
	s6 =	smul.u32 $0x2780, s14  }
0x8: {  	s5 =	sand.u32 $0x1, s5;
	s7 =	sadd.s32 $0x78E00, s0;
	s11 =	smul.u32 $0x4F000, s14  }
0x9: {  	s21 =	smul.u32 $0x51, s14;
	s26 =	sshll.u32 s14, $0x6;
	_ =	strace $0x8000004A  }
0xa: {  	s8 =	smul.u32 $0x27800, s5;
	s9 =	sshll.u32 s5, $0x4;
	s10 =	ssub.s32 $0x2, s5  }
0xb: {  	p0 =	seq.s32 s5, $0x0;
	s5 =	smul.u32 $0x510, s5;
	s9 =	sor.u32 s14, s9  }
0xc: {  	s12 =	sshrl.u32 s10, $0x1;
	s11 =	sshrl.u32 s11, $0x2;
	s7 =	smov.u32 @p0 s4  }
0xd: {  	s8 =	sadd.s32 s6, s8;
	s13 =	smul.u32 $0x5100, s9;
	s19 =	ssub.s32 s10, s12  }
0xe: {  	s9 =	smul.u32 $0xA20, s9;
	s15 =	sadd.s32 s11, s1;
	s24 =	sadd.s32 s21, s5  }
0xf: {  	s11 =	sor.u32 $0x1C0A, s26;
	s21 =	simm.s32 $0x300;
	s26 =	simm.s32 $0x4  }
0x10: {  	s5 =	simm.s32 $0x9;
	s0 =	sadd.s32 s8, s0;
	s25 =	smax.u32 s19, $0x1  }
0x11: {  	s15 =	sshrl.u32 s15, $0x3;
	s19 =	simm.s32 $0x1;
	s20 =	sshrl.u32 s13, $0x3  }
0x12: {  	s9 =	sadd.s32 s2, s9;
	s0 =	sadd.s32 $0xA0600, s0;
	[dreg:$0x8] =	wrdreg s25  }
0x13: {  	s25 =	simm.s32 $0x8300;
	s10 =	sadd.s32 s2, s20;
	[dreg:$0x4] =	wrdreg s9  }
0x14: {  	[dreg:$0x7] =	wrdreg s0;
	s0 =	sshll.u32 s24, $0x5;
	s20 =	simm.s32 $0x80  }
0x15: {  	s24 =	simm.s32 $0x3;
	s22 =	sadd.s32 $0x20, s10;
	s23 =	sadd.s32 $0x40, s10  }
0x16: {  	s10 =	sadd.s32 s7, s6;
	s0 =	sadd.s32 s0, s2;
	[dreg:$0x5] =	wrdreg s22  }
0x17: {  	s2 =	simm.s32 $0x8;
	s6 =	simm.s32 $0x0;
	[dreg:$0x6] =	wrdreg s23  }
0x18: {  	s12 =	sadd.s32 $0xA0, s0;
	s13 =	sadd.s32 $0x80, s0;
	s14 =	sadd.s32 $0x60, s0  }
0x19: {  	s22 =	simm.s32 $0x2;
	s23 =	simm.s32 $0x4300;
	s0 =	simm.s32 $0x7  }
.LBB2_1:
0x1a: {  	[spmem:s15], [sflag:s11] =	dma.local [hbm:s10], $0x2780  }
0x1b: {  	_ =	swait.ge [sflag:s16], $0x2780  }
0x1c: {  	[sflag:s16] =	ssyncset.done $0x0  }
0x1d: {  	s7 =	rddreg [dreg:$0x4];
	[sflag:s16] =	ssyncadd.s32 $0xFFFFD880  }
0x1e: {  	[tilespmem:s3], [sflag:$0x1] =	stream.linear.gather [hbm4b:s7+s3], $0x100, $0x38;
	[tilespmem:$0x1FF00] =	vst v63  }
0x1f: {  	s9 =	rddreg [dreg:$0x5]  }
0x20: {  	[tilespmem:s17], [sflag:$0x2] =	stream.linear.gather [hbm4b:s9+s3], $0x100, $0x38;
	[tilespmem:$0x1FF00] =	vst v63  }
0x21: {  	s8 =	rddreg [dreg:$0x6]  }
0x22: {  	[tilespmem:s18], [sflag:$0x3] =	stream.linear.gather [hbm4b:s8+s3], $0x100, $0x38;
	[tilespmem:$0x1FF00] =	vst v63  }
0x23: {  	[bflag:$0x0] =	sbarrier.arrive $0xFFFF  }
0x24: {  	_ =	swait.ge [sflag:s19], $0x100  }
0x25: {  	[sflag:s19] =	ssyncset.done $0x0  }
0x26: {  	[sflag:s19] =	ssyncadd.s32 $0xFFFFFF00  }
0x27: {  	[tilespmem:s21], [sflag:$0x4] =	stream.indirect.gather [hbm4b:s4+s20], $0x80, s3, s20, $0xb8;
	[tilespmem:$0x1FF00] =	vst v63  }
0x28: {  	_ =	swait.ge [sflag:s22], $0x100  }
0x29: {  	[sflag:s22] =	ssyncset.done $0x0  }
0x2a: {  	[sflag:s22] =	ssyncadd.s32 $0xFFFFFF00  }
0x2b: {  	[tilespmem:s23], [sflag:$0x5] =	stream.indirect.gather [hbm4b:s4+s20], $0x80, s17, s20, $0xb8;
	[tilespmem:$0x1FF00] =	vst v63  }
0x2c: {  	_ =	swait.ge [sflag:s24], $0x100  }
0x2d: {  	[sflag:s24] =	ssyncset.done $0x0  }
0x2e: {  	[sflag:s24] =	ssyncadd.s32 $0xFFFFFF00  }
0x2f: {  	[tilespmem:s25], [sflag:$0x6] =	stream.indirect.gather [hbm4b:s4+s20], $0x80, s18, s20, $0xb8;
	[tilespmem:$0x1FF00] =	vst v63  }
0x30: {  	_ =	swait.ge [sflag:s26], $0x4000  }
0x31: {  	[sflag:s26] =	ssyncset.done $0x0  }
0x32: {  	[sflag:s26] =	ssyncadd.s32 $0xFFFFC000  }
0x33: {  	[spmem:s1] =	stream.indirect.scatter.add.f32 [tilespmem:s21], [sflag:$0x7], $0x80, s20, s20, $0xb8;
	[tilespmem:$0x1FF00] =	vst v63  }
0x34: {  	_ =	swait.ge [sflag:s28], $0x4000  }
0x35: {  	[sflag:s28] =	ssyncset.done $0x0  }
0x36: {  	[sflag:s28] =	ssyncadd.s32 $0xFFFFC000  }
0x37: {  	[spmem:s1] =	stream.indirect.scatter.add.f32 [tilespmem:s23], [sflag:$0x8], $0x80, s29, s20, $0xb8;
	[tilespmem:$0x1FF00] =	vst v63  }
0x38: {  	_ =	swait.ge [sflag:s30], $0x4000  }
0x39: {  	[sflag:s30] =	ssyncset.done $0x0  }
0x3a: {  	[sflag:s30] =	ssyncadd.s32 $0xFFFFC000  }
0x3b: {  	[spmem:s1] =	stream.indirect.scatter.add.f32 [tilespmem:s25], [sflag:$0x9], $0x80, s31, s20, $0xb8;
	[tilespmem:$0x1FF00] =	vst v63  }
0x3c: {  	_ =	swait.ge [sflag:s0], $0x4000  }
0x3d: {  	[sflag:s0] =	ssyncset.done $0x0  }
0x3e: {  	s9 =	sadd.s32 $0x0, s14;
	[sflag:s0] =	ssyncadd.s32 $0xFFFFC000  }
0x3f: {  	[tilespmem:s3], [sflag:$0x1] =	stream.linear.gather [hbm4b:s9+s3], $0x100, $0x38;
	[tilespmem:$0x1FF00] =	vst v63  }
0x40: {  	_ =	swait.ge [sflag:s19], $0x100  }
0x41: {  	[sflag:s19] =	ssyncset.done $0x0  }
0x42: {  	[sflag:s19] =	ssyncadd.s32 $0xFFFFFF00  }
0x43: {  	[tilespmem:s21], [sflag:$0x4] =	stream.indirect.gather [hbm4b:s4+s20], $0x80, s3, s20, $0xb8;
	[tilespmem:$0x1FF00] =	vst v63  }
0x44: {  	_ =	swait.ge [sflag:s2], $0x4000  }
0x45: {  	[sflag:s2] =	ssyncset.done $0x0  }
0x46: {  	s8 =	sadd.s32 $0x0, s13;
	[sflag:s2] =	ssyncadd.s32 $0xFFFFC000  }
0x47: {  	[tilespmem:s17], [sflag:$0x2] =	stream.linear.gather [hbm4b:s8+s3], $0x100, $0x38;
	[tilespmem:$0x1FF00] =	vst v63  }
0x48: {  	_ =	swait.ge [sflag:s22], $0x100  }
0x49: {  	[sflag:s22] =	ssyncset.done $0x0  }
0x4a: {  	[sflag:s22] =	ssyncadd.s32 $0xFFFFFF00  }
0x4b: {  	[tilespmem:s23], [sflag:$0x5] =	stream.indirect.gather [hbm4b:s4+s20], $0x80, s17, s20, $0xb8;
	[tilespmem:$0x1FF00] =	vst v63  }
0x4c: {  	_ =	swait.ge [sflag:s5], $0x4000  }
0x4d: {  	[sflag:s5] =	ssyncset.done $0x0  }
0x4e: {  	s9 =	sadd.s32 $0x0, s12;
	[sflag:s5] =	ssyncadd.s32 $0xFFFFC000  }
0x4f: {  	[tilespmem:s18], [sflag:$0x3] =	stream.linear.gather [hbm4b:s9+s3], $0x100, $0x38;
	[tilespmem:$0x1FF00] =	vst v63  }
0x50: {  	_ =	swait.ge [sflag:s24], $0x100  }
0x51: {  	[sflag:s24] =	ssyncset.done $0x0  }
0x52: {  	s7 =	simm.s32 $0x60;
	[sflag:s24] =	ssyncadd.s32 $0xFFFFFF00  }
.LBB2_2:
0x53: {  	[tilespmem:s25], [sflag:$0x6] =	stream.indirect.gather [hbm4b:s4+s20], $0x80, s18, s20, $0xb8;
	[tilespmem:$0x1FF00] =	vst v63  }
0x54: {  	s8 =	smov.u32 s7  }
0x55: {  	p0 =	sne.s32 s7, $0x960;
	s7 =	sadd.s32 $0x60, s7;
	_ =	swait.ge [sflag:s26], $0x4000  }
0x56: {  	[sflag:s26] =	ssyncset.done $0x0  }
0x57: {  	[sflag:s26] =	ssyncadd.s32 $0xFFFFC000  }
0x58: {  	[spmem:s1] =	stream.indirect.scatter.add.f32 [tilespmem:s21], [sflag:$0x7], $0x80, s20, s20, $0xb8;
	[tilespmem:$0x1FF00] =	vst v63  }
0x59: {  	_ =	swait.ge [sflag:s28], $0x4000  }
0x5a: {  	[sflag:s28] =	ssyncset.done $0x0  }
0x5b: {  	[sflag:s28] =	ssyncadd.s32 $0xFFFFC000  }
0x5c: {  	[spmem:s1] =	stream.indirect.scatter.add.f32 [tilespmem:s23], [sflag:$0x8], $0x80, s29, s20, $0xb8;
	[tilespmem:$0x1FF00] =	vst v63  }
0x5d: {  	_ =	swait.ge [sflag:s30], $0x4000  }
0x5e: {  	[sflag:s30] =	ssyncset.done $0x0  }
0x5f: {  	[sflag:s30] =	ssyncadd.s32 $0xFFFFC000  }
0x60: {  	[spmem:s1] =	stream.indirect.scatter.add.f32 [tilespmem:s25], [sflag:$0x9], $0x80, s31, s20, $0xb8;
	[tilespmem:$0x1FF00] =	vst v63  }
0x61: {  	_ =	swait.ge [sflag:s0], $0x4000  }
0x62: {  	[sflag:s0] =	ssyncset.done $0x0  }
0x63: {  	s9 =	sadd.s32 s8, s14;
	[sflag:s0] =	ssyncadd.s32 $0xFFFFC000  }
0x64: {  	[tilespmem:s3], [sflag:$0x1] =	stream.linear.gather [hbm4b:s9+s3], $0x100, $0x38;
	[tilespmem:$0x1FF00] =	vst v63  }
0x65: {  	_ =	swait.ge [sflag:s19], $0x100  }
0x66: {  	[sflag:s19] =	ssyncset.done $0x0  }
0x67: {  	[sflag:s19] =	ssyncadd.s32 $0xFFFFFF00  }
0x68: {  	[tilespmem:s21], [sflag:$0x4] =	stream.indirect.gather [hbm4b:s4+s20], $0x80, s3, s20, $0xb8;
	[tilespmem:$0x1FF00] =	vst v63  }
0x69: {  	_ =	swait.ge [sflag:s2], $0x4000  }
0x6a: {  	[sflag:s2] =	ssyncset.done $0x0  }
0x6b: {  	s9 =	sadd.s32 s8, s13;
	[sflag:s2] =	ssyncadd.s32 $0xFFFFC000  }
0x6c: {  	[tilespmem:s17], [sflag:$0x2] =	stream.linear.gather [hbm4b:s9+s3], $0x100, $0x38;
	[tilespmem:$0x1FF00] =	vst v63  }
0x6d: {  	_ =	swait.ge [sflag:s22], $0x100  }
0x6e: {  	[sflag:s22] =	ssyncset.done $0x0  }
0x6f: {  	[sflag:s22] =	ssyncadd.s32 $0xFFFFFF00  }
0x70: {  	[tilespmem:s23], [sflag:$0x5] =	stream.indirect.gather [hbm4b:s4+s20], $0x80, s17, s20, $0xb8;
	[tilespmem:$0x1FF00] =	vst v63  }
0x71: {  	_ =	swait.ge [sflag:s5], $0x4000  }
0x72: {  	[sflag:s5] =	ssyncset.done $0x0  }
.Ltmp0:
0x73: {  	s8 =	sadd.s32 s8, s12;
	[sflag:s5] =	ssyncadd.s32 $0xFFFFC000;
	(pc) =	sbr.rel @p0 .LBB2_2-.Ltmp0, $4  }
0x74: {  	[tilespmem:s18], [sflag:$0x3] =	stream.linear.gather [hbm4b:s8+s3], $0x100, $0x38;
	[tilespmem:$0x1FF00] =	vst v63  }
0x75: {  	_ =	swait.ge [sflag:s24], $0x100  }
0x76: {  	[sflag:s24] =	ssyncset.done $0x0  }
0x77: {  	[sflag:s24] =	ssyncadd.s32 $0xFFFFFF00  }
0x78: {  	[tilespmem:s25], [sflag:$0x6] =	stream.indirect.gather [hbm4b:s4+s20], $0x80, s18, s20, $0xb8;
	[tilespmem:$0x1FF00] =	vst v63  }
0x79: {  	_ =	swait.ge [sflag:s26], $0x4000  }
0x7a: {  	[sflag:s26] =	ssyncset.done $0x0  }
0x7b: {  	[sflag:s26] =	ssyncadd.s32 $0xFFFFC000  }
0x7c: {  	[spmem:s1] =	stream.indirect.scatter.add.f32 [tilespmem:s21], [sflag:$0x7], $0x80, s20, s20, $0xb8;
	[tilespmem:$0x1FF00] =	vst v63  }
0x7d: {  	_ =	swait.ge [sflag:s28], $0x4000  }
0x7e: {  	[sflag:s28] =	ssyncset.done $0x0  }
0x7f: {  	[sflag:s28] =	ssyncadd.s32 $0xFFFFC000  }
0x80: {  	[spmem:s1] =	stream.indirect.scatter.add.f32 [tilespmem:s23], [sflag:$0x8], $0x80, s29, s20, $0xb8;
	[tilespmem:$0x1FF00] =	vst v63  }
0x81: {  	_ =	swait.ge [sflag:s30], $0x4000  }
0x82: {  	[sflag:s30] =	ssyncset.done $0x0  }
0x83: {  	[sflag:s30] =	ssyncadd.s32 $0xFFFFC000  }
0x84: {  	[spmem:s1] =	stream.indirect.scatter.add.f32 [tilespmem:s25], [sflag:$0x9], $0x80, s31, s20, $0xb8;
	[tilespmem:$0x1FF00] =	vst v63  }
0x85: {  	_ =	swait.ge [sflag:s0], $0x4000  }
0x86: {  	[sflag:s0] =	ssyncset.done $0x0  }
0x87: {  	[sflag:s0] =	ssyncadd.s32 $0xFFFFC000  }
0x88: {  	_ =	swait.ge [sflag:s2], $0x4000  }
0x89: {  	[sflag:s2] =	ssyncset.done $0x0  }
0x8a: {  	[sflag:s2] =	ssyncadd.s32 $0xFFFFC000  }
0x8b: {  	_ =	swait.ge [sflag:s5], $0x4000  }
0x8c: {  	[sflag:s5] =	ssyncset.done $0x0  }
0x8d: {  	[sflag:s5] =	ssyncadd.s32 $0xFFFFC000  }
0x8e: {  	[bflag:$0x0] =	sbarrier.arrive $0xFFFF  }
0x8f: {  	s7 =	rddreg [dreg:$0x7]  }
0x90: {  	[hbm:s7], [sflag:s11] =	dma.local [spmem:s15], $0x2780  }
0x91: {  	_ =	swait.ge [sflag:s16], $0x2780  }
0x92: {  	s6 =	sadd.s32 $0x1, s6;
	s9 =	rddreg [dreg:$0x8]  }
0x93: {  	p0 =	sne.s32 s6, s9  }
.Ltmp1:
0x94: {  	_ = 	snop;
	(pc) =	sbr.rel @p0 .LBB2_1-.Ltmp1, $3  }
0x95: {  	_ =	sdelay $0x1  }
0x96: {  	[sflag:s16] =	ssyncset.done $0x0  }
0x97: {  	[sflag:s16] =	ssyncadd.s32 $0xFFFFD880  }
0x98: {  	_ =	sfence.sel $0x180000  }
0x99: {  	[bflag:$0x0] =	sbarrier.arrive $0xFFFF  }
0x9a: {  	_ =	strace $0x9000004A  }
0x9b: {  	s0 =	stileid.u32;
	[bflag:$0x2] =	sbarrier.arrive $0xFFFF  }
0x9c: {  	p0 =	sne.s32 s0, $0x0;
	s0 =	rddreg [dreg:$0x3]  }
0x9d: {  	s0 =	sadd.s32 @!p0 $0x100000, s0  }
0x9e: {  	[sflag:s0] =	ssyncadd.tile.s32 @!p0 $0x1;
	_ =	shalt  }
.Lfunc_end2:
_tile_overlayer_lowered:
.L_overlay_start_2:
0x9f: {  	(tag) =	ssettag $0x2  }
0xa0: {  	s0 =	rddreg [dreg:$0x0];
	s2 =	stileid.u32  }
0xa1: {  	s1 =	rddreg [dreg:$0x1];
	p0 =	sne.s32 s2, $0x0  }
0xa2: {  	s3 =	rddreg [dreg:$0x2];
	[bflag:$0x3] =	sbarrier.arrive $0xFFFF;
	s2 =	simm.s32 @!p0 $0x1C0A  }
0xa3: {  	[timem:s3], [sflag:s2] =	dma.local @!p0 [hbm:s0], s1  }
0xa4: {  	s0 =	simm.s32 @!p0 $0xA  }
0xa5: {  	_ =	swait.ge @!p0 [sflag:s0], s1  }
0xa6: {  	s1 =	ssub.s32 @!p0 $0x0, s1;
	[sflag:s0] =	ssyncset.done @!p0 $0x0  }
0xa7: {  	[sflag:s0] =	ssyncadd.s32 @!p0 s1  }
0xa8: {  	[bflag:$0x3] =	sbarrier.arrive $0xFFFF  }
0xa9: {  	_ =	shalt  }

// kernel: kernel.14.cloned.1.call-start
scs
__scs_entry_jumppad:
0x0: {  	(pc) =	sbr.rel $0x88, $3  }
0x1: {  	(tag) =	ssettag $0x0;
	lr =	simm.s32 $0x1  }
0x2: {  	[smem:$0x3F9B] =	sst lr;
	_ =	strace $0xD0000000  }
0x3: {  	_ = 	snop  }
0x4: {  	_ = 	snop  }
0x5: {  	_ = 	snop  }
0x6: {  	_ = 	snop  }
0x7: {  	_ = 	snop  }
__scs_overlays_trampoline_lowered:
0x8: {  	[smem:$0x3FAA] =	sst s0  }
0x9: {  	[smem:$0x3FAB] =	sst s1  }
0xa: {  	[smem:$0x3FAC] =	sst s2  }
0xb: {  	[smem:$0x3FAD] =	sst s3  }
0xc: {  	[smem:$0x3FAE] =	sst s4  }
0xd: {  	[smem:$0x3FAF] =	sst s5  }
0xe: {  	[smem:$0x3FB0] =	sst s6  }
0xf: {  	[smem:$0x3FB1] =	sst s7  }
0x10: {  	[smem:$0x3FB2] =	sst s8  }
0x11: {  	[smem:$0x3FB3] =	sst s9;
	s0 =	simm.s32 @!p0 $0x0  }
0x12: {  	s1 =	sld [smem:$0x3F99];
	s0 =	simm.s32 @p0 $0x1  }
0x13: {  	[smem:$0x3FB4] =	sst s0;
	s0 =	simm.s32 @!p1 $0x0  }
0x14: {  	s2 =	sld [smem:$0x3F98];
	s0 =	simm.s32 @p1 $0x1  }
0x15: {  	[smem:$0x3FB5] =	sst s0;
	s0 =	simm.s32 @!p2 $0x0  }
0x16: {  	s3 =	sld [smem:$0x3FDB];
	s0 =	simm.s32 @p2 $0x1  }
0x17: {  	s4 =	simm.s32 $0x1BF5;
	[smem:$0x3FB7] =	sst s0  }
0x18: {  	s0 =	sld [smem:$0x3F9A];
	_ =	swait.ge [sflag:s4], $0x0  }
0x19: {  	s7 =	sld [smem:$0x3F9B]  }
0x1a: {  	s8 =	sadd.s32 $0xFFFFE003, lr  }
0x1b: {  	s9 =	sadd.s32 $0xFFFFFEF7, lr;
	s5 =	simm.s32 $0xFFFFFFFF;
	p2 =	slt.u32 s8, $0xFFFFF086  }
0x1c: {  	p1 =	slt.u32 s9, $0xF7A;
	s5 =	simm.s32 @!p2 $0x0  }
0x1d: {  	s5 =	simm.s32 @p1 $0x1;
	p0 =	seq.s32 s7, s2  }
0x1e: {  	s7 =	smul.u32 @!p0 $0xF7A, s2;
	p2 =	seq.s32 @!p0 s5, $0x0  }
0x1f: {  	s9 =	smul.u32 $0xF7A, s1;
	s8 =	simm.s32 @!p0 $0x1BF5;
	p2 =	por !p2, p0  }
0x20: {  	[sflag:s8] =	ssyncset.s32 @!p0 $0xFFFFF086;
	s6 =	sadd.s32 @!p0 s3, s7;
	s7 =	simm.s32 @!p0 $0x108  }
0x21: {  	s3 =	sadd.s32 s3, s9;
	s6 =	sadd.s32 @!p0 $0x88, s6;
	s7 =	simm.s32 @p2 $0x1082  }
0x22: {  	[simem:s7], [sflag:s8] =	dma.local @!p0 [hbm:s6], $0xF7A  }
0x23: {  	s9 =	sor.u32 $0xD0000000, s2;
	s6 =	simm.s32 $0x108;
	_ =	swait.ge @!p0 [sflag:s8], $0x0  }
0x24: {  	s3 =	sadd.s32 $0x88, s3;
	s6 =	simm.s32 @!p1 $0x1082;
	[sflag:s4] =	ssyncset.s32 $0xFFFFF086  }
0x25: {  	[simem:s6], [sflag:s4] =	dma.local [hbm:s3], $0xF7A  }
0x26: {  	[smem:$0x3F9B] =	sst s1;
	(tag) =	ssettag s2;
	_ =	strace s9  }
0x27: {  	s1 =	sld [smem:$0x3FAB]  }
0x28: {  	s2 =	sld [smem:$0x3FAC]  }
0x29: {  	s4 =	sld [smem:$0x3FAE]  }
0x2a: {  	p0 =	seq.s32 s5, $0x0;
	s5 =	sld [smem:$0x3FAF]  }
0x2b: {  	s6 =	sld [smem:$0x3FB0]  }
0x2c: {  	s7 =	sld [smem:$0x3FB1]  }
0x2d: {  	s3 =	simm.s32 $0x108;
	s8 =	sld [smem:$0x3FB2]  }
0x2e: {  	s3 =	simm.s32 @!p0 $0x1082;
	s9 =	sld [smem:$0x3FB3]  }
0x2f: {  	lr =	sadd.s32 s0, s3;
	s0 =	sld [smem:$0x3FAA]  }
0x30: {  	s3 =	sld [smem:$0x3FAD]  }
0x31: {  	[smem:$0x3FB6] =	sst s10  }
0x32: {  	s10 =	sld [smem:$0x3FB4];
	_ =	sdelay $0x3  }
0x33: {  	p0 =	seq.s32 s10, $0x1;
	s10 =	sld [smem:$0x3FB6];
	_ =	sdelay $0x3  }
0x34: {  	[smem:$0x3FB6] =	sst s10  }
0x35: {  	s10 =	sld [smem:$0x3FB5];
	_ =	sdelay $0x3  }
0x36: {  	p1 =	seq.s32 s10, $0x1;
	s10 =	sld [smem:$0x3FB6];
	_ =	sdelay $0x3  }
0x37: {  	[smem:$0x3FB6] =	sst s10  }
0x38: {  	s10 =	sld [smem:$0x3FB7]  }
0x39: {  	_ = 	snop;
	(pc) =	sbr.ind lr, $3  }
0x3a: {  	_ = 	snop  }
0x3b: {  	_ = 	snop  }
0x3c: {  	p2 =	seq.s32 s10, $0x1;
	s10 =	sld [smem:$0x3FB6]  }
0x3d: {  	_ =	shalt  }
0x3e: {  	_ =	shalt  }
0x3f: {  	_ =	shalt  }
0x40: {  	_ =	shalt  }
0x41: {  	_ =	shalt  }
0x42: {  	_ =	shalt  }
0x43: {  	_ =	shalt  }
0x44: {  	_ =	shalt  }
0x45: {  	_ =	shalt  }
0x46: {  	_ =	shalt  }
0x47: {  	_ =	shalt  }
0x48: {  	_ =	shalt  }
0x49: {  	_ =	shalt  }
0x4a: {  	_ =	shalt  }
0x4b: {  	_ =	shalt  }
0x4c: {  	_ =	shalt  }
0x4d: {  	_ =	shalt  }
0x4e: {  	_ =	shalt  }
0x4f: {  	_ =	shalt  }
0x50: {  	_ =	shalt  }
0x51: {  	_ =	shalt  }
0x52: {  	_ =	shalt  }
0x53: {  	_ =	shalt  }
0x54: {  	_ =	shalt  }
0x55: {  	_ =	shalt  }
0x56: {  	_ =	shalt  }
0x57: {  	_ =	shalt  }
0x58: {  	_ =	shalt  }
0x59: {  	_ =	shalt  }
0x5a: {  	_ =	shalt  }
0x5b: {  	_ =	shalt  }
0x5c: {  	_ =	shalt  }
0x5d: {  	_ =	shalt  }
0x5e: {  	_ =	shalt  }
0x5f: {  	_ =	shalt  }
0x60: {  	_ =	shalt  }
0x61: {  	_ =	shalt  }
0x62: {  	_ =	shalt  }
0x63: {  	_ =	shalt  }
0x64: {  	_ =	shalt  }
0x65: {  	_ =	shalt  }
0x66: {  	_ =	shalt  }
0x67: {  	_ =	shalt  }
0x68: {  	_ =	shalt  }
0x69: {  	_ =	shalt  }
0x6a: {  	_ =	shalt  }
0x6b: {  	_ =	shalt  }
0x6c: {  	_ =	shalt  }
0x6d: {  	_ =	shalt  }
0x6e: {  	_ =	shalt  }
0x6f: {  	_ =	shalt  }
0x70: {  	_ =	shalt  }
0x71: {  	_ =	shalt  }
0x72: {  	_ =	shalt  }
0x73: {  	_ =	shalt  }
0x74: {  	_ =	shalt  }
0x75: {  	_ =	shalt  }
0x76: {  	_ =	shalt  }
0x77: {  	_ =	shalt  }
0x78: {  	_ =	shalt  }
0x79: {  	_ =	shalt  }
0x7a: {  	_ =	shalt  }
0x7b: {  	_ =	shalt  }
0x7c: {  	_ =	shalt  }
0x7d: {  	_ =	shalt  }
0x7e: {  	_ =	shalt  }
0x7f: {  	_ =	shalt  }
0x80: {  	_ =	shalt  }
0x81: {  	_ =	shalt  }
0x82: {  	_ =	shalt  }
0x83: {  	_ =	shalt  }
0x84: {  	_ =	shalt  }
0x85: {  	_ =	shalt  }
0x86: {  	_ =	shalt  }
0x87: {  	_ =	shalt  }
.Lfunc_end0:
.L_simem_size_0:
called_computation.2_lowered:
.L_overlay_start_0:
0x88: {  	s2 =	sld [smem:$0x3FD9]  }
0x89: {  	s3 =	sld [smem:$0x3FFE];
	_ =	sdelay $0x1  }
0x8a: {  	s1 =	srdreg.scid  }
0x8b: {  	s0 =	sand.u32 $0x1, s1  }
0x8c: {  	s17 =	sshll.u32 s0, $0xA;
	s2 =	sadd.s32 s3, s2  }
0x8d: {  	s2 =	sadd.s32 s2, s17  }
0x8e: {  	[smem:$0x3FC2] =	sst s2  }
0x8f: {  	_ = 	snop  }
0x90: {  	s2 =	sld [smem:$0x3FD0];
	(tm) =	ssettm $0x1  }
0x91: {  	s18 =	sld [smem:$0x3FFB];
	_ =	sdelay $0x3  }
0x92: {  	_ =	strace s18  }
0x93: {  	s3 =	sld [smem:$0x3FFC];
	_ =	sdelay $0x3  }
0x94: {  	_ =	strace s3  }
0x95: {  	s3 =	sld [smem:$0x3FFD];
	_ =	sdelay $0x3  }
0x96: {  	_ =	strace s3  }
0x97: {  	_ =	strace $0x8FFFFFFF  }
0x98: {  	s19 =	sld [smem:$0x3FDB];
	_ =	sdelay $0x1  }
0x99: {  	s4 =	simm.s32 $_scs_section_size  }
0x9a: {  	s5 =	simm.s32 $_size__tile_overlayer_lowered;
	s6 =	simm.s32 $_tile_overlayer_lowered  }
0x9b: {  	s22 =	simm.s32 $0x1BFF;
	s21 =	sshll.u32 s6, $0x1;
	s3 =	sadd.s32 s4, s19  }
0x9c: {  	s7 =	simm.s32 $0x0;
	s20 =	sshll.u32 s5, $0x1;
	s5 =	sadd.s32 s21, s3  }
0x9d: {  	[timem:s7], [sflag:s22] =	dma.local [hbm:s5], s20  }
0x9e: {  	_ =	swait.ge [sflag:s22], s20  }
0x9f: {  	s4 =	ssub.s32 $0x0, s20;
	[sflag:s22] =	ssyncset.done $0x0  }
0xa0: {  	[sflag:s22] =	ssyncadd.s32 s4;
	_ =	sdelay $0x1  }
0xa1: {  	s23 =	simm.s32 $0x1B8B  }
0xa2: {  	_ =	swait.ge [sflag:s23], $0x1  }
0xa3: {  	[sflag:s23] =	ssyncset.done $0x0  }
0xa4: {  	s25 =	simm.s32 $0x1B8E;
	s24 =	sld [smem:$0x3FFE];
	[sflag:s23] =	ssyncadd.s32 $0xFFFFFFFF  }
0xa5: {  	s26 =	simm.s32 $execute0_lowered;
	[smem:$0x3FD2] =	sst s25  }
0xa6: {  	s5 =	sshll.u32 s26, $0x1;
	_ =	strace $0x8000004C;
	[dreg:$0x1] =	wrdreg $0xFFFFFFFF  }
0xa7: {  	s28 =	simm.s32 $_size_execute0_lowered;
	s3 =	sadd.s32 s3, s5;
	[dreg:$0x0] =	wrdreg $0x0  }
0xa8: {  	s5 =	sshll.u32 s28, $0x1;
	[dreg:$0x2] =	wrdreg s3  }
0xa9: {  	[dreg:$0x3] =	wrdreg s5  }
0xaa: {  	[dreg:$0x4] =	wrdreg $0xC0  }
0xab: {  	_ =	task [dreg:s7], $0x5FFFF  }
0xac: {  	[dreg:$0x1] =	wrdreg $0xFFFFFFFF  }
0xad: {  	[dreg:$0x0] =	wrdreg $0x60  }
0xae: {  	[dreg:$0x2] =	wrdreg s24  }
0xaf: {  	[dreg:$0x3] =	wrdreg s2  }
0xb0: {  	[dreg:$0x4] =	wrdreg $0xC3000  }
0xb1: {  	[dreg:$0x5] =	wrdreg $0x9  }
0xb2: {  	_ =	task.clear_ibuf [dreg:s7], $0x6FFFF;
	_ =	strace $0x9000004C  }
0xb3: {  	s29 =	simm.s32 $0x9;
	_ =	strace $0x8000004E  }
0xb4: {  	_ =	swait.ge [sflag:s29], $0x1  }
0xb5: {  	[sflag:s29] =	ssyncadd.s32 $0xFFFFFFFF  }
0xb6: {  	_ =	strace $0x9000004E  }
0xb7: {  	_ =	sfence  }
0xb8: {  	s30 =	sld [smem:$0x0];
	_ =	sdelay $0x2  }
0xb9: {  	s31 =	sshll.u32 s1, $0xD;
	s1 =	sshrl.u32 s1, $0x2  }
0xba: {  	s3 =	sand.u32 $0x4000, s31;
	s1 =	sadd.s32 s1, s30  }
0xbb: {  	s0 =	sor.u32 s3, s0;
	s1 =	sshll.u32 s1, $0x11  }
0xbc: {  	s0 =	sor.u32 s1, s0  }
0xbd: {  	s0 =	sadd.s32 $0x8F2B, s0  }
0xbe: {  	[sflag:s0] =	ssyncadd.remote.s32 $0x1  }
0xbf: {  	_ =	sfence.sel $0xFFFF  }
0xc0: {  	[dreg:$0x0] =	wrdreg $0xFFFFFFFF;
	(pc) =	sbr.abs _section_cstart, $3  }
0xc1: {  	[dreg:$0x1] =	wrdreg $0xFFFFFFFF  }
0xc2: {  	_ =	task.clear_ibuf [dreg:s7], $0x2FFFF;
	_ =	strace $0x9FFFFFFF  }
0xc3: {  	(tm) =	ssettm $0x7FFFFFFF  }
tec
execute0_lowered:
.L_overlay_start_1:
0x0: {  	(tag) =	ssettag $0x1  }
0x1: {  	s0 =	rddreg [dreg:$0x0]  }
0x2: {  	s2 =	rddreg [dreg:$0x1]  }
0x3: {  	s1 =	rddreg [dreg:$0x2];
	s3 =	simm.s32 $0x0  }
0x4: {  	s5 =	srdreg.scid;
	s14 =	stileid.u32;
	s16 =	simm.s32 $0xA  }
0x5: {  	s17 =	simm.s32 $0x100;
	s18 =	simm.s32 $0x200;
	s28 =	simm.s32 $0x5  }
0x6: {  	s29 =	simm.s32 $0x180;
	s30 =	simm.s32 $0x6;
	s31 =	simm.s32 $0x280  }
0x7: {  	[smem:$0x7FF] =	sst s3;
	s4 =	sadd.s32 $0x51600, s0;
	s6 =	smul.u32 $0x2780, s14  }
0x8: {  	s5 =	sand.u32 $0x1, s5;
	s7 =	sadd.s32 $0x78E00, s0;
	s11 =	smul.u32 $0x4F000, s14  }
0x9: {  	s21 =	smul.u32 $0x51, s14;
	s26 =	sshll.u32 s14, $0x6;
	_ =	strace $0x8000004D  }
0xa: {  	s8 =	smul.u32 $0x27800, s5;
	s9 =	sshll.u32 s5, $0x4;
	s10 =	ssub.s32 $0x2, s5  }
0xb: {  	p0 =	seq.s32 s5, $0x0;
	s5 =	smul.u32 $0x510, s5;
	s9 =	sor.u32 s14, s9  }
0xc: {  	s12 =	sshrl.u32 s10, $0x1;
	s11 =	sshrl.u32 s11, $0x2;
	s7 =	smov.u32 @p0 s4  }
0xd: {  	s8 =	sadd.s32 s6, s8;
	s13 =	smul.u32 $0x5100, s9;
	s19 =	ssub.s32 s10, s12  }
0xe: {  	s9 =	smul.u32 $0xA20, s9;
	s15 =	sadd.s32 s11, s1;
	s24 =	sadd.s32 s21, s5  }
0xf: {  	s11 =	sor.u32 $0x1C0A, s26;
	s21 =	simm.s32 $0x300;
	s26 =	simm.s32 $0x4  }
0x10: {  	s5 =	simm.s32 $0x9;
	s0 =	sadd.s32 s8, s0;
	s25 =	smax.u32 s19, $0x1  }
0x11: {  	s15 =	sshrl.u32 s15, $0x3;
	s19 =	simm.s32 $0x1;
	s20 =	sshrl.u32 s13, $0x3  }
0x12: {  	s9 =	sadd.s32 s2, s9;
	s0 =	sadd.s32 $0xA0600, s0;
	[dreg:$0x8] =	wrdreg s25  }
0x13: {  	s25 =	simm.s32 $0x8300;
	s10 =	sadd.s32 s2, s20;
	[dreg:$0x4] =	wrdreg s9  }
0x14: {  	[dreg:$0x7] =	wrdreg s0;
	s0 =	sshll.u32 s24, $0x5;
	s20 =	simm.s32 $0x80  }
0x15: {  	s24 =	simm.s32 $0x3;
	s22 =	sadd.s32 $0x20, s10;
	s23 =	sadd.s32 $0x40, s10  }
0x16: {  	s10 =	sadd.s32 s7, s6;
	s0 =	sadd.s32 s0, s2;
	[dreg:$0x5] =	wrdreg s22  }
0x17: {  	s2 =	simm.s32 $0x8;
	s6 =	simm.s32 $0x0;
	[dreg:$0x6] =	wrdreg s23  }
0x18: {  	s12 =	sadd.s32 $0xA0, s0;
	s13 =	sadd.s32 $0x80, s0;
	s14 =	sadd.s32 $0x60, s0  }
0x19: {  	s22 =	simm.s32 $0x2;
	s23 =	simm.s32 $0x4300;
	s0 =	simm.s32 $0x7  }
.LBB2_1:
0x1a: {  	[spmem:s15], [sflag:s11] =	dma.local [hbm:s10], $0x2780  }
0x1b: {  	_ =	swait.ge [sflag:s16], $0x2780  }
0x1c: {  	[sflag:s16] =	ssyncset.done $0x0  }
0x1d: {  	s7 =	rddreg [dreg:$0x4];
	[sflag:s16] =	ssyncadd.s32 $0xFFFFD880  }
0x1e: {  	[tilespmem:s3], [sflag:$0x1] =	stream.linear.gather [hbm4b:s7+s3], $0x100, $0x38;
	[tilespmem:$0x1FF00] =	vst v63  }
0x1f: {  	s9 =	rddreg [dreg:$0x5]  }
0x20: {  	[tilespmem:s17], [sflag:$0x2] =	stream.linear.gather [hbm4b:s9+s3], $0x100, $0x38;
	[tilespmem:$0x1FF00] =	vst v63  }
0x21: {  	s8 =	rddreg [dreg:$0x6]  }
0x22: {  	[tilespmem:s18], [sflag:$0x3] =	stream.linear.gather [hbm4b:s8+s3], $0x100, $0x38;
	[tilespmem:$0x1FF00] =	vst v63  }
0x23: {  	[bflag:$0x0] =	sbarrier.arrive $0xFFFF  }
0x24: {  	_ =	swait.ge [sflag:s19], $0x100  }
0x25: {  	[sflag:s19] =	ssyncset.done $0x0  }
0x26: {  	[sflag:s19] =	ssyncadd.s32 $0xFFFFFF00  }
0x27: {  	[tilespmem:s21], [sflag:$0x4] =	stream.indirect.gather [hbm4b:s4+s20], $0x80, s3, s20, $0xb8;
	[tilespmem:$0x1FF00] =	vst v63  }
0x28: {  	_ =	swait.ge [sflag:s22], $0x100  }
0x29: {  	[sflag:s22] =	ssyncset.done $0x0  }
0x2a: {  	[sflag:s22] =	ssyncadd.s32 $0xFFFFFF00  }
0x2b: {  	[tilespmem:s23], [sflag:$0x5] =	stream.indirect.gather [hbm4b:s4+s20], $0x80, s17, s20, $0xb8;
	[tilespmem:$0x1FF00] =	vst v63  }
0x2c: {  	_ =	swait.ge [sflag:s24], $0x100  }
0x2d: {  	[sflag:s24] =	ssyncset.done $0x0  }
0x2e: {  	[sflag:s24] =	ssyncadd.s32 $0xFFFFFF00  }
0x2f: {  	[tilespmem:s25], [sflag:$0x6] =	stream.indirect.gather [hbm4b:s4+s20], $0x80, s18, s20, $0xb8;
	[tilespmem:$0x1FF00] =	vst v63  }
0x30: {  	_ =	swait.ge [sflag:s26], $0x4000  }
0x31: {  	[sflag:s26] =	ssyncset.done $0x0  }
0x32: {  	[sflag:s26] =	ssyncadd.s32 $0xFFFFC000  }
0x33: {  	[spmem:s1] =	stream.indirect.scatter.add.f32 [tilespmem:s21], [sflag:$0x7], $0x80, s20, s20, $0xb8;
	[tilespmem:$0x1FF00] =	vst v63  }
0x34: {  	_ =	swait.ge [sflag:s28], $0x4000  }
0x35: {  	[sflag:s28] =	ssyncset.done $0x0  }
0x36: {  	[sflag:s28] =	ssyncadd.s32 $0xFFFFC000  }
0x37: {  	[spmem:s1] =	stream.indirect.scatter.add.f32 [tilespmem:s23], [sflag:$0x8], $0x80, s29, s20, $0xb8;
	[tilespmem:$0x1FF00] =	vst v63  }
0x38: {  	_ =	swait.ge [sflag:s30], $0x4000  }
0x39: {  	[sflag:s30] =	ssyncset.done $0x0  }
0x3a: {  	[sflag:s30] =	ssyncadd.s32 $0xFFFFC000  }
0x3b: {  	[spmem:s1] =	stream.indirect.scatter.add.f32 [tilespmem:s25], [sflag:$0x9], $0x80, s31, s20, $0xb8;
	[tilespmem:$0x1FF00] =	vst v63  }
0x3c: {  	_ =	swait.ge [sflag:s0], $0x4000  }
0x3d: {  	[sflag:s0] =	ssyncset.done $0x0  }
0x3e: {  	s9 =	sadd.s32 $0x0, s14;
	[sflag:s0] =	ssyncadd.s32 $0xFFFFC000  }
0x3f: {  	[tilespmem:s3], [sflag:$0x1] =	stream.linear.gather [hbm4b:s9+s3], $0x100, $0x38;
	[tilespmem:$0x1FF00] =	vst v63  }
0x40: {  	_ =	swait.ge [sflag:s19], $0x100  }
0x41: {  	[sflag:s19] =	ssyncset.done $0x0  }
0x42: {  	[sflag:s19] =	ssyncadd.s32 $0xFFFFFF00  }
0x43: {  	[tilespmem:s21], [sflag:$0x4] =	stream.indirect.gather [hbm4b:s4+s20], $0x80, s3, s20, $0xb8;
	[tilespmem:$0x1FF00] =	vst v63  }
0x44: {  	_ =	swait.ge [sflag:s2], $0x4000  }
0x45: {  	[sflag:s2] =	ssyncset.done $0x0  }
0x46: {  	s8 =	sadd.s32 $0x0, s13;
	[sflag:s2] =	ssyncadd.s32 $0xFFFFC000  }
0x47: {  	[tilespmem:s17], [sflag:$0x2] =	stream.linear.gather [hbm4b:s8+s3], $0x100, $0x38;
	[tilespmem:$0x1FF00] =	vst v63  }
0x48: {  	_ =	swait.ge [sflag:s22], $0x100  }
0x49: {  	[sflag:s22] =	ssyncset.done $0x0  }
0x4a: {  	[sflag:s22] =	ssyncadd.s32 $0xFFFFFF00  }
0x4b: {  	[tilespmem:s23], [sflag:$0x5] =	stream.indirect.gather [hbm4b:s4+s20], $0x80, s17, s20, $0xb8;
	[tilespmem:$0x1FF00] =	vst v63  }
0x4c: {  	_ =	swait.ge [sflag:s5], $0x4000  }
0x4d: {  	[sflag:s5] =	ssyncset.done $0x0  }
0x4e: {  	s9 =	sadd.s32 $0x0, s12;
	[sflag:s5] =	ssyncadd.s32 $0xFFFFC000  }
0x4f: {  	[tilespmem:s18], [sflag:$0x3] =	stream.linear.gather [hbm4b:s9+s3], $0x100, $0x38;
	[tilespmem:$0x1FF00] =	vst v63  }
0x50: {  	_ =	swait.ge [sflag:s24], $0x100  }
0x51: {  	[sflag:s24] =	ssyncset.done $0x0  }
0x52: {  	s7 =	simm.s32 $0x60;
	[sflag:s24] =	ssyncadd.s32 $0xFFFFFF00  }
.LBB2_2:
0x53: {  	[tilespmem:s25], [sflag:$0x6] =	stream.indirect.gather [hbm4b:s4+s20], $0x80, s18, s20, $0xb8;
	[tilespmem:$0x1FF00] =	vst v63  }
0x54: {  	s8 =	smov.u32 s7  }
0x55: {  	p0 =	sne.s32 s7, $0x960;
	s7 =	sadd.s32 $0x60, s7;
	_ =	swait.ge [sflag:s26], $0x4000  }
0x56: {  	[sflag:s26] =	ssyncset.done $0x0  }
0x57: {  	[sflag:s26] =	ssyncadd.s32 $0xFFFFC000  }
0x58: {  	[spmem:s1] =	stream.indirect.scatter.add.f32 [tilespmem:s21], [sflag:$0x7], $0x80, s20, s20, $0xb8;
	[tilespmem:$0x1FF00] =	vst v63  }
0x59: {  	_ =	swait.ge [sflag:s28], $0x4000  }
0x5a: {  	[sflag:s28] =	ssyncset.done $0x0  }
0x5b: {  	[sflag:s28] =	ssyncadd.s32 $0xFFFFC000  }
0x5c: {  	[spmem:s1] =	stream.indirect.scatter.add.f32 [tilespmem:s23], [sflag:$0x8], $0x80, s29, s20, $0xb8;
	[tilespmem:$0x1FF00] =	vst v63  }
0x5d: {  	_ =	swait.ge [sflag:s30], $0x4000  }
0x5e: {  	[sflag:s30] =	ssyncset.done $0x0  }
0x5f: {  	[sflag:s30] =	ssyncadd.s32 $0xFFFFC000  }
0x60: {  	[spmem:s1] =	stream.indirect.scatter.add.f32 [tilespmem:s25], [sflag:$0x9], $0x80, s31, s20, $0xb8;
	[tilespmem:$0x1FF00] =	vst v63  }
0x61: {  	_ =	swait.ge [sflag:s0], $0x4000  }
0x62: {  	[sflag:s0] =	ssyncset.done $0x0  }
0x63: {  	s9 =	sadd.s32 s8, s14;
	[sflag:s0] =	ssyncadd.s32 $0xFFFFC000  }
0x64: {  	[tilespmem:s3], [sflag:$0x1] =	stream.linear.gather [hbm4b:s9+s3], $0x100, $0x38;
	[tilespmem:$0x1FF00] =	vst v63  }
0x65: {  	_ =	swait.ge [sflag:s19], $0x100  }
0x66: {  	[sflag:s19] =	ssyncset.done $0x0  }
0x67: {  	[sflag:s19] =	ssyncadd.s32 $0xFFFFFF00  }
0x68: {  	[tilespmem:s21], [sflag:$0x4] =	stream.indirect.gather [hbm4b:s4+s20], $0x80, s3, s20, $0xb8;
	[tilespmem:$0x1FF00] =	vst v63  }
0x69: {  	_ =	swait.ge [sflag:s2], $0x4000  }
0x6a: {  	[sflag:s2] =	ssyncset.done $0x0  }
0x6b: {  	s9 =	sadd.s32 s8, s13;
	[sflag:s2] =	ssyncadd.s32 $0xFFFFC000  }
0x6c: {  	[tilespmem:s17], [sflag:$0x2] =	stream.linear.gather [hbm4b:s9+s3], $0x100, $0x38;
	[tilespmem:$0x1FF00] =	vst v63  }
0x6d: {  	_ =	swait.ge [sflag:s22], $0x100  }
0x6e: {  	[sflag:s22] =	ssyncset.done $0x0  }
0x6f: {  	[sflag:s22] =	ssyncadd.s32 $0xFFFFFF00  }
0x70: {  	[tilespmem:s23], [sflag:$0x5] =	stream.indirect.gather [hbm4b:s4+s20], $0x80, s17, s20, $0xb8;
	[tilespmem:$0x1FF00] =	vst v63  }
0x71: {  	_ =	swait.ge [sflag:s5], $0x4000  }
0x72: {  	[sflag:s5] =	ssyncset.done $0x0  }
.Ltmp0:
0x73: {  	s8 =	sadd.s32 s8, s12;
	[sflag:s5] =	ssyncadd.s32 $0xFFFFC000;
	(pc) =	sbr.rel @p0 .LBB2_2-.Ltmp0, $4  }
0x74: {  	[tilespmem:s18], [sflag:$0x3] =	stream.linear.gather [hbm4b:s8+s3], $0x100, $0x38;
	[tilespmem:$0x1FF00] =	vst v63  }
0x75: {  	_ =	swait.ge [sflag:s24], $0x100  }
0x76: {  	[sflag:s24] =	ssyncset.done $0x0  }
0x77: {  	[sflag:s24] =	ssyncadd.s32 $0xFFFFFF00  }
0x78: {  	[tilespmem:s25], [sflag:$0x6] =	stream.indirect.gather [hbm4b:s4+s20], $0x80, s18, s20, $0xb8;
	[tilespmem:$0x1FF00] =	vst v63  }
0x79: {  	_ =	swait.ge [sflag:s26], $0x4000  }
0x7a: {  	[sflag:s26] =	ssyncset.done $0x0  }
0x7b: {  	[sflag:s26] =	ssyncadd.s32 $0xFFFFC000  }
0x7c: {  	[spmem:s1] =	stream.indirect.scatter.add.f32 [tilespmem:s21], [sflag:$0x7], $0x80, s20, s20, $0xb8;
	[tilespmem:$0x1FF00] =	vst v63  }
0x7d: {  	_ =	swait.ge [sflag:s28], $0x4000  }
0x7e: {  	[sflag:s28] =	ssyncset.done $0x0  }
0x7f: {  	[sflag:s28] =	ssyncadd.s32 $0xFFFFC000  }
0x80: {  	[spmem:s1] =	stream.indirect.scatter.add.f32 [tilespmem:s23], [sflag:$0x8], $0x80, s29, s20, $0xb8;
	[tilespmem:$0x1FF00] =	vst v63  }
0x81: {  	_ =	swait.ge [sflag:s30], $0x4000  }
0x82: {  	[sflag:s30] =	ssyncset.done $0x0  }
0x83: {  	[sflag:s30] =	ssyncadd.s32 $0xFFFFC000  }
0x84: {  	[spmem:s1] =	stream.indirect.scatter.add.f32 [tilespmem:s25], [sflag:$0x9], $0x80, s31, s20, $0xb8;
	[tilespmem:$0x1FF00] =	vst v63  }
0x85: {  	_ =	swait.ge [sflag:s0], $0x4000  }
0x86: {  	[sflag:s0] =	ssyncset.done $0x0  }
0x87: {  	[sflag:s0] =	ssyncadd.s32 $0xFFFFC000  }
0x88: {  	_ =	swait.ge [sflag:s2], $0x4000  }
0x89: {  	[sflag:s2] =	ssyncset.done $0x0  }
0x8a: {  	[sflag:s2] =	ssyncadd.s32 $0xFFFFC000  }
0x8b: {  	_ =	swait.ge [sflag:s5], $0x4000  }
0x8c: {  	[sflag:s5] =	ssyncset.done $0x0  }
0x8d: {  	[sflag:s5] =	ssyncadd.s32 $0xFFFFC000  }
0x8e: {  	[bflag:$0x0] =	sbarrier.arrive $0xFFFF  }
0x8f: {  	s7 =	rddreg [dreg:$0x7]  }
0x90: {  	[hbm:s7], [sflag:s11] =	dma.local [spmem:s15], $0x2780  }
0x91: {  	_ =	swait.ge [sflag:s16], $0x2780  }
0x92: {  	s6 =	sadd.s32 $0x1, s6;
	s9 =	rddreg [dreg:$0x8]  }
0x93: {  	p0 =	sne.s32 s6, s9  }
.Ltmp1:
0x94: {  	_ = 	snop;
	(pc) =	sbr.rel @p0 .LBB2_1-.Ltmp1, $3  }
0x95: {  	_ =	sdelay $0x1  }
0x96: {  	[sflag:s16] =	ssyncset.done $0x0  }
0x97: {  	[sflag:s16] =	ssyncadd.s32 $0xFFFFD880  }
0x98: {  	_ =	sfence.sel $0x180000  }
0x99: {  	[bflag:$0x0] =	sbarrier.arrive $0xFFFF  }
0x9a: {  	_ =	strace $0x9000004D  }
0x9b: {  	s0 =	stileid.u32;
	[bflag:$0x2] =	sbarrier.arrive $0xFFFF  }
0x9c: {  	p0 =	sne.s32 s0, $0x0;
	s0 =	rddreg [dreg:$0x3]  }
0x9d: {  	s0 =	sadd.s32 @!p0 $0x100000, s0  }
0x9e: {  	[sflag:s0] =	ssyncadd.tile.s32 @!p0 $0x1;
	_ =	shalt  }
.Lfunc_end2:
_tile_overlayer_lowered:
.L_overlay_start_2:
0x9f: {  	(tag) =	ssettag $0x2  }
0xa0: {  	s0 =	rddreg [dreg:$0x0];
	s2 =	stileid.u32  }
0xa1: {  	s1 =	rddreg [dreg:$0x1];
	p0 =	sne.s32 s2, $0x0  }
0xa2: {  	s3 =	rddreg [dreg:$0x2];
	[bflag:$0x3] =	sbarrier.arrive $0xFFFF;
	s2 =	simm.s32 @!p0 $0x1C0A  }
0xa3: {  	[timem:s3], [sflag:s2] =	dma.local @!p0 [hbm:s0], s1  }
0xa4: {  	s0 =	simm.s32 @!p0 $0xA  }
0xa5: {  	_ =	swait.ge @!p0 [sflag:s0], s1  }
0xa6: {  	s1 =	ssub.s32 @!p0 $0x0, s1;
	[sflag:s0] =	ssyncset.done @!p0 $0x0  }
0xa7: {  	[sflag:s0] =	ssyncadd.s32 @!p0 s1  }
0xa8: {  	[bflag:$0x3] =	sbarrier.arrive $0xFFFF  }
0xa9: {  	_ =	shalt  }

// kernel: kernel.8.cloned.1.call-start
scs
__scs_entry_jumppad:
0x0: {  	(pc) =	sbr.rel $0x88, $3  }
0x1: {  	(tag) =	ssettag $0x0;
	lr =	simm.s32 $0x1  }
0x2: {  	[smem:$0x3F9B] =	sst lr;
	_ =	strace $0xD0000000  }
0x3: {  	_ = 	snop  }
0x4: {  	_ = 	snop  }
0x5: {  	_ = 	snop  }
0x6: {  	_ = 	snop  }
0x7: {  	_ = 	snop  }
__scs_overlays_trampoline_lowered:
0x8: {  	[smem:$0x3FAA] =	sst s0  }
0x9: {  	[smem:$0x3FAB] =	sst s1  }
0xa: {  	[smem:$0x3FAC] =	sst s2  }
0xb: {  	[smem:$0x3FAD] =	sst s3  }
0xc: {  	[smem:$0x3FAE] =	sst s4  }
0xd: {  	[smem:$0x3FAF] =	sst s5  }
0xe: {  	[smem:$0x3FB0] =	sst s6  }
0xf: {  	[smem:$0x3FB1] =	sst s7  }
0x10: {  	[smem:$0x3FB2] =	sst s8  }
0x11: {  	[smem:$0x3FB3] =	sst s9;
	s0 =	simm.s32 @!p0 $0x0  }
0x12: {  	s1 =	sld [smem:$0x3F99];
	s0 =	simm.s32 @p0 $0x1  }
0x13: {  	[smem:$0x3FB4] =	sst s0;
	s0 =	simm.s32 @!p1 $0x0  }
0x14: {  	s2 =	sld [smem:$0x3F98];
	s0 =	simm.s32 @p1 $0x1  }
0x15: {  	[smem:$0x3FB5] =	sst s0;
	s0 =	simm.s32 @!p2 $0x0  }
0x16: {  	s3 =	sld [smem:$0x3FDB];
	s0 =	simm.s32 @p2 $0x1  }
0x17: {  	s4 =	simm.s32 $0x1BF5;
	[smem:$0x3FB7] =	sst s0  }
0x18: {  	s0 =	sld [smem:$0x3F9A];
	_ =	swait.ge [sflag:s4], $0x0  }
0x19: {  	s7 =	sld [smem:$0x3F9B]  }
0x1a: {  	s8 =	sadd.s32 $0xFFFFE003, lr  }
0x1b: {  	s9 =	sadd.s32 $0xFFFFFEF7, lr;
	s5 =	simm.s32 $0xFFFFFFFF;
	p2 =	slt.u32 s8, $0xFFFFF086  }
0x1c: {  	p1 =	slt.u32 s9, $0xF7A;
	s5 =	simm.s32 @!p2 $0x0  }
0x1d: {  	s5 =	simm.s32 @p1 $0x1;
	p0 =	seq.s32 s7, s2  }
0x1e: {  	s7 =	smul.u32 @!p0 $0xF7A, s2;
	p2 =	seq.s32 @!p0 s5, $0x0  }
0x1f: {  	s9 =	smul.u32 $0xF7A, s1;
	s8 =	simm.s32 @!p0 $0x1BF5;
	p2 =	por !p2, p0  }
0x20: {  	[sflag:s8] =	ssyncset.s32 @!p0 $0xFFFFF086;
	s6 =	sadd.s32 @!p0 s3, s7;
	s7 =	simm.s32 @!p0 $0x108  }
0x21: {  	s3 =	sadd.s32 s3, s9;
	s6 =	sadd.s32 @!p0 $0x88, s6;
	s7 =	simm.s32 @p2 $0x1082  }
0x22: {  	[simem:s7], [sflag:s8] =	dma.local @!p0 [hbm:s6], $0xF7A  }
0x23: {  	s9 =	sor.u32 $0xD0000000, s2;
	s6 =	simm.s32 $0x108;
	_ =	swait.ge @!p0 [sflag:s8], $0x0  }
0x24: {  	s3 =	sadd.s32 $0x88, s3;
	s6 =	simm.s32 @!p1 $0x1082;
	[sflag:s4] =	ssyncset.s32 $0xFFFFF086  }
0x25: {  	[simem:s6], [sflag:s4] =	dma.local [hbm:s3], $0xF7A  }
0x26: {  	[smem:$0x3F9B] =	sst s1;
	(tag) =	ssettag s2;
	_ =	strace s9  }
0x27: {  	s1 =	sld [smem:$0x3FAB]  }
0x28: {  	s2 =	sld [smem:$0x3FAC]  }
0x29: {  	s4 =	sld [smem:$0x3FAE]  }
0x2a: {  	p0 =	seq.s32 s5, $0x0;
	s5 =	sld [smem:$0x3FAF]  }
0x2b: {  	s6 =	sld [smem:$0x3FB0]  }
0x2c: {  	s7 =	sld [smem:$0x3FB1]  }
0x2d: {  	s3 =	simm.s32 $0x108;
	s8 =	sld [smem:$0x3FB2]  }
0x2e: {  	s3 =	simm.s32 @!p0 $0x1082;
	s9 =	sld [smem:$0x3FB3]  }
0x2f: {  	lr =	sadd.s32 s0, s3;
	s0 =	sld [smem:$0x3FAA]  }
0x30: {  	s3 =	sld [smem:$0x3FAD]  }
0x31: {  	[smem:$0x3FB6] =	sst s10  }
0x32: {  	s10 =	sld [smem:$0x3FB4];
	_ =	sdelay $0x3  }
0x33: {  	p0 =	seq.s32 s10, $0x1;
	s10 =	sld [smem:$0x3FB6];
	_ =	sdelay $0x3  }
0x34: {  	[smem:$0x3FB6] =	sst s10  }
0x35: {  	s10 =	sld [smem:$0x3FB5];
	_ =	sdelay $0x3  }
0x36: {  	p1 =	seq.s32 s10, $0x1;
	s10 =	sld [smem:$0x3FB6];
	_ =	sdelay $0x3  }
0x37: {  	[smem:$0x3FB6] =	sst s10  }
0x38: {  	s10 =	sld [smem:$0x3FB7]  }
0x39: {  	_ = 	snop;
	(pc) =	sbr.ind lr, $3  }
0x3a: {  	_ = 	snop  }
0x3b: {  	_ = 	snop  }
0x3c: {  	p2 =	seq.s32 s10, $0x1;
	s10 =	sld [smem:$0x3FB6]  }
0x3d: {  	_ =	shalt  }
0x3e: {  	_ =	shalt  }
0x3f: {  	_ =	shalt  }
0x40: {  	_ =	shalt  }
0x41: {  	_ =	shalt  }
0x42: {  	_ =	shalt  }
0x43: {  	_ =	shalt  }
0x44: {  	_ =	shalt  }
0x45: {  	_ =	shalt  }
0x46: {  	_ =	shalt  }
0x47: {  	_ =	shalt  }
0x48: {  	_ =	shalt  }
0x49: {  	_ =	shalt  }
0x4a: {  	_ =	shalt  }
0x4b: {  	_ =	shalt  }
0x4c: {  	_ =	shalt  }
0x4d: {  	_ =	shalt  }
0x4e: {  	_ =	shalt  }
0x4f: {  	_ =	shalt  }
0x50: {  	_ =	shalt  }
0x51: {  	_ =	shalt  }
0x52: {  	_ =	shalt  }
0x53: {  	_ =	shalt  }
0x54: {  	_ =	shalt  }
0x55: {  	_ =	shalt  }
0x56: {  	_ =	shalt  }
0x57: {  	_ =	shalt  }
0x58: {  	_ =	shalt  }
0x59: {  	_ =	shalt  }
0x5a: {  	_ =	shalt  }
0x5b: {  	_ =	shalt  }
0x5c: {  	_ =	shalt  }
0x5d: {  	_ =	shalt  }
0x5e: {  	_ =	shalt  }
0x5f: {  	_ =	shalt  }
0x60: {  	_ =	shalt  }
0x61: {  	_ =	shalt  }
0x62: {  	_ =	shalt  }
0x63: {  	_ =	shalt  }
0x64: {  	_ =	shalt  }
0x65: {  	_ =	shalt  }
0x66: {  	_ =	shalt  }
0x67: {  	_ =	shalt  }
0x68: {  	_ =	shalt  }
0x69: {  	_ =	shalt  }
0x6a: {  	_ =	shalt  }
0x6b: {  	_ =	shalt  }
0x6c: {  	_ =	shalt  }
0x6d: {  	_ =	shalt  }
0x6e: {  	_ =	shalt  }
0x6f: {  	_ =	shalt  }
0x70: {  	_ =	shalt  }
0x71: {  	_ =	shalt  }
0x72: {  	_ =	shalt  }
0x73: {  	_ =	shalt  }
0x74: {  	_ =	shalt  }
0x75: {  	_ =	shalt  }
0x76: {  	_ =	shalt  }
0x77: {  	_ =	shalt  }
0x78: {  	_ =	shalt  }
0x79: {  	_ =	shalt  }
0x7a: {  	_ =	shalt  }
0x7b: {  	_ =	shalt  }
0x7c: {  	_ =	shalt  }
0x7d: {  	_ =	shalt  }
0x7e: {  	_ =	shalt  }
0x7f: {  	_ =	shalt  }
0x80: {  	_ =	shalt  }
0x81: {  	_ =	shalt  }
0x82: {  	_ =	shalt  }
0x83: {  	_ =	shalt  }
0x84: {  	_ =	shalt  }
0x85: {  	_ =	shalt  }
0x86: {  	_ =	shalt  }
0x87: {  	_ =	shalt  }
.Lfunc_end0:
.L_simem_size_0:
called_computation_lowered:
.L_overlay_start_0:
0x88: {  	s2 =	sld [smem:$0x3FD9]  }
0x89: {  	s3 =	sld [smem:$0x3FFE];
	_ =	sdelay $0x1  }
0x8a: {  	s1 =	srdreg.scid  }
0x8b: {  	s0 =	sand.u32 $0x1, s1  }
0x8c: {  	s17 =	sshll.u32 s0, $0xA;
	s2 =	sadd.s32 s3, s2  }
0x8d: {  	s2 =	sadd.s32 s2, s17  }
0x8e: {  	[smem:$0x3FC2] =	sst s2  }
0x8f: {  	_ = 	snop  }
0x90: {  	s2 =	sld [smem:$0x3FD0];
	(tm) =	ssettm $0x1  }
0x91: {  	s18 =	sld [smem:$0x3FFB];
	_ =	sdelay $0x3  }
0x92: {  	_ =	strace s18  }
0x93: {  	s3 =	sld [smem:$0x3FFC];
	_ =	sdelay $0x3  }
0x94: {  	_ =	strace s3  }
0x95: {  	s3 =	sld [smem:$0x3FFD];
	_ =	sdelay $0x3  }
0x96: {  	_ =	strace s3  }
0x97: {  	_ =	strace $0x8FFFFFFF  }
0x98: {  	s19 =	sld [smem:$0x3FDB];
	_ =	sdelay $0x1  }
0x99: {  	s4 =	simm.s32 $_scs_section_size  }
0x9a: {  	s5 =	simm.s32 $_size__tile_overlayer_lowered;
	s6 =	simm.s32 $_tile_overlayer_lowered  }
0x9b: {  	s22 =	simm.s32 $0x1BFF;
	s21 =	sshll.u32 s6, $0x1;
	s3 =	sadd.s32 s4, s19  }
0x9c: {  	s7 =	simm.s32 $0x0;
	s20 =	sshll.u32 s5, $0x1;
	s5 =	sadd.s32 s21, s3  }
0x9d: {  	[timem:s7], [sflag:s22] =	dma.local [hbm:s5], s20  }
0x9e: {  	_ =	swait.ge [sflag:s22], s20  }
0x9f: {  	s4 =	ssub.s32 $0x0, s20;
	[sflag:s22] =	ssyncset.done $0x0  }
0xa0: {  	[sflag:s22] =	ssyncadd.s32 s4;
	_ =	sdelay $0x1  }
0xa1: {  	s23 =	simm.s32 $0x1B8B  }
0xa2: {  	_ =	swait.ge [sflag:s23], $0x1  }
0xa3: {  	[sflag:s23] =	ssyncset.done $0x0  }
0xa4: {  	s25 =	simm.s32 $0x1B8E;
	s24 =	sld [smem:$0x3FFE];
	[sflag:s23] =	ssyncadd.s32 $0xFFFFFFFF  }
0xa5: {  	s26 =	simm.s32 $execute0_lowered;
	[smem:$0x3FD2] =	sst s25  }
0xa6: {  	s5 =	sshll.u32 s26, $0x1;
	_ =	strace $0x80000046;
	[dreg:$0x1] =	wrdreg $0xFFFFFFFF  }
0xa7: {  	s28 =	simm.s32 $_size_execute0_lowered;
	s3 =	sadd.s32 s3, s5;
	[dreg:$0x0] =	wrdreg $0x0  }
0xa8: {  	s5 =	sshll.u32 s28, $0x1;
	[dreg:$0x2] =	wrdreg s3  }
0xa9: {  	[dreg:$0x3] =	wrdreg s5  }
0xaa: {  	[dreg:$0x4] =	wrdreg $0xC0  }
0xab: {  	_ =	task [dreg:s7], $0x5FFFF  }
0xac: {  	[dreg:$0x1] =	wrdreg $0xFFFFFFFF  }
0xad: {  	[dreg:$0x0] =	wrdreg $0x60  }
0xae: {  	[dreg:$0x2] =	wrdreg s2  }
0xaf: {  	[dreg:$0x3] =	wrdreg s24  }
0xb0: {  	[dreg:$0x4] =	wrdreg $0x30000  }
0xb1: {  	[dreg:$0x5] =	wrdreg $0x9  }
0xb2: {  	_ =	task.clear_ibuf [dreg:s7], $0x6FFFF;
	_ =	strace $0x90000046  }
0xb3: {  	s29 =	simm.s32 $0x9;
	_ =	strace $0x80000048  }
0xb4: {  	_ =	swait.ge [sflag:s29], $0x1  }
0xb5: {  	[sflag:s29] =	ssyncadd.s32 $0xFFFFFFFF  }
0xb6: {  	_ =	strace $0x90000048  }
0xb7: {  	_ =	sfence  }
0xb8: {  	s30 =	sld [smem:$0x0];
	_ =	sdelay $0x2  }
0xb9: {  	s31 =	sshll.u32 s1, $0xD;
	s1 =	sshrl.u32 s1, $0x2  }
0xba: {  	s3 =	sand.u32 $0x4000, s31;
	s1 =	sadd.s32 s1, s30  }
0xbb: {  	s0 =	sor.u32 s3, s0;
	s1 =	sshll.u32 s1, $0x11  }
0xbc: {  	s0 =	sor.u32 s1, s0  }
0xbd: {  	s0 =	sadd.s32 $0x8F2B, s0  }
0xbe: {  	[sflag:s0] =	ssyncadd.remote.s32 $0x1  }
0xbf: {  	_ =	sfence.sel $0xFFFF  }
0xc0: {  	[dreg:$0x0] =	wrdreg $0xFFFFFFFF;
	(pc) =	sbr.abs _section_cstart, $3  }
0xc1: {  	[dreg:$0x1] =	wrdreg $0xFFFFFFFF  }
0xc2: {  	_ =	task.clear_ibuf [dreg:s7], $0x2FFFF;
	_ =	strace $0x9FFFFFFF  }
0xc3: {  	(tm) =	ssettm $0x7FFFFFFF  }
tec
execute0_lowered:
.L_overlay_start_1:
0x0: {  	(tag) =	ssettag $0x1  }
0x1: {  	s9 =	rddreg [dreg:$0x0]  }
0x2: {  	s4 =	rddreg [dreg:$0x1]  }
0x3: {  	s8 =	rddreg [dreg:$0x2];
	s2 =	srdreg.scid  }
0x4: {  	s1 =	stileid.u32;
	s0 =	rddreg [dreg:$0x3];
	s16 =	simm.s32 $0x100  }
0x5: {  	s17 =	simm.s32 $0x200;
	s18 =	simm.s32 $0x1;
	s19 =	simm.s32 $0x2  }
0x6: {  	s20 =	simm.s32 $0x3;
	s21 =	simm.s32 $0x2D80;
	s10 =	smul.u32 $0x280, s1  }
0x7: {  	s22 =	simm.s32 $0x2B00;
	s23 =	simm.s32 $0x0;
	s13 =	smul.u32 $0x51, s1  }
0x8: {  	s5 =	sand.u32 $0x1, s2;
	s2 =	simm.s32 $0x0;
	s15 =	smul.u32 $0xA000, s1  }
0x9: {  	s3 =	smul.u32 $0x2800, s5;
	s6 =	sshll.u32 s5, $0x4;
	[smem:$0x7FF] =	sst s2  }
0xa: {  	s28 =	ssub.s32 $0x2, s5;
	s29 =	smul.u32 $0x510, s5;
	s6 =	sor.u32 s1, s6  }
0xb: {  	_ =	strace $0x80000047;
	s30 =	sshrl.u32 s28, $0x1;
	s11 =	smul.u32 $0xA20, s6  }
0xc: {  	s31 =	sshrl.u32 s15, $0x2;
	s7 =	sadd.s32 s10, s3;
	s6 =	smul.u32 $0x5100, s6  }
0xd: {  	s15 =	simm.s32 $0x4;
	s3 =	sadd.s32 $0x2600, s4;
	s7 =	sshrl.u32 s7, $0x3  }
0xe: {  	s14 =	ssub.s32 s28, s30;
	s12 =	sadd.s32 s7, s4;
	s6 =	sshrl.u32 s6, $0x3  }
0xf: {  	s4 =	sadd.s32 s9, s11;
	s7 =	sadd.s32 s13, s29;
	s6 =	sadd.s32 s9, s6  }
0x10: {  	s13 =	sshll.u32 s7, $0x5;
	s7 =	sadd.s32 s31, s8;
	s8 =	sadd.s32 s10, s8  }
0x11: {  	s10 =	smax.u32 s14, $0x1;
	s14 =	simm.s32 $0x300;
	s5 =	sadd.s32 $0x20, s6  }
0x12: {  	s6 =	sadd.s32 $0x40, s6;
	s13 =	sadd.s32 s13, s9;
	s9 =	sadd.s32 $0x2C00, s12  }
0x13: {  	v0 =	vimm.f32 $1.000000000e+00;
	s11 =	sadd.s32 $0xA0, s13;
	s12 =	sadd.s32 $0x80, s13;
	s13 =	sadd.s32 $0x60, s13  }
.LBB2_1:
0x14: {  	[tilespmem:s14], [sflag:$0x4] =	stream.linear.gather [hbm4b:s3+s2], $0x2800, $0x38;
	[tilespmem:$0x5800] =	vst v63  }
0x15: {  	_ =	swait.ge [sflag:s15], $0x2800  }
0x16: {  	[sflag:s15] =	ssyncset.done $0x0  }
0x17: {  	[sflag:s15] =	ssyncadd.s32 $0xFFFFD800  }
0x18: {  	[tilespmem:s2], [sflag:$0x1] =	stream.linear.gather [hbm4b:s4+s2], $0x100, $0x38;
	[tilespmem:$0x5800] =	vst v63  }
0x19: {  	_ = 	snop  }
0x1a: {  	[tilespmem:s16], [sflag:$0x2] =	stream.linear.gather [hbm4b:s5+s2], $0x100, $0x38;
	[tilespmem:$0x5800] =	vst v63  }
0x1b: {  	s24 =	simm.s32 $0x0  }
0x1c: {  	[tilespmem:s17], [sflag:$0x3] =	stream.linear.gather [hbm4b:s6+s2], $0x100, $0x38;
	[tilespmem:$0x5800] =	vst v63  }
.LBB2_2:
0x1d: {  	_ =	swait.ge [sflag:s18], $0x100  }
0x1e: {  	[sflag:s18] =	ssyncset.done $0x0  }
0x1f: {  	[sflag:s18] =	ssyncadd.s32 $0xFFFFFF00  }
0x20: {  	v1 =	vld [tilespmem:$0x80];
	_ =	sdelay $0x7  }
0x21: {  	[tilespmem:v1+s14+$0x0] =	vst.idx.add.f32.msk $0xffff, v0  }
0x22: {  	v1 =	vld [tilespmem:$0x90];
	_ =	sdelay $0x7  }
0x23: {  	[tilespmem:v1+s14+$0x0] =	vst.idx.add.f32.msk $0xffff, v0  }
0x24: {  	v1 =	vld [tilespmem:$0xA0];
	_ =	sdelay $0x7  }
0x25: {  	[tilespmem:v1+s14+$0x0] =	vst.idx.add.f32.msk $0xffff, v0  }
0x26: {  	v1 =	vld [tilespmem:$0xB0];
	_ =	sdelay $0x7  }
0x27: {  	[tilespmem:v1+s14+$0x0] =	vst.idx.add.f32.msk $0xffff, v0  }
0x28: {  	v1 =	vld [tilespmem:$0xC0];
	_ =	sdelay $0x7  }
0x29: {  	[tilespmem:v1+s14+$0x0] =	vst.idx.add.f32.msk $0xffff, v0  }
0x2a: {  	v1 =	vld [tilespmem:$0xD0];
	_ =	sdelay $0x7  }
0x2b: {  	[tilespmem:v1+s14+$0x0] =	vst.idx.add.f32.msk $0xffff, v0  }
0x2c: {  	v1 =	vld [tilespmem:$0xE0];
	_ =	sdelay $0x7  }
0x2d: {  	[tilespmem:v1+s14+$0x0] =	vst.idx.add.f32.msk $0xffff, v0  }
0x2e: {  	v1 =	vld [tilespmem:$0xF0];
	_ =	sdelay $0x6  }
0x2f: {  	p0 =	seq.s32 s24, $0x9C0  }
0x30: {  	s25 =	sadd.s32 @!p0 s24, s13;
	s26 =	simm.s32 @!p0 $0x0;
	[tilespmem:v1+s14+$0x0] =	vst.idx.add.f32.msk $0xffff, v0  }
0x31: {  	[tilespmem:s26], [sflag:$0x1] =	stream.linear.gather @!p0 [hbm4b:s25+s26], $0x100, $0x38;
	[tilespmem:$0x5800] =	vst v63  }
0x32: {  	_ =	swait.ge [sflag:s19], $0x100  }
0x33: {  	[sflag:s19] =	ssyncset.done $0x0  }
0x34: {  	[sflag:s19] =	ssyncadd.s32 $0xFFFFFF00  }
0x35: {  	v1 =	vld [tilespmem:$0x180];
	_ =	sdelay $0x7  }
0x36: {  	[tilespmem:v1+s14+$0x0] =	vst.idx.add.f32.msk $0xffff, v0  }
0x37: {  	v1 =	vld [tilespmem:$0x190];
	_ =	sdelay $0x7  }
0x38: {  	[tilespmem:v1+s14+$0x0] =	vst.idx.add.f32.msk $0xffff, v0  }
0x39: {  	v1 =	vld [tilespmem:$0x1A0];
	_ =	sdelay $0x7  }
0x3a: {  	[tilespmem:v1+s14+$0x0] =	vst.idx.add.f32.msk $0xffff, v0  }
0x3b: {  	v1 =	vld [tilespmem:$0x1B0];
	_ =	sdelay $0x7  }
0x3c: {  	[tilespmem:v1+s14+$0x0] =	vst.idx.add.f32.msk $0xffff, v0  }
0x3d: {  	v1 =	vld [tilespmem:$0x1C0];
	_ =	sdelay $0x7  }
0x3e: {  	[tilespmem:v1+s14+$0x0] =	vst.idx.add.f32.msk $0xffff, v0  }
0x3f: {  	v1 =	vld [tilespmem:$0x1D0];
	_ =	sdelay $0x7  }
0x40: {  	[tilespmem:v1+s14+$0x0] =	vst.idx.add.f32.msk $0xffff, v0  }
0x41: {  	v1 =	vld [tilespmem:$0x1E0];
	_ =	sdelay $0x7  }
0x42: {  	[tilespmem:v1+s14+$0x0] =	vst.idx.add.f32.msk $0xffff, v0  }
0x43: {  	v1 =	vld [tilespmem:$0x1F0];
	_ =	sdelay $0x7  }
0x44: {  	s28 =	simm.s32 @!p0 $0x100;
	s25 =	sadd.s32 @!p0 s24, s12;
	[tilespmem:v1+s14+$0x0] =	vst.idx.add.f32.msk $0xffff, v0  }
0x45: {  	[tilespmem:s28], [sflag:$0x2] =	stream.linear.gather @!p0 [hbm4b:s25+s26], $0x100, $0x38;
	[tilespmem:$0x5800] =	vst v63  }
0x46: {  	_ =	swait.ge [sflag:s20], $0x100  }
0x47: {  	[sflag:s20] =	ssyncset.done $0x0  }
0x48: {  	[sflag:s20] =	ssyncadd.s32 $0xFFFFFF00  }
0x49: {  	v1 =	vld [tilespmem:$0x280];
	_ =	sdelay $0x7  }
0x4a: {  	[tilespmem:v1+s14+$0x0] =	vst.idx.add.f32.msk $0xffff, v0  }
0x4b: {  	v1 =	vld [tilespmem:$0x290];
	_ =	sdelay $0x7  }
0x4c: {  	[tilespmem:v1+s14+$0x0] =	vst.idx.add.f32.msk $0xffff, v0  }
0x4d: {  	v1 =	vld [tilespmem:$0x2A0];
	_ =	sdelay $0x7  }
0x4e: {  	[tilespmem:v1+s14+$0x0] =	vst.idx.add.f32.msk $0xffff, v0  }
0x4f: {  	v1 =	vld [tilespmem:$0x2B0];
	_ =	sdelay $0x7  }
0x50: {  	[tilespmem:v1+s14+$0x0] =	vst.idx.add.f32.msk $0xffff, v0  }
0x51: {  	v1 =	vld [tilespmem:$0x2C0];
	_ =	sdelay $0x7  }
0x52: {  	[tilespmem:v1+s14+$0x0] =	vst.idx.add.f32.msk $0xffff, v0  }
0x53: {  	v1 =	vld [tilespmem:$0x2D0];
	_ =	sdelay $0x7  }
0x54: {  	[tilespmem:v1+s14+$0x0] =	vst.idx.add.f32.msk $0xffff, v0  }
0x55: {  	v1 =	vld [tilespmem:$0x2E0];
	_ =	sdelay $0x7  }
0x56: {  	[tilespmem:v1+s14+$0x0] =	vst.idx.add.f32.msk $0xffff, v0  }
0x57: {  	v1 =	vld [tilespmem:$0x2F0];
	_ =	sdelay $0x6  }
0x58: {  	s25 =	sadd.s32 @!p0 s24, s11;
	s24 =	sadd.s32 @!p0 $0x60, s24  }
0x59: {  	s28 =	simm.s32 @!p0 $0x200;
	p1 =	sne.s32 @!p0 s24, $0xA20;
	[tilespmem:v1+s14+$0x0] =	vst.idx.add.f32.msk $0xffff, v0  }
0x5a: {  	[tilespmem:s28], [sflag:$0x3] =	stream.linear.gather @!p0 [hbm4b:s25+s26], $0x100, $0x38;
	[tilespmem:$0x5800] =	vst v63  }
0x5b: {  	p0 =	por p0, !p1  }
.Ltmp0:
0x5c: {  	_ = 	snop;
	(pc) =	sbr.rel @!p0 .LBB2_2-.Ltmp0, $1  }
0x5d: {  	_ =	sdelay $0x3  }
0x5e: {  	[spmem:s7] =	stream.linear.scatter [tilespmem:s14], [sflag:$0x4], $0x2800, $0x38;
	[tilespmem:$0x5800] =	vst v63  }
0x5f: {  	_ =	swait.ge [sflag:s15], $0x2800  }
0x60: {  	[sflag:s15] =	ssyncset.done $0x0  }
0x61: {  	[sflag:s15] =	ssyncadd.s32 $0xFFFFD800  }
0x62: {  	[bflag:$0x0] =	sbarrier.arrive $0xFFFF  }
0x63: {  	[tilespmem:s21], [sflag:$0x4] =	stream.linear.gather [spmem:s8], $0x280, $0x38;
	[tilespmem:$0x5800] =	vst v63  }
0x64: {  	_ =	swait.ge [sflag:s15], $0x280  }
0x65: {  	[sflag:s15] =	ssyncset.done $0x0  }
0x66: {  	s24 =	simm.s32 $0xA000;
	[sflag:s15] =	ssyncadd.s32 $0xFFFFFD80  }
.LBB2_4:
0x67: {  	s25 =	sshra.s32 s24, $0x2  }
0x68: {  	s25 =	sadd.s32 s25, s8  }
0x69: {  	[tilespmem:s22], [sflag:$0x4] =	stream.linear.gather [spmem:s25], $0x280, $0x38;
	[tilespmem:$0x5800] =	vst v63  }
0x6a: {  	_ =	swait.ge [sflag:s15], $0x280  }
0x6b: {  	[sflag:s15] =	ssyncset.done $0x0  }
0x6c: {  	[sflag:s15] =	ssyncadd.s32 $0xFFFFFD80  }
0x6d: {  	v1 =	vld [tilespmem:$0x2D80]  }
0x6e: {  	v2 =	vld [tilespmem:$0x2B00]  }
0x6f: {  	v3 =	vld [tilespmem:$0x2D90]  }
0x70: {  	v4 =	vld [tilespmem:$0x2B10]  }
0x71: {  	v5 =	vld [tilespmem:$0x2DA0]  }
0x72: {  	v6 =	vld [tilespmem:$0x2B20]  }
0x73: {  	v7 =	vld [tilespmem:$0x2DB0]  }
0x74: {  	v8 =	vld [tilespmem:$0x2B30]  }
0x75: {  	v9 =	vld [tilespmem:$0x2DC0]  }
0x76: {  	v10 =	vld [tilespmem:$0x2B40]  }
0x77: {  	v11 =	vld [tilespmem:$0x2DD0]  }
0x78: {  	v12 =	vld [tilespmem:$0x2B50]  }
0x79: {  	v13 =	vld [tilespmem:$0x2DE0]  }
0x7a: {  	v14 =	vld [tilespmem:$0x2B60]  }
0x7b: {  	v15 =	vld [tilespmem:$0x2DF0]  }
0x7c: {  	v16 =	vld [tilespmem:$0x2B70]  }
0x7d: {  	v17 =	vld [tilespmem:$0x2E00]  }
0x7e: {  	v18 =	vld [tilespmem:$0x2B80]  }
0x7f: {  	v19 =	vld [tilespmem:$0x2E10]  }
0x80: {  	v20 =	vld [tilespmem:$0x2B90]  }
0x81: {  	v21 =	vld [tilespmem:$0x2E20]  }
0x82: {  	v22 =	vld [tilespmem:$0x2BA0]  }
0x83: {  	v23 =	vld [tilespmem:$0x2E30]  }
0x84: {  	v24 =	vld [tilespmem:$0x2BB0]  }
0x85: {  	v25 =	vld [tilespmem:$0x2E40]  }
0x86: {  	v26 =	vld [tilespmem:$0x2BC0]  }
0x87: {  	v27 =	vld [tilespmem:$0x2E50]  }
0x88: {  	v28 =	vld [tilespmem:$0x2BD0]  }
0x89: {  	v29 =	vld [tilespmem:$0x2E60]  }
0x8a: {  	v30 =	vld [tilespmem:$0x2BE0]  }
0x8b: {  	v31 =	vld [tilespmem:$0x2E70]  }
0x8c: {  	v32 =	vld [tilespmem:$0x2BF0]  }
0x8d: {  	v33 =	vld [tilespmem:$0x2E80]  }
0x8e: {  	v34 =	vld [tilespmem:$0x2C00]  }
0x8f: {  	v35 =	vld [tilespmem:$0x2E90]  }
0x90: {  	v36 =	vld [tilespmem:$0x2C10]  }
0x91: {  	v37 =	vld [tilespmem:$0x2EA0]  }
0x92: {  	v38 =	vld [tilespmem:$0x2C20]  }
0x93: {  	v39 =	vld [tilespmem:$0x2EB0]  }
0x94: {  	v40 =	vld [tilespmem:$0x2C30]  }
0x95: {  	v41 =	vld [tilespmem:$0x2EC0]  }
0x96: {  	v42 =	vld [tilespmem:$0x2C40]  }
0x97: {  	v43 =	vld [tilespmem:$0x2ED0]  }
0x98: {  	v44 =	vld [tilespmem:$0x2C50]  }
0x99: {  	v45 =	vld [tilespmem:$0x2EE0]  }
0x9a: {  	v53 =	vld [tilespmem:$0x2C70];
	v1 =	vadd.f32 v2, v1  }
0x9b: {  	v54 =	vld [tilespmem:$0x2F00];
	v3 =	vadd.f32 v4, v3  }
0x9c: {  	v55 =	vld [tilespmem:$0x2C80];
	[tilespmem:$0x2D80] =	vst v1;
	v1 =	vadd.f32 v6, v5  }
0x9d: {  	v56 =	vld [tilespmem:$0x2F10];
	[tilespmem:$0x2D90] =	vst v3;
	v3 =	vadd.f32 v8, v7  }
0x9e: {  	v57 =	vld [tilespmem:$0x2C90];
	[tilespmem:$0x2DA0] =	vst v1;
	v1 =	vadd.f32 v10, v9  }
0x9f: {  	v58 =	vld [tilespmem:$0x2F20];
	[tilespmem:$0x2DB0] =	vst v3;
	v3 =	vadd.f32 v12, v11  }
0xa0: {  	v59 =	vld [tilespmem:$0x2CA0];
	[tilespmem:$0x2DC0] =	vst v1;
	v1 =	vadd.f32 v14, v13  }
0xa1: {  	v60 =	vld [tilespmem:$0x2F30];
	[tilespmem:$0x2DD0] =	vst v3;
	v3 =	vadd.f32 v16, v15  }
0xa2: {  	v61 =	vld [tilespmem:$0x2CB0];
	[tilespmem:$0x2DE0] =	vst v1;
	v1 =	vadd.f32 v18, v17  }
0xa3: {  	v62 =	vld [tilespmem:$0x2F40];
	[tilespmem:$0x2DF0] =	vst v3;
	v3 =	vadd.f32 v20, v19  }
0xa4: {  	v63 =	vld [tilespmem:$0x2CC0];
	[tilespmem:$0x2E00] =	vst v1;
	v1 =	vadd.f32 v22, v21  }
0xa5: {  	v46 =	vld [tilespmem:$0x2F60];
	[tilespmem:$0x2E10] =	vst v3;
	v3 =	vadd.f32 v24, v23  }
0xa6: {  	v47 =	vld [tilespmem:$0x2CE0];
	[tilespmem:$0x2E20] =	vst v1;
	v1 =	vadd.f32 v26, v25  }
0xa7: {  	v48 =	vld [tilespmem:$0x2F70];
	[tilespmem:$0x2E30] =	vst v3;
	v3 =	vadd.f32 v28, v27  }
0xa8: {  	v49 =	vld [tilespmem:$0x2CF0];
	[tilespmem:$0x2E40] =	vst v1;
	v1 =	vadd.f32 v30, v29  }
0xa9: {  	v50 =	vld [tilespmem:$0x2F80];
	[tilespmem:$0x2E50] =	vst v3;
	v3 =	vadd.f32 v32, v31  }
0xaa: {  	v51 =	vld [tilespmem:$0x2D00];
	[tilespmem:$0x2E60] =	vst v1;
	v1 =	vadd.f32 v34, v33  }
0xab: {  	v2 =	vld [tilespmem:$0x2C60];
	[tilespmem:$0x2E70] =	vst v3;
	v3 =	vadd.f32 v36, v35  }
0xac: {  	v4 =	vld [tilespmem:$0x2EF0];
	[tilespmem:$0x2E80] =	vst v1;
	v1 =	vadd.f32 v38, v37  }
0xad: {  	v52 =	vld [tilespmem:$0x2F90];
	[tilespmem:$0x2E90] =	vst v3;
	v3 =	vadd.f32 v40, v39  }
0xae: {  	v28 =	vld [tilespmem:$0x2F50];
	[tilespmem:$0x2EA0] =	vst v1;
	v1 =	vadd.f32 v42, v41  }
0xaf: {  	v30 =	vld [tilespmem:$0x2CD0];
	[tilespmem:$0x2EB0] =	vst v3;
	v3 =	vadd.f32 v44, v43  }
0xb0: {  	[tilespmem:$0x2EC0] =	vst v1;
	v1 =	vadd.f32 v2, v45;
	v2 =	vld [tilespmem:$0x2D10]  }
0xb1: {  	[tilespmem:$0x2ED0] =	vst v3;
	v3 =	vadd.f32 v53, v4;
	v53 =	vld [tilespmem:$0x2FA0]  }
0xb2: {  	[tilespmem:$0x2EE0] =	vst v1;
	v1 =	vadd.f32 v55, v54;
	v54 =	vld [tilespmem:$0x2D20]  }
0xb3: {  	[tilespmem:$0x2EF0] =	vst v3;
	v3 =	vadd.f32 v57, v56;
	v55 =	vld [tilespmem:$0x2FB0]  }
0xb4: {  	v56 =	vld [tilespmem:$0x2D30];
	[tilespmem:$0x2F00] =	vst v1;
	v1 =	vadd.f32 v59, v58  }
0xb5: {  	v57 =	vld [tilespmem:$0x2FC0];
	[tilespmem:$0x2F10] =	vst v3;
	v3 =	vadd.f32 v61, v60  }
0xb6: {  	v58 =	vld [tilespmem:$0x2D40];
	[tilespmem:$0x2F20] =	vst v1;
	v1 =	vadd.f32 v63, v62  }
0xb7: {  	v59 =	vld [tilespmem:$0x2FD0];
	[tilespmem:$0x2F30] =	vst v3;
	v3 =	vadd.f32 v30, v28  }
0xb8: {  	v60 =	vld [tilespmem:$0x2D50];
	[tilespmem:$0x2F40] =	vst v1;
	v1 =	vadd.f32 v47, v46  }
0xb9: {  	v61 =	vld [tilespmem:$0x2FE0];
	[tilespmem:$0x2F50] =	vst v3;
	v3 =	vadd.f32 v49, v48  }
0xba: {  	v2 =	vadd.f32 v2, v52;
	v63 =	vld [tilespmem:$0x2D70];
	[tilespmem:$0x2F60] =	vst v1  }
0xbb: {  	v1 =	vadd.f32 v51, v50;
	[tilespmem:$0x2F70] =	vst v3;
	v3 =	vld [tilespmem:$0x2FF0]  }
0xbc: {  	v62 =	vld [tilespmem:$0x2D60];
	[tilespmem:$0x2F90] =	vst v2;
	v2 =	vadd.f32 v56, v55  }
0xbd: {  	[tilespmem:$0x2F80] =	vst v1;
	v1 =	vadd.f32 v54, v53  }
0xbe: {  	p0 =	sne.s32 s24, $0x96000;
	[tilespmem:$0x2FB0] =	vst v2;
	v2 =	vadd.f32 v60, v59  }
.Ltmp1:
0xbf: {  	[tilespmem:$0x2FA0] =	vst v1;
	v1 =	vadd.f32 v58, v57;
	(pc) =	sbr.rel @p0 .LBB2_4-.Ltmp1, $4  }
0xc0: {  	[tilespmem:$0x2FD0] =	vst v2;
	v2 =	vadd.f32 v63, v3  }
0xc1: {  	[tilespmem:$0x2FC0] =	vst v1;
	v1 =	vadd.f32 v62, v61  }
0xc2: {  	[tilespmem:$0x2FF0] =	vst v2  }
0xc3: {  	s24 =	sadd.s32 $0xA000, s24;
	[tilespmem:$0x2FE0] =	vst v1  }
0xc4: {  	s23 =	sadd.s32 $0x1, s23  }
0xc5: {  	p0 =	sne.s32 s23, s10  }
.Ltmp2:
0xc6: {  	_ = 	snop;
	(pc) =	sbr.rel @p0 .LBB2_1-.Ltmp2, $4  }
0xc7: {  	[hbm4b:s9+s2] =	stream.linear.scatter [tilespmem:s21], [sflag:$0x4], $0x280, $0x38;
	[tilespmem:$0x5800] =	vst v63  }
0xc8: {  	_ =	swait.ge [sflag:s15], $0x280  }
0xc9: {  	[sflag:s15] =	ssyncset.done $0x0  }
0xca: {  	[sflag:s15] =	ssyncadd.s32 $0xFFFFFD80  }
0xcb: {  	_ =	sfence.sel $0x180000  }
0xcc: {  	[bflag:$0x0] =	sbarrier.arrive $0xFFFF  }
0xcd: {  	p0 =	sne.s32 s1, $0x0;
	_ =	strace $0x90000047  }
0xce: {  	s0 =	sadd.s32 @!p0 $0x100000, s0;
	[bflag:$0x2] =	sbarrier.arrive $0xFFFF  }
0xcf: {  	[sflag:s0] =	ssyncadd.tile.s32 @!p0 $0x1;
	_ =	shalt  }
.Lfunc_end2:
_tile_overlayer_lowered:
.L_overlay_start_2:
0xd0: {  	(tag) =	ssettag $0x2  }
0xd1: {  	s0 =	rddreg [dreg:$0x0];
	s2 =	stileid.u32  }
0xd2: {  	s1 =	rddreg [dreg:$0x1];
	p0 =	sne.s32 s2, $0x0  }
0xd3: {  	s3 =	rddreg [dreg:$0x2];
	[bflag:$0x3] =	sbarrier.arrive $0xFFFF;
	s2 =	simm.s32 @!p0 $0x1C04  }
0xd4: {  	[timem:s3], [sflag:s2] =	dma.local @!p0 [hbm:s0], s1  }
0xd5: {  	s0 =	simm.s32 @!p0 $0x4  }
0xd6: {  	_ =	swait.ge @!p0 [sflag:s0], s1  }
0xd7: {  	s1 =	ssub.s32 @!p0 $0x0, s1;
	[sflag:s0] =	ssyncset.done @!p0 $0x0  }
0xd8: {  	[sflag:s0] =	ssyncadd.s32 @!p0 s1  }
0xd9: {  	[bflag:$0x3] =	sbarrier.arrive $0xFFFF  }
0xda: {  	_ =	shalt  }

</sc_bundles>
